<compile_context>
chip_gen: v7x
topology: tpu7x:2x2x1
jax: 0.10.2.dev20260603
libtpu: 0.0.44.dev20260713+nightly
codegen_flags: <defaults>
</compile_context>

<pallas_src>
import jax
import jax.numpy as jnp
from jax import lax
from jax.experimental import pallas as pl
from jax.experimental.pallas import tpu as pltpu
from jax.experimental.pallas import tpu_sc as plsc

C = 21
FG = C - 1
N = 20000
TOP_K = 200
NMS_T = 0.45
CONF_T = 0.01
VAR0, VAR1 = 0.1, 0.2
NEG = -1e9
FAR = 1e30
L = 16
U = 4
W = U * L
NP = 20480
NC = 2
ROWW = 16
CAP = 1024
TGTLO = 512
LO_BITS = 0x3C23D70A
HI_BITS = 0x40000000


def _prep_body(conf_ref, loc_ref, pri_ref, scores_ref, boxes_ref):
    conf = conf_ref[...]
    m = jnp.max(conf, axis=0, keepdims=True)
    e = jnp.exp(conf - m)
    p = e / jnp.sum(e, axis=0, keepdims=True)
    fg = p[1:, :]
    spad = jnp.full((FG, NP - N), NEG, jnp.float32)
    scores_ref[...] = jnp.concatenate(
        [jnp.where(fg > CONF_T, fg, NEG), spad], axis=1)

    lxy = loc_ref[0:2, :]
    lwh = loc_ref[2:4, :]
    pxy = pri_ref[0:2, :]
    pwh = pri_ref[2:4, :]
    xy = pxy + lxy * VAR0 * pwh
    wh = pwh * jnp.exp(lwh * VAR1)
    tl = xy - wh / 2.0
    br = tl + wh
    bpad = jnp.full((4, NP - N), FAR, jnp.float32)
    boxes_ref[...] = jnp.concatenate(
        [jnp.concatenate([tl, br], axis=0), bpad], axis=1)


def _prep(conf_t, loc_t, pri_t):
    return pl.pallas_call(
        _prep_body,
        out_shape=[
            jax.ShapeDtypeStruct((FG, NP), jnp.float32),
            jax.ShapeDtypeStruct((4, NP), jnp.float32),
        ],
    )(conf_t, loc_t, pri_t)


def _nms_body(scores_hbm, boxes_hbm, out_hbm,
              s_v, idx_v, c_s, c_idx, x1_v, y1_v, x2_v, y2_v, row_v):
    cid = lax.axis_index("c")
    sid = lax.axis_index("s")
    wid = sid * NC + cid

    def sweep(sref, iref, nr, bx1, by1, bx2, by2, bar):
        def chunk(base, carry):
            mx, mi, nm, bx1, by1, bx2, by2, bar = carry
            s = sref[pl.ds(base, L)]
            idxs = iref[pl.ds(base, L)]
            x1 = plsc.load_gather(x1_v, [idxs])
            y1 = plsc.load_gather(y1_v, [idxs])
            x2 = plsc.load_gather(x2_v, [idxs])
            y2 = plsc.load_gather(y2_v, [idxs])
            ar = (x2 - x1) * (y2 - y1)
            ix1 = jnp.maximum(x1, bx1)
            iy1 = jnp.maximum(y1, by1)
            ix2 = jnp.minimum(x2, bx2)
            iy2 = jnp.minimum(y2, by2)
            iw = jnp.maximum(ix2 - ix1, 0.0)
            ih = jnp.maximum(iy2 - iy1, 0.0)
            inter = iw * ih
            denom = ((bar + ar) - inter) + 1e-9
            iou = inter / denom
            kill = iou > NMS_T
            s2 = jnp.where(kill, jnp.full((L,), NEG, jnp.float32), s)
            keep = s2 > 0.0
            incl = plsc.cumsum(keep.astype(jnp.int32))
            dest = nm + incl
            plsc.store_scatter(sref, [dest], s2, mask=keep)
            plsc.store_scatter(iref, [dest], idxs, mask=keep)
            nm2 = nm + plsc.all_reduce_population_count(keep)
            mx2 = jnp.maximum(mx, s2)
            upd = mx2 > mx
            mi2 = jnp.where(upd, idxs, mi)
            return (mx2, mi2, nm2, bx1, by1, bx2, by2, bar)

        m0 = jnp.full((L,), -3.0e38, jnp.float32)
        i0 = jnp.zeros((L,), jnp.int32)
        nm0 = jnp.full((L,), -1, jnp.int32)
        res = plsc.parallel_loop(
            0, nr, L, unroll=U,
            carry=(m0, i0, nm0, bx1, by1, bx2, by2, bar))(chunk)
        mx, mi, nmf = res[0], res[1], res[2]
        lane = lax.iota(jnp.int32, L)
        negv = jnp.full((L,), NEG, jnp.float32)
        for u in range(U):
            plsc.store_scatter(sref, [nmf + (1 + u * L) + lane], negv)
        n = jnp.max(nmf) + 1
        nr2 = ((n + (W - 1)) >> 6) << 6
        return mx, mi, n, nr2

    def count_above(nrr, tbits):
        tv = plsc.bitcast(jnp.broadcast_to(tbits, (L,)), jnp.float32)

        def chunk(base, carry):
            cnt, tv = carry
            s = s_v[pl.ds(base, L)]
            return (cnt + plsc.all_reduce_population_count(s > tv), tv)

        res = plsc.parallel_loop(
            0, nrr, L, unroll=U, carry=(jnp.zeros((L,), jnp.int32), tv))(chunk)
        return jnp.max(res[0])

    @pl.when(wid < FG)
    def _work():
        pltpu.sync_copy(scores_hbm.at[pl.ds(wid * NP, NP)],
                        s_v.at[pl.ds(0, NP)])
        pltpu.sync_copy(boxes_hbm.at[pl.ds(0 * NP, NP)], x1_v)
        pltpu.sync_copy(boxes_hbm.at[pl.ds(1 * NP, NP)], y1_v)
        pltpu.sync_copy(boxes_hbm.at[pl.ds(2 * NP, NP)], x2_v)
        pltpu.sync_copy(boxes_hbm.at[pl.ds(3 * NP, NP)], y2_v)

        def initidx(j, c):
            lane = lax.iota(jnp.int32, L)
            base = j * L
            idx_v[pl.ds(base, L)] = base + lane
            return c
        lax.fori_loop(0, NP // L, initidx, 0)

        far = jnp.full((L,), FAR, jnp.float32)
        zf = jnp.zeros((L,), jnp.float32)
        _, _, nrem0, nremr0 = sweep(s_v, idx_v, NP, far, far, far, far, zf)

        def refill(ops):
            mx, mi, ncr, nrem, nremr, k, gm0 = ops
            del mx, mi, ncr, gm0
            def scond(st):
                lo, hi, cnt = st
                return (cnt > CAP) & (hi - lo > 1)

            def sbody(st):
                lo, hi, cnt = st
                mid = (lo + hi) >> 1
                c = count_above(nremr, mid)
                ok = c >= TGTLO
                return (jnp.where(ok, mid, lo), jnp.where(ok, hi, mid),
                        jnp.where(ok, c, cnt))

            lo, _, _ = lax.while_loop(
                scond, sbody, (jnp.int32(LO_BITS), jnp.int32(HI_BITS), nrem))
            tv = plsc.bitcast(jnp.broadcast_to(lo, (L,)), jnp.float32)

            def split(base, carry):
                cn, rn, tv = carry
                s = s_v[pl.ds(base, L)]
                idxs = idx_v[pl.ds(base, L)]
                alive = s > 0.0
                want = s > tv
                cdest = cn + plsc.cumsum(want.astype(jnp.int32))
                toc = want & (cdest < CAP)
                tor = alive & (~toc)
                rdest = rn + plsc.cumsum(tor.astype(jnp.int32))
                plsc.store_scatter(c_s, [cdest], s, mask=toc)
                plsc.store_scatter(c_idx, [cdest], idxs, mask=toc)
                plsc.store_scatter(s_v, [rdest], s, mask=tor)
                plsc.store_scatter(idx_v, [rdest], idxs, mask=tor)
                cn2 = cn + plsc.all_reduce_population_count(toc)
                rn2 = rn + plsc.all_reduce_population_count(tor)
                return (cn2, rn2, tv)

            nm1 = jnp.full((L,), -1, jnp.int32)
            cnf, rnf, _ = plsc.parallel_loop(
                0, nremr, L, unroll=U, carry=(nm1, nm1, tv))(split)
            lane = lax.iota(jnp.int32, L)
            negv = jnp.full((L,), NEG, jnp.float32)
            zi = jnp.zeros((L,), jnp.int32)
            for u in range(U):
                off = 1 + u * L
                plsc.store_scatter(c_s, [cnf + off + lane], negv)
                plsc.store_scatter(c_idx, [cnf + off + lane], zi)
                plsc.store_scatter(s_v, [rnf + off + lane], negv)
                plsc.store_scatter(idx_v, [rnf + off + lane], zi)
            nc = jnp.max(cnf) + 1
            ncr = ((nc + (W - 1)) >> 6) << 6
            nrem2 = jnp.max(rnf) + 1
            nremr2 = ((nrem2 + (W - 1)) >> 6) << 6

            def filt(j, ncr):
                bx1 = plsc.load_gather(row_v, [jnp.broadcast_to(j * ROWW + 1, (L,))])
                by1 = plsc.load_gather(row_v, [jnp.broadcast_to(j * ROWW + 2, (L,))])
                bx2 = plsc.load_gather(row_v, [jnp.broadcast_to(j * ROWW + 3, (L,))])
                by2 = plsc.load_gather(row_v, [jnp.broadcast_to(j * ROWW + 4, (L,))])
                bar = (bx2 - bx1) * (by2 - by1)

                def fchunk(base, carry):
                    bx1, by1, bx2, by2, bar = carry
                    s = c_s[pl.ds(base, L)]
                    idxs = c_idx[pl.ds(base, L)]
                    x1 = plsc.load_gather(x1_v, [idxs])
                    y1 = plsc.load_gather(y1_v, [idxs])
                    x2 = plsc.load_gather(x2_v, [idxs])
                    y2 = plsc.load_gather(y2_v, [idxs])
                    ar = (x2 - x1) * (y2 - y1)
                    ix1 = jnp.maximum(x1, bx1)
                    iy1 = jnp.maximum(y1, by1)
                    ix2 = jnp.minimum(x2, bx2)
                    iy2 = jnp.minimum(y2, by2)
                    iw = jnp.maximum(ix2 - ix1, 0.0)
                    ih = jnp.maximum(iy2 - iy1, 0.0)
                    inter = iw * ih
                    denom = ((bar + ar) - inter) + 1e-9
                    iou = inter / denom
                    s2 = jnp.where(iou > NMS_T,
                                   jnp.full((L,), NEG, jnp.float32), s)
                    c_s[pl.ds(base, L)] = s2
                    return carry

                plsc.parallel_loop(
                    0, ncr, L, unroll=U,
                    carry=(bx1, by1, bx2, by2, bar))(fchunk)
                return ncr

            ncr = lax.fori_loop(0, k, filt, ncr)

            farv = jnp.full((L,), FAR, jnp.float32)
            mx, mi, _, ncr2 = sweep(c_s, c_idx, ncr, farv, farv, farv, farv,
                                    jnp.zeros((L,), jnp.float32))
            return (mx, mi, jnp.max(mx), ncr2, nrem2, nremr2)

        def no_refill(ops):
            mx, mi, ncr, nrem, nremr, k, gm0 = ops
            del k
            return (mx, mi, gm0, ncr, nrem, nremr)

        def step(k, carry):
            mx, mi, ncr, nrem, nremr = carry
            gm0 = jnp.max(mx)
            need = (gm0 <= CONF_T) & (nrem > 0)
            mx, mi, gm, ncr, nrem, nremr = lax.cond(
                need, refill, no_refill, (mx, mi, ncr, nrem, nremr, k, gm0))

            lane = lax.iota(jnp.int32, L)
            gmv = jnp.broadcast_to(gm, (L,))
            cand = jnp.where(mx == gmv, mi, jnp.int32(2**30))
            idx = jnp.min(cand)
            idxv = jnp.broadcast_to(idx, (L,))
            bx1 = plsc.load_gather(x1_v, [idxv])
            by1 = plsc.load_gather(y1_v, [idxv])
            bx2 = plsc.load_gather(x2_v, [idxv])
            by2 = plsc.load_gather(y2_v, [idxv])
            bar = (bx2 - bx1) * (by2 - by1)
            validv = jnp.where(gmv > CONF_T,
                               jnp.ones((L,), jnp.float32),
                               jnp.zeros((L,), jnp.float32))
            row = ((lane == 0).astype(jnp.float32) * gmv
                   + (lane == 1).astype(jnp.float32) * bx1
                   + (lane == 2).astype(jnp.float32) * by1
                   + (lane == 3).astype(jnp.float32) * bx2
                   + (lane == 4).astype(jnp.float32) * by2) * validv
            row_v[pl.ds(k * ROWW, ROWW)] = row
            mx2, mi2, _, ncr2 = sweep(c_s, c_idx, ncr, bx1, by1, bx2, by2, bar)
            return (mx2, mi2, ncr2, nrem, nremr)

        m0 = jnp.full((L,), -3.0e38, jnp.float32)
        i0 = jnp.zeros((L,), jnp.int32)
        lax.fori_loop(0, TOP_K, step, (m0, i0, jnp.int32(0), nrem0, nremr0))
        pltpu.sync_copy(row_v, out_hbm.at[pl.ds(wid * TOP_K * ROWW, TOP_K * ROWW)])


def _nms(scores, boxes):
    mesh = plsc.VectorSubcoreMesh(core_axis_name="c", subcore_axis_name="s")
    return pl.kernel(
        _nms_body,
        out_type=jax.ShapeDtypeStruct((FG * TOP_K * ROWW,), jnp.float32),
        mesh=mesh,
        compiler_params=pltpu.CompilerParams(needs_layout_passes=False),
        scratch_types=[
            pltpu.VMEM((NP + W,), jnp.float32),
            pltpu.VMEM((NP + W,), jnp.int32),
            pltpu.VMEM((CAP + W,), jnp.float32),
            pltpu.VMEM((CAP + W,), jnp.int32),
            pltpu.VMEM((NP,), jnp.float32),
            pltpu.VMEM((NP,), jnp.float32),
            pltpu.VMEM((NP,), jnp.float32),
            pltpu.VMEM((NP,), jnp.float32),
            pltpu.VMEM((TOP_K * ROWW,), jnp.float32),
        ],
    )(scores, boxes)


def kernel(locations, confidences, prior_boxes):
    conf_t = confidences[0].T
    loc_t = locations[0].T
    pri_t = prior_boxes.T
    scores, boxes = _prep(conf_t, loc_t, pri_t)
    rows = _nms(scores.reshape(-1), boxes.reshape(-1))
    fg = rows.reshape(FG, TOP_K, ROWW)[:, :, :5]
    bg = jnp.zeros((1, TOP_K, 5), jnp.float32)
    return jnp.concatenate([bg, fg], axis=0)[None]

# --- scband reference (transcript-rebuilt; emitter-appended) ---
"""Pipeline reference for scband-ssd-27032524161323 (READ-ONLY COPY).

The authoritative reference and input builder live on the scoring server;
editing this copy changes nothing except your own understanding.
"""

import jax, jax.numpy as jnp
import numpy as np

NUM_CLASSES = 21
NUM_PRIORS = 20000
TOP_K = 200
NMS_THRESH = 0.45
CONF_THRESH = 0.01
VARIANCE = (0.1, 0.2)
NEG = -1e9


def setup_inputs(seed: int = 0) -> dict:
    key = jax.random.key(seed)
    k1, k2, k3 = jax.random.split(key, 3)
    locations = jax.random.normal(k1, (1, NUM_PRIORS, 4), dtype=jnp.float32)
    confidences = jax.random.normal(k2, (1, NUM_PRIORS, NUM_CLASSES), dtype=jnp.float32)
    pb = jax.random.uniform(k3, (NUM_PRIORS, 4), dtype=jnp.float32)
    # priors in (cx, cy, w, h) form: centers in [0,1], sizes in [0.05, 0.5]
    prior_boxes = jnp.concatenate([pb[:, :2], 0.05 + 0.45 * pb[:, 2:]], axis=1)
    return {"locations": locations, "confidences": confidences, "prior_boxes": prior_boxes}


def _decode(loc, priors):
    # SSD decode: loc offsets against (cx,cy,w,h) priors, variance scaling
    xy = priors[:, :2] + loc[:, :2] * VARIANCE[0] * priors[:, 2:]
    wh = priors[:, 2:] * jnp.exp(loc[:, 2:] * VARIANCE[1])
    tl = xy - wh / 2.0
    br = tl + wh
    return jnp.concatenate([tl, br], axis=1)  # [N, 4] corner form


def _iou_one_to_many(b, boxes):
    tl = jnp.maximum(b[:2], boxes[:, :2])
    br = jnp.minimum(b[2:], boxes[:, 2:])
    wh = jnp.clip(br - tl, 0.0, None)
    inter = wh[:, 0] * wh[:, 1]
    area_b = (b[2] - b[0]) * (b[3] - b[1])
    areas = (boxes[:, 2] - boxes[:, 0]) * (boxes[:, 3] - boxes[:, 1])
    return inter / (area_b + areas - inter + 1e-9)


def reference(locations, confidences, prior_boxes):
    conf = jax.nn.softmax(confidences, axis=-1)  # [B, N, C]

    def per_image(loc, cf):
        boxes = _decode(loc, prior_boxes)  # [N, 4]
        cls_scores = cf.T  # [C, N]

        def nms_one_class(scores):
            s0 = jnp.where(scores > CONF_THRESH, scores, NEG)

            def step(s, _):
                i = jnp.argmax(s)
                sc = s[i]
                b = boxes[i]
                iou = _iou_one_to_many(b, boxes)
                s2 = jnp.where(iou > NMS_THRESH, NEG, s)
                s2 = s2.at[i].set(NEG)
                valid = (sc > CONF_THRESH).astype(boxes.dtype)
                row = jnp.concatenate([sc[None], b]) * valid
                return s2, row

            _, rows = jax.lax.scan(step, s0, None, length=TOP_K)
            return rows  # [TOP_K, 5]

        fg = jax.vmap(nms_one_class)(cls_scores[1:])  # skip background class 0
        bg = jnp.zeros((1, TOP_K, 5), dtype=fg.dtype)
        return jnp.concatenate([bg, fg], axis=0)  # [C, TOP_K, 5]

    return jax.vmap(per_image)(locations, conf)  # [B, C, TOP_K, 5]

if __name__ == "__main__":
    import jax
    _d = setup_inputs()
    print(jax.jit(kernel)(*tuple(_d.values())))

</pallas_src>

<mosaic_0001>
#map = affine_map<(d0, d1) -> (0)>
module attributes {stable_mosaic.version = 14 : i64} {
  func.func @_nms_body(%arg0: i32, %arg1: i32, %arg2: memref<409600xf32, #tpu.memory_space<hbm>>, %arg3: memref<81920xf32, #tpu.memory_space<hbm>>, %arg4: memref<64000xf32, #tpu.memory_space<hbm>>, %arg5: memref<20544xf32, #tpu.memory_space<vmem>>, %arg6: memref<20544xi32, #tpu.memory_space<vmem>>, %arg7: memref<1088xf32, #tpu.memory_space<vmem>>, %arg8: memref<1088xi32, #tpu.memory_space<vmem>>, %arg9: memref<20480xf32, #tpu.memory_space<vmem>>, %arg10: memref<20480xf32, #tpu.memory_space<vmem>>, %arg11: memref<20480xf32, #tpu.memory_space<vmem>>, %arg12: memref<20480xf32, #tpu.memory_space<vmem>>, %arg13: memref<3200xf32, #tpu.memory_space<vmem>>) attributes {dimension_semantics = [#tpu.dimension_semantics<core_parallel>, #tpu.dimension_semantics<subcore_parallel>], iteration_bounds = array<i64: 2, 16>, scalar_prefetch = 0 : i64, scratch_operands = 9 : i64, tpu.core_type = #tpu.core_type<sc_vector_subcore>, window_params = [{transform_indices = #map}, {transform_indices = #map}, {transform_indices = #map}]} {
    %mul3A = arith.constant 2 : i32
    %mul3A_0 = arith.muli %arg1, %mul3A : i32
    %add3A = arith.addi %mul3A_0, %arg0 : i32
    %lt3A = arith.constant 20 : i32
    %lt3A_1 = arith.cmpi slt, %add3A, %lt3A : i32
    %convert_element_type3A = arith.extui %lt3A_1 : i1 to i32
    %cond3A = arith.constant 0 : i32
    %cond3A_2 = arith.cmpi ne, %convert_element_type3A, %cond3A : i32
    scf.if %cond3A_2 {
      %mul3A_3 = arith.constant 20480 : i32
      %mul3A_4 = arith.muli %add3A, %mul3A_3 : i32
      "tpu.region"() ({
        %run_scoped3A = tpu.sem_alloc : memref<!tpu.dma_semaphore, #tpu.memory_space<semaphore_mem>>
        %dma_start3A = arith.constant 0 : i32
        %dma_start3A_68 = tpu.memref_slice %arg5[%dma_start3A] : memref<20544xf32, #tpu.memory_space<vmem>> -> memref<20480xf32, #tpu.memory_space<vmem>>
        %dma_start3A_69 = tpu.memref_slice %arg2[%mul3A_4] : memref<409600xf32, #tpu.memory_space<hbm>> -> memref<20480xf32, #tpu.memory_space<hbm>>
        %dma_start3A_70 = arith.constant 0 : i32
        %dma_start3A_71 = tpu.memref_slice %arg5[%dma_start3A_70] : memref<20544xf32, #tpu.memory_space<vmem>> -> memref<20480xf32, #tpu.memory_space<vmem>>
        %dma_start3A_72 = tpu.memref_slice %arg2[%mul3A_4] : memref<409600xf32, #tpu.memory_space<hbm>> -> memref<20480xf32, #tpu.memory_space<hbm>>
        tpu.enqueue_dma source(%dma_start3A_72 : memref<20480xf32, #tpu.memory_space<hbm>>) target(%dma_start3A_71 : memref<20480xf32, #tpu.memory_space<vmem>>) target_semaphore(%run_scoped3A : memref<!tpu.dma_semaphore, #tpu.memory_space<semaphore_mem>>)
        %dma_wait3A = arith.constant 0 : i32
        %dma_wait3A_73 = tpu.memref_slice %arg5[%dma_wait3A] : memref<20544xf32, #tpu.memory_space<vmem>> -> memref<20480xf32, #tpu.memory_space<vmem>>
        %dma_wait3A_74 = tpu.memref_slice %arg2[%mul3A_4] : memref<409600xf32, #tpu.memory_space<hbm>> -> memref<20480xf32, #tpu.memory_space<hbm>>
        %dma_wait3A_75 = arith.constant 0 : i32
        %dma_wait3A_76 = tpu.memref_slice %arg5[%dma_wait3A_75] : memref<20544xf32, #tpu.memory_space<vmem>> -> memref<20480xf32, #tpu.memory_space<vmem>>
        %dma_wait3A_77 = tpu.memref_slice %arg2[%mul3A_4] : memref<409600xf32, #tpu.memory_space<hbm>> -> memref<20480xf32, #tpu.memory_space<hbm>>
        tpu.wait_dma2 semaphore(%run_scoped3A : memref<!tpu.dma_semaphore, #tpu.memory_space<semaphore_mem>>) src(%dma_wait3A_77 : memref<20480xf32, #tpu.memory_space<hbm>>) dst(%dma_wait3A_76 : memref<20480xf32, #tpu.memory_space<vmem>>)
        tpu.yield
      }) : () -> ()
      "tpu.region"() ({
        %run_scoped3A = tpu.sem_alloc : memref<!tpu.dma_semaphore, #tpu.memory_space<semaphore_mem>>
        %dma_start3A = arith.constant 0 : i32
        %dma_start3A_68 = tpu.memref_slice %arg3[%dma_start3A] : memref<81920xf32, #tpu.memory_space<hbm>> -> memref<20480xf32, #tpu.memory_space<hbm>>
        %dma_start3A_69 = arith.constant 0 : i32
        %dma_start3A_70 = tpu.memref_slice %arg3[%dma_start3A_69] : memref<81920xf32, #tpu.memory_space<hbm>> -> memref<20480xf32, #tpu.memory_space<hbm>>
        tpu.enqueue_dma source(%dma_start3A_70 : memref<20480xf32, #tpu.memory_space<hbm>>) target(%arg9 : memref<20480xf32, #tpu.memory_space<vmem>>) target_semaphore(%run_scoped3A : memref<!tpu.dma_semaphore, #tpu.memory_space<semaphore_mem>>)
        %dma_wait3A = arith.constant 0 : i32
        %dma_wait3A_71 = tpu.memref_slice %arg3[%dma_wait3A] : memref<81920xf32, #tpu.memory_space<hbm>> -> memref<20480xf32, #tpu.memory_space<hbm>>
        %dma_wait3A_72 = arith.constant 0 : i32
        %dma_wait3A_73 = tpu.memref_slice %arg3[%dma_wait3A_72] : memref<81920xf32, #tpu.memory_space<hbm>> -> memref<20480xf32, #tpu.memory_space<hbm>>
        tpu.wait_dma2 semaphore(%run_scoped3A : memref<!tpu.dma_semaphore, #tpu.memory_space<semaphore_mem>>) src(%dma_wait3A_73 : memref<20480xf32, #tpu.memory_space<hbm>>) dst(%arg9 : memref<20480xf32, #tpu.memory_space<vmem>>)
        tpu.yield
      }) : () -> ()
      "tpu.region"() ({
        %run_scoped3A = tpu.sem_alloc : memref<!tpu.dma_semaphore, #tpu.memory_space<semaphore_mem>>
        %dma_start3A = arith.constant 20480 : i32
        %dma_start3A_68 = tpu.memref_slice %arg3[%dma_start3A] : memref<81920xf32, #tpu.memory_space<hbm>> -> memref<20480xf32, #tpu.memory_space<hbm>>
        %dma_start3A_69 = arith.constant 20480 : i32
        %dma_start3A_70 = tpu.memref_slice %arg3[%dma_start3A_69] : memref<81920xf32, #tpu.memory_space<hbm>> -> memref<20480xf32, #tpu.memory_space<hbm>>
        tpu.enqueue_dma source(%dma_start3A_70 : memref<20480xf32, #tpu.memory_space<hbm>>) target(%arg10 : memref<20480xf32, #tpu.memory_space<vmem>>) target_semaphore(%run_scoped3A : memref<!tpu.dma_semaphore, #tpu.memory_space<semaphore_mem>>)
        %dma_wait3A = arith.constant 20480 : i32
        %dma_wait3A_71 = tpu.memref_slice %arg3[%dma_wait3A] : memref<81920xf32, #tpu.memory_space<hbm>> -> memref<20480xf32, #tpu.memory_space<hbm>>
        %dma_wait3A_72 = arith.constant 20480 : i32
        %dma_wait3A_73 = tpu.memref_slice %arg3[%dma_wait3A_72] : memref<81920xf32, #tpu.memory_space<hbm>> -> memref<20480xf32, #tpu.memory_space<hbm>>
        tpu.wait_dma2 semaphore(%run_scoped3A : memref<!tpu.dma_semaphore, #tpu.memory_space<semaphore_mem>>) src(%dma_wait3A_73 : memref<20480xf32, #tpu.memory_space<hbm>>) dst(%arg10 : memref<20480xf32, #tpu.memory_space<vmem>>)
        tpu.yield
      }) : () -> ()
      "tpu.region"() ({
        %run_scoped3A = tpu.sem_alloc : memref<!tpu.dma_semaphore, #tpu.memory_space<semaphore_mem>>
        %dma_start3A = arith.constant 40960 : i32
        %dma_start3A_68 = tpu.memref_slice %arg3[%dma_start3A] : memref<81920xf32, #tpu.memory_space<hbm>> -> memref<20480xf32, #tpu.memory_space<hbm>>
        %dma_start3A_69 = arith.constant 40960 : i32
        %dma_start3A_70 = tpu.memref_slice %arg3[%dma_start3A_69] : memref<81920xf32, #tpu.memory_space<hbm>> -> memref<20480xf32, #tpu.memory_space<hbm>>
        tpu.enqueue_dma source(%dma_start3A_70 : memref<20480xf32, #tpu.memory_space<hbm>>) target(%arg11 : memref<20480xf32, #tpu.memory_space<vmem>>) target_semaphore(%run_scoped3A : memref<!tpu.dma_semaphore, #tpu.memory_space<semaphore_mem>>)
        %dma_wait3A = arith.constant 40960 : i32
        %dma_wait3A_71 = tpu.memref_slice %arg3[%dma_wait3A] : memref<81920xf32, #tpu.memory_space<hbm>> -> memref<20480xf32, #tpu.memory_space<hbm>>
        %dma_wait3A_72 = arith.constant 40960 : i32
        %dma_wait3A_73 = tpu.memref_slice %arg3[%dma_wait3A_72] : memref<81920xf32, #tpu.memory_space<hbm>> -> memref<20480xf32, #tpu.memory_space<hbm>>
        tpu.wait_dma2 semaphore(%run_scoped3A : memref<!tpu.dma_semaphore, #tpu.memory_space<semaphore_mem>>) src(%dma_wait3A_73 : memref<20480xf32, #tpu.memory_space<hbm>>) dst(%arg11 : memref<20480xf32, #tpu.memory_space<vmem>>)
        tpu.yield
      }) : () -> ()
      "tpu.region"() ({
        %run_scoped3A = tpu.sem_alloc : memref<!tpu.dma_semaphore, #tpu.memory_space<semaphore_mem>>
        %dma_start3A = arith.constant 61440 : i32
        %dma_start3A_68 = tpu.memref_slice %arg3[%dma_start3A] : memref<81920xf32, #tpu.memory_space<hbm>> -> memref<20480xf32, #tpu.memory_space<hbm>>
        %dma_start3A_69 = arith.constant 61440 : i32
        %dma_start3A_70 = tpu.memref_slice %arg3[%dma_start3A_69] : memref<81920xf32, #tpu.memory_space<hbm>> -> memref<20480xf32, #tpu.memory_space<hbm>>
        tpu.enqueue_dma source(%dma_start3A_70 : memref<20480xf32, #tpu.memory_space<hbm>>) target(%arg12 : memref<20480xf32, #tpu.memory_space<vmem>>) target_semaphore(%run_scoped3A : memref<!tpu.dma_semaphore, #tpu.memory_space<semaphore_mem>>)
        %dma_wait3A = arith.constant 61440 : i32
        %dma_wait3A_71 = tpu.memref_slice %arg3[%dma_wait3A] : memref<81920xf32, #tpu.memory_space<hbm>> -> memref<20480xf32, #tpu.memory_space<hbm>>
        %dma_wait3A_72 = arith.constant 61440 : i32
        %dma_wait3A_73 = tpu.memref_slice %arg3[%dma_wait3A_72] : memref<81920xf32, #tpu.memory_space<hbm>> -> memref<20480xf32, #tpu.memory_space<hbm>>
        tpu.wait_dma2 semaphore(%run_scoped3A : memref<!tpu.dma_semaphore, #tpu.memory_space<semaphore_mem>>) src(%dma_wait3A_73 : memref<20480xf32, #tpu.memory_space<hbm>>) dst(%arg12 : memref<20480xf32, #tpu.memory_space<vmem>>)
        tpu.yield
      }) : () -> ()
      %scan3A = arith.constant 0 : i32
      %scan3A_5 = arith.constant 0 : i32
      %scan3A_6 = arith.constant 1280 : i32
      %scan3A_7 = arith.addi %scan3A_5, %scan3A_6 : i32
      %scan3A_8 = arith.constant 1 : i32
      scf.for %scan3A_68 = %scan3A_5 to %scan3A_7 step %scan3A_8  : i32 {
        %iota3A_69 = tpu.iota {dimensions = array<i32: 0>} : vector<16xi32>
        %mul3A_70 = arith.constant 16 : i32
        %mul3A_71 = arith.muli %scan3A_68, %mul3A_70 : i32
        %add3A_72 = vector.broadcast %mul3A_71 : i32 to vector<16xi32>
        %add3A_73 = arith.addi %add3A_72, %iota3A_69 : vector<16xi32>
        %swap3A = arith.index_cast %mul3A_71 : i32 to index
        %swap3A_74 = tpu.vector_load %arg6[%swap3A] {strides = array<i32>} : memref<20544xi32, #tpu.memory_space<vmem>>, vector<16xi32>,
        tpu.vector_store %arg6[%swap3A], %add3A_73 {strides = array<i32>} : memref<20544xi32, #tpu.memory_space<vmem>>, vector<16xi32>,
      }
      %scan3A_9 = arith.constant 1280 : i32
      %broadcast_in_dim3A = arith.constant 1.000000e+30 : f32
      %broadcast_in_dim3A_10 = vector.broadcast %broadcast_in_dim3A : f32 to vector<16xf32>
      %broadcast_in_dim3A_11 = arith.constant 0.000000e+00 : f32
      %broadcast_in_dim3A_12 = vector.broadcast %broadcast_in_dim3A_11 : f32 to vector<16xf32>
      %broadcast_in_dim3A_13 = arith.constant -3.000000e+38 : f32
      %broadcast_in_dim3A_14 = vector.broadcast %broadcast_in_dim3A_13 : f32 to vector<16xf32>
      %broadcast_in_dim3A_15 = arith.constant 0 : i32
      %broadcast_in_dim3A_16 = vector.broadcast %broadcast_in_dim3A_15 : i32 to vector<16xi32>
      %broadcast_in_dim3A_17 = arith.constant -1 : i32
      %broadcast_in_dim3A_18 = vector.broadcast %broadcast_in_dim3A_17 : i32 to vector<16xi32>
      %parallel_loop3A = arith.constant 0 : i32
      %parallel_loop3A_19 = arith.constant 20480 : i32
      %parallel_loop3A_20 = arith.constant 16 : i32
      %parallel_loop3A_21:8 = scf.for %parallel_loop3A_68 = %parallel_loop3A to %parallel_loop3A_19 step %parallel_loop3A_20 iter_args(%parallel_loop3A_69 = %broadcast_in_dim3A_14, %parallel_loop3A_70 = %broadcast_in_dim3A_16, %parallel_loop3A_71 = %broadcast_in_dim3A_18, %parallel_loop3A_72 = %broadcast_in_dim3A_10, %parallel_loop3A_73 = %broadcast_in_dim3A_10, %parallel_loop3A_74 = %broadcast_in_dim3A_10, %parallel_loop3A_75 = %broadcast_in_dim3A_10, %parallel_loop3A_76 = %broadcast_in_dim3A_12) -> (vector<16xf32>, vector<16xi32>, vector<16xi32>, vector<16xf32>, vector<16xf32>, vector<16xf32>, vector<16xf32>, vector<16xf32>)  : i32 {
        %parallel_loop3A_77 = arith.index_cast %parallel_loop3A_68 : i32 to index
        %parallel_loop3A_78 = tpu.vector_load %arg5[%parallel_loop3A_77] {strides = array<i32>} : memref<20544xf32, #tpu.memory_space<vmem>>, vector<16xf32>,
        %parallel_loop3A_79 = arith.index_cast %parallel_loop3A_68 : i32 to index
        %parallel_loop3A_80 = tpu.vector_load %arg6[%parallel_loop3A_79] {strides = array<i32>} : memref<20544xi32, #tpu.memory_space<vmem>>, vector<16xi32>,
        %parallel_loop3A_81 = tpu.vector_load_idx %arg9[%parallel_loop3A_80] : memref<20480xf32, #tpu.memory_space<vmem>>[vector<16xi32>], vector<16xf32>,
        %parallel_loop3A_82 = tpu.vector_load_idx %arg10[%parallel_loop3A_80] : memref<20480xf32, #tpu.memory_space<vmem>>[vector<16xi32>], vector<16xf32>,
        %parallel_loop3A_83 = tpu.vector_load_idx %arg11[%parallel_loop3A_80] : memref<20480xf32, #tpu.memory_space<vmem>>[vector<16xi32>], vector<16xf32>,
        %parallel_loop3A_84 = tpu.vector_load_idx %arg12[%parallel_loop3A_80] : memref<20480xf32, #tpu.memory_space<vmem>>[vector<16xi32>], vector<16xf32>,
        %parallel_loop3A_85 = arith.subf %parallel_loop3A_83, %parallel_loop3A_81 : vector<16xf32>
        %parallel_loop3A_86 = arith.subf %parallel_loop3A_84, %parallel_loop3A_82 : vector<16xf32>
        %parallel_loop3A_87 = arith.mulf %parallel_loop3A_85, %parallel_loop3A_86 : vector<16xf32>
        %parallel_loop3A_88 = arith.maximumf %parallel_loop3A_81, %parallel_loop3A_72 : vector<16xf32>
        %parallel_loop3A_89 = arith.maximumf %parallel_loop3A_82, %parallel_loop3A_73 : vector<16xf32>
        %parallel_loop3A_90 = arith.minimumf %parallel_loop3A_83, %parallel_loop3A_74 : vector<16xf32>
        %parallel_loop3A_91 = arith.minimumf %parallel_loop3A_84, %parallel_loop3A_75 : vector<16xf32>
        %parallel_loop3A_92 = arith.subf %parallel_loop3A_90, %parallel_loop3A_88 : vector<16xf32>
        %parallel_loop3A_93 = arith.constant 0.000000e+00 : f32
        %parallel_loop3A_94 = vector.broadcast %parallel_loop3A_93 : f32 to vector<16xf32>
        %parallel_loop3A_95 = arith.maximumf %parallel_loop3A_92, %parallel_loop3A_94 : vector<16xf32>
        %parallel_loop3A_96 = arith.subf %parallel_loop3A_91, %parallel_loop3A_89 : vector<16xf32>
        %parallel_loop3A_97 = arith.constant 0.000000e+00 : f32
        %parallel_loop3A_98 = vector.broadcast %parallel_loop3A_97 : f32 to vector<16xf32>
        %parallel_loop3A_99 = arith.maximumf %parallel_loop3A_96, %parallel_loop3A_98 : vector<16xf32>
        %parallel_loop3A_100 = arith.mulf %parallel_loop3A_95, %parallel_loop3A_99 : vector<16xf32>
        %parallel_loop3A_101 = arith.addf %parallel_loop3A_76, %parallel_loop3A_87 : vector<16xf32>
        %parallel_loop3A_102 = arith.subf %parallel_loop3A_101, %parallel_loop3A_100 : vector<16xf32>
        %parallel_loop3A_103 = arith.constant 9.99999971E-10 : f32
        %parallel_loop3A_104 = vector.broadcast %parallel_loop3A_103 : f32 to vector<16xf32>
        %parallel_loop3A_105 = arith.addf %parallel_loop3A_102, %parallel_loop3A_104 : vector<16xf32>
        %parallel_loop3A_106 = arith.divf %parallel_loop3A_100, %parallel_loop3A_105 : vector<16xf32>
        %parallel_loop3A_107 = arith.constant 4.500000e-01 : f32
        %parallel_loop3A_108 = vector.broadcast %parallel_loop3A_107 : f32 to vector<16xf32>
        %parallel_loop3A_109 = arith.cmpf ogt, %parallel_loop3A_106, %parallel_loop3A_108 : vector<16xf32>
        %parallel_loop3A_110 = arith.constant -1.000000e+09 : f32
        %parallel_loop3A_111 = vector.broadcast %parallel_loop3A_110 : f32 to vector<16xf32>
        %parallel_loop3A_112 = arith.select %parallel_loop3A_109, %parallel_loop3A_111, %parallel_loop3A_78 : vector<16xi1>, vector<16xf32>
        %parallel_loop3A_113 = arith.constant 0.000000e+00 : f32
        %parallel_loop3A_114 = vector.broadcast %parallel_loop3A_113 : f32 to vector<16xf32>
        %parallel_loop3A_115 = arith.cmpf ogt, %parallel_loop3A_112, %parallel_loop3A_114 : vector<16xf32>
        %parallel_loop3A_116 = arith.extui %parallel_loop3A_115 : vector<16xi1> to vector<16xi32>
        %parallel_loop3A_117 = arith.constant true
        %parallel_loop3A_118 = vector.broadcast %parallel_loop3A_117 : i1 to vector<16xi1>
        %parallel_loop3A_119 = tpu.scan <sum>, %parallel_loop3A_116 masked %parallel_loop3A_118 : vector<16xi32>, vector<16xi1> -> vector<16xi32>
        %parallel_loop3A_120 = arith.addi %parallel_loop3A_71, %parallel_loop3A_119 : vector<16xi32>
        tpu.vector_store_idx %arg5[%parallel_loop3A_120], %parallel_loop3A_112 masked %parallel_loop3A_115 : memref<20544xf32, #tpu.memory_space<vmem>>[vector<16xi32>], vector<16xf32>, vector<16xi1>
        tpu.vector_store_idx %arg6[%parallel_loop3A_120], %parallel_loop3A_80 masked %parallel_loop3A_115 : memref<20544xi32, #tpu.memory_space<vmem>>[vector<16xi32>], vector<16xi32>, vector<16xi1>
        %parallel_loop3A_121 = tpu.all_reduce %parallel_loop3A_115 {dim = 0 : i64, kind = #tpu.reduction_kind<sum>} : vector<16xi1> -> vector<16xi32>
        %parallel_loop3A_122 = arith.addi %parallel_loop3A_71, %parallel_loop3A_121 : vector<16xi32>
        %parallel_loop3A_123 = arith.maximumf %parallel_loop3A_69, %parallel_loop3A_112 : vector<16xf32>
        %parallel_loop3A_124 = arith.cmpf ogt, %parallel_loop3A_123, %parallel_loop3A_69 : vector<16xf32>
        %parallel_loop3A_125 = arith.select %parallel_loop3A_124, %parallel_loop3A_80, %parallel_loop3A_70 : vector<16xi1>, vector<16xi32>
        scf.yield %parallel_loop3A_123, %parallel_loop3A_125, %parallel_loop3A_122, %parallel_loop3A_72, %parallel_loop3A_73, %parallel_loop3A_74, %parallel_loop3A_75, %parallel_loop3A_76 : vector<16xf32>, vector<16xi32>, vector<16xi32>, vector<16xf32>, vector<16xf32>, vector<16xf32>, vector<16xf32>, vector<16xf32>
      } {sc.loop_unroll_factor = 4 : i64, sc.parallel_access}
      %iota3A = tpu.iota {dimensions = array<i32: 0>} : vector<16xi32>
      %broadcast_in_dim3A_22 = arith.constant -1.000000e+09 : f32
      %broadcast_in_dim3A_23 = vector.broadcast %broadcast_in_dim3A_22 : f32 to vector<16xf32>
      %add3A_24 = arith.constant 1 : i32
      %add3A_25 = vector.broadcast %add3A_24 : i32 to vector<16xi32>
      %add3A_26 = arith.addi %parallel_loop3A_21#2, %add3A_25 : vector<16xi32>
      %add3A_27 = arith.addi %add3A_26, %iota3A : vector<16xi32>
      tpu.vector_store_idx %arg5[%add3A_27], %broadcast_in_dim3A_23 : memref<20544xf32, #tpu.memory_space<vmem>>[vector<16xi32>], vector<16xf32>,
      %add3A_28 = arith.constant 17 : i32
      %add3A_29 = vector.broadcast %add3A_28 : i32 to vector<16xi32>
      %add3A_30 = arith.addi %parallel_loop3A_21#2, %add3A_29 : vector<16xi32>
      %add3A_31 = arith.addi %add3A_30, %iota3A : vector<16xi32>
      tpu.vector_store_idx %arg5[%add3A_31], %broadcast_in_dim3A_23 : memref<20544xf32, #tpu.memory_space<vmem>>[vector<16xi32>], vector<16xf32>,
      %add3A_32 = arith.constant 33 : i32
      %add3A_33 = vector.broadcast %add3A_32 : i32 to vector<16xi32>
      %add3A_34 = arith.addi %parallel_loop3A_21#2, %add3A_33 : vector<16xi32>
      %add3A_35 = arith.addi %add3A_34, %iota3A : vector<16xi32>
      tpu.vector_store_idx %arg5[%add3A_35], %broadcast_in_dim3A_23 : memref<20544xf32, #tpu.memory_space<vmem>>[vector<16xi32>], vector<16xf32>,
      %add3A_36 = arith.constant 49 : i32
      %add3A_37 = vector.broadcast %add3A_36 : i32 to vector<16xi32>
      %add3A_38 = arith.addi %parallel_loop3A_21#2, %add3A_37 : vector<16xi32>
      %add3A_39 = arith.addi %add3A_38, %iota3A : vector<16xi32>
      tpu.vector_store_idx %arg5[%add3A_39], %broadcast_in_dim3A_23 : memref<20544xf32, #tpu.memory_space<vmem>>[vector<16xi32>], vector<16xf32>,
      %reduce_max3A = arith.constant true
      %reduce_max3A_40 = vector.broadcast %reduce_max3A : i1 to vector<16xi1>
      %reduce_max3A_41 = arith.constant -2147483648 : i32
      %reduce_max3A_42 = vector.broadcast %reduce_max3A_41 : i32 to vector<16xi32>
      %reduce_max3A_43 = arith.xori %parallel_loop3A_21#2, %reduce_max3A_42 : vector<16xi32>
      %reduce_max3A_44 = tpu.scan <max>, %reduce_max3A_43 masked %reduce_max3A_40 : vector<16xi32>, vector<16xi1> -> vector<16xi32>
      %reduce_max3A_45 = arith.xori %reduce_max3A_44, %reduce_max3A_42 : vector<16xi32>
      %reduce_max3A_46 = vector.extract %reduce_max3A_45[15] : i32 from vector<16xi32>
      %add3A_47 = arith.constant 1 : i32
      %add3A_48 = arith.addi %reduce_max3A_46, %add3A_47 : i32
      %add3A_49 = arith.constant 63 : i32
      %add3A_50 = arith.addi %add3A_48, %add3A_49 : i32
      %shift_right_arithmetic3A = arith.constant 6 : i32
      %shift_right_arithmetic3A_51 = arith.shrsi %add3A_50, %shift_right_arithmetic3A : i32
      %shift_left3A = arith.constant 6 : i32
      %shift_left3A_52 = arith.shli %shift_right_arithmetic3A_51, %shift_left3A : i32
      %broadcast_in_dim3A_53 = arith.constant -3.000000e+38 : f32
      %broadcast_in_dim3A_54 = vector.broadcast %broadcast_in_dim3A_53 : f32 to vector<16xf32>
      %broadcast_in_dim3A_55 = arith.constant 0 : i32
      %broadcast_in_dim3A_56 = vector.broadcast %broadcast_in_dim3A_55 : i32 to vector<16xi32>
      %scan3A_57 = arith.constant 0 : i32
      %scan3A_58 = arith.constant 0 : i32
      %scan3A_59 = arith.constant 200 : i32
      %scan3A_60 = arith.addi %scan3A_58, %scan3A_59 : i32
      %scan3A_61 = arith.constant 1 : i32
      %scan3A_62:5 = scf.for %scan3A_68 = %scan3A_58 to %scan3A_60 step %scan3A_61 iter_args(%scan3A_69 = %broadcast_in_dim3A_54, %scan3A_70 = %broadcast_in_dim3A_56, %scan3A_71 = %scan3A_57, %scan3A_72 = %add3A_48, %scan3A_73 = %shift_left3A_52) -> (vector<16xf32>, vector<16xi32>, i32, i32, i32)  : i32 {
        %reduce_max3A_74 = arith.constant true
        %reduce_max3A_75 = vector.broadcast %reduce_max3A_74 : i1 to vector<16xi1>
        %reduce_max3A_76 = tpu.scan <max>, %scan3A_69 masked %reduce_max3A_75 : vector<16xf32>, vector<16xi1> -> vector<16xf32>
        %reduce_max3A_77 = vector.extract %reduce_max3A_76[15] : f32 from vector<16xf32>
        %le3A = arith.constant 0.00999999977 : f32
        %le3A_78 = arith.cmpf ole, %reduce_max3A_77, %le3A : f32
        %gt3A = arith.constant 0 : i32
        %gt3A_79 = arith.cmpi sgt, %scan3A_72, %gt3A : i32
        %and3A = arith.andi %le3A_78, %gt3A_79 : i1
        %convert_element_type3A_80 = arith.extui %and3A : i1 to i32
        %cond3A_81 = arith.constant 0 : i32
        %cond3A_82 = arith.cmpi ne, %convert_element_type3A_80, %cond3A_81 : i32
        %cond3A_83:6 = scf.if %cond3A_82 -> (vector<16xf32>, vector<16xi32>, f32, i32, i32, i32) {
          %while3A = arith.constant 1008981770 : i32
          %while3A_190 = arith.constant 1073741824 : i32
          %while3A_191:3 = scf.while (%while3A_360 = %while3A, %while3A_361 = %while3A_190, %while3A_362 = %scan3A_72) : (i32, i32, i32) -> (i32, i32, i32) {
            %gt3A_363 = arith.constant 1024 : i32
            %gt3A_364 = arith.cmpi sgt, %while3A_362, %gt3A_363 : i32
            %sub3A_365 = arith.subi %while3A_361, %while3A_360 : i32
            %gt3A_366 = arith.constant 1 : i32
            %gt3A_367 = arith.cmpi sgt, %sub3A_365, %gt3A_366 : i32
            %and3A_368 = arith.andi %gt3A_364, %gt3A_367 : i1
            scf.condition(%and3A_368) %while3A_360, %while3A_361, %while3A_362 : i32, i32, i32
          } do {
          ^bb0(%while3A_360: i32, %while3A_361: i32, %while3A_362: i32):
            %add3A_363 = arith.addi %while3A_360, %while3A_361 : i32
            %shift_right_arithmetic3A_364 = arith.constant 1 : i32
            %shift_right_arithmetic3A_365 = arith.shrsi %add3A_363, %shift_right_arithmetic3A_364 : i32
            %broadcast_in_dim3A_366 = vector.broadcast %shift_right_arithmetic3A_365 : i32 to vector<16xi32>
            %bitcast3A_367 = vector.bitcast %broadcast_in_dim3A_366 : vector<16xi32> to vector<16xf32>
            %broadcast_in_dim3A_368 = arith.constant 0 : i32
            %broadcast_in_dim3A_369 = vector.broadcast %broadcast_in_dim3A_368 : i32 to vector<16xi32>
            %parallel_loop3A_370 = arith.constant 0 : i32
            %parallel_loop3A_371 = arith.constant 16 : i32
            %parallel_loop3A_372:2 = scf.for %parallel_loop3A_385 = %parallel_loop3A_370 to %scan3A_73 step %parallel_loop3A_371 iter_args(%parallel_loop3A_386 = %broadcast_in_dim3A_369, %parallel_loop3A_387 = %bitcast3A_367) -> (vector<16xi32>, vector<16xf32>)  : i32 {
              %parallel_loop3A_388 = arith.index_cast %parallel_loop3A_385 : i32 to index
              %parallel_loop3A_389 = tpu.vector_load %arg5[%parallel_loop3A_388] {strides = array<i32>} : memref<20544xf32, #tpu.memory_space<vmem>>, vector<16xf32>,
              %parallel_loop3A_390 = arith.cmpf ogt, %parallel_loop3A_389, %parallel_loop3A_387 : vector<16xf32>
              %parallel_loop3A_391 = tpu.all_reduce %parallel_loop3A_390 {dim = 0 : i64, kind = #tpu.reduction_kind<sum>} : vector<16xi1> -> vector<16xi32>
              %parallel_loop3A_392 = arith.addi %parallel_loop3A_386, %parallel_loop3A_391 : vector<16xi32>
              scf.yield %parallel_loop3A_392, %parallel_loop3A_387 : vector<16xi32>, vector<16xf32>
            } {sc.loop_unroll_factor = 4 : i64, sc.parallel_access}
            %reduce_max3A_373 = arith.constant true
            %reduce_max3A_374 = vector.broadcast %reduce_max3A_373 : i1 to vector<16xi1>
            %reduce_max3A_375 = arith.constant -2147483648 : i32
            %reduce_max3A_376 = vector.broadcast %reduce_max3A_375 : i32 to vector<16xi32>
            %reduce_max3A_377 = arith.xori %parallel_loop3A_372#0, %reduce_max3A_376 : vector<16xi32>
            %reduce_max3A_378 = tpu.scan <max>, %reduce_max3A_377 masked %reduce_max3A_374 : vector<16xi32>, vector<16xi1> -> vector<16xi32>
            %reduce_max3A_379 = arith.xori %reduce_max3A_378, %reduce_max3A_376 : vector<16xi32>
            %reduce_max3A_380 = vector.extract %reduce_max3A_379[15] : i32 from vector<16xi32>
            %ge3A = arith.constant 512 : i32
            %ge3A_381 = arith.cmpi sge, %reduce_max3A_380, %ge3A : i32
            %select_n3A_382 = arith.select %ge3A_381, %shift_right_arithmetic3A_365, %while3A_360 : i32
            %select_n3A_383 = arith.select %ge3A_381, %while3A_361, %shift_right_arithmetic3A_365 : i32
            %select_n3A_384 = arith.select %ge3A_381, %reduce_max3A_380, %while3A_362 : i32
            scf.yield %select_n3A_382, %select_n3A_383, %select_n3A_384 : i32, i32, i32
          }
          %broadcast_in_dim3A_192 = vector.broadcast %while3A_191#0 : i32 to vector<16xi32>
          %bitcast3A = vector.bitcast %broadcast_in_dim3A_192 : vector<16xi32> to vector<16xf32>
          %broadcast_in_dim3A_193 = arith.constant -1 : i32
          %broadcast_in_dim3A_194 = vector.broadcast %broadcast_in_dim3A_193 : i32 to vector<16xi32>
          %parallel_loop3A_195 = arith.constant 0 : i32
          %parallel_loop3A_196 = arith.constant 16 : i32
          %parallel_loop3A_197:3 = scf.for %parallel_loop3A_360 = %parallel_loop3A_195 to %scan3A_73 step %parallel_loop3A_196 iter_args(%parallel_loop3A_361 = %broadcast_in_dim3A_194, %parallel_loop3A_362 = %broadcast_in_dim3A_194, %parallel_loop3A_363 = %bitcast3A) -> (vector<16xi32>, vector<16xi32>, vector<16xf32>)  : i32 {
            %parallel_loop3A_364 = arith.index_cast %parallel_loop3A_360 : i32 to index
            %parallel_loop3A_365 = tpu.vector_load %arg5[%parallel_loop3A_364] {strides = array<i32>} : memref<20544xf32, #tpu.memory_space<vmem>>, vector<16xf32>,
            %parallel_loop3A_366 = arith.index_cast %parallel_loop3A_360 : i32 to index
            %parallel_loop3A_367 = tpu.vector_load %arg6[%parallel_loop3A_366] {strides = array<i32>} : memref<20544xi32, #tpu.memory_space<vmem>>, vector<16xi32>,
            %parallel_loop3A_368 = arith.constant 0.000000e+00 : f32
            %parallel_loop3A_369 = vector.broadcast %parallel_loop3A_368 : f32 to vector<16xf32>
            %parallel_loop3A_370 = arith.cmpf ogt, %parallel_loop3A_365, %parallel_loop3A_369 : vector<16xf32>
            %parallel_loop3A_371 = arith.cmpf ogt, %parallel_loop3A_365, %parallel_loop3A_363 : vector<16xf32>
            %parallel_loop3A_372 = arith.extui %parallel_loop3A_371 : vector<16xi1> to vector<16xi32>
            %parallel_loop3A_373 = arith.constant true
            %parallel_loop3A_374 = vector.broadcast %parallel_loop3A_373 : i1 to vector<16xi1>
            %parallel_loop3A_375 = tpu.scan <sum>, %parallel_loop3A_372 masked %parallel_loop3A_374 : vector<16xi32>, vector<16xi1> -> vector<16xi32>
            %parallel_loop3A_376 = arith.addi %parallel_loop3A_361, %parallel_loop3A_375 : vector<16xi32>
            %parallel_loop3A_377 = arith.constant 1024 : i32
            %parallel_loop3A_378 = vector.broadcast %parallel_loop3A_377 : i32 to vector<16xi32>
            %parallel_loop3A_379 = arith.cmpi slt, %parallel_loop3A_376, %parallel_loop3A_378 : vector<16xi32>
            %parallel_loop3A_380 = arith.andi %parallel_loop3A_371, %parallel_loop3A_379 : vector<16xi1>
            %parallel_loop3A_381 = arith.constant dense<true> : vector<16xi1>
            %parallel_loop3A_382 = arith.xori %parallel_loop3A_380, %parallel_loop3A_381 : vector<16xi1>
            %parallel_loop3A_383 = arith.andi %parallel_loop3A_370, %parallel_loop3A_382 : vector<16xi1>
            %parallel_loop3A_384 = arith.extui %parallel_loop3A_383 : vector<16xi1> to vector<16xi32>
            %parallel_loop3A_385 = arith.constant true
            %parallel_loop3A_386 = vector.broadcast %parallel_loop3A_385 : i1 to vector<16xi1>
            %parallel_loop3A_387 = tpu.scan <sum>, %parallel_loop3A_384 masked %parallel_loop3A_386 : vector<16xi32>, vector<16xi1> -> vector<16xi32>
            %parallel_loop3A_388 = arith.addi %parallel_loop3A_362, %parallel_loop3A_387 : vector<16xi32>
            tpu.vector_store_idx %arg7[%parallel_loop3A_376], %parallel_loop3A_365 masked %parallel_loop3A_380 : memref<1088xf32, #tpu.memory_space<vmem>>[vector<16xi32>], vector<16xf32>, vector<16xi1>
            tpu.vector_store_idx %arg8[%parallel_loop3A_376], %parallel_loop3A_367 masked %parallel_loop3A_380 : memref<1088xi32, #tpu.memory_space<vmem>>[vector<16xi32>], vector<16xi32>, vector<16xi1>
            tpu.vector_store_idx %arg5[%parallel_loop3A_388], %parallel_loop3A_365 masked %parallel_loop3A_383 : memref<20544xf32, #tpu.memory_space<vmem>>[vector<16xi32>], vector<16xf32>, vector<16xi1>
            tpu.vector_store_idx %arg6[%parallel_loop3A_388], %parallel_loop3A_367 masked %parallel_loop3A_383 : memref<20544xi32, #tpu.memory_space<vmem>>[vector<16xi32>], vector<16xi32>, vector<16xi1>
            %parallel_loop3A_389 = tpu.all_reduce %parallel_loop3A_380 {dim = 0 : i64, kind = #tpu.reduction_kind<sum>} : vector<16xi1> -> vector<16xi32>
            %parallel_loop3A_390 = arith.addi %parallel_loop3A_361, %parallel_loop3A_389 : vector<16xi32>
            %parallel_loop3A_391 = tpu.all_reduce %parallel_loop3A_383 {dim = 0 : i64, kind = #tpu.reduction_kind<sum>} : vector<16xi1> -> vector<16xi32>
            %parallel_loop3A_392 = arith.addi %parallel_loop3A_362, %parallel_loop3A_391 : vector<16xi32>
            scf.yield %parallel_loop3A_390, %parallel_loop3A_392, %parallel_loop3A_363 : vector<16xi32>, vector<16xi32>, vector<16xf32>
          } {sc.loop_unroll_factor = 4 : i64, sc.parallel_access}
          %iota3A_198 = tpu.iota {dimensions = array<i32: 0>} : vector<16xi32>
          %broadcast_in_dim3A_199 = arith.constant -1.000000e+09 : f32
          %broadcast_in_dim3A_200 = vector.broadcast %broadcast_in_dim3A_199 : f32 to vector<16xf32>
          %broadcast_in_dim3A_201 = arith.constant 0 : i32
          %broadcast_in_dim3A_202 = vector.broadcast %broadcast_in_dim3A_201 : i32 to vector<16xi32>
          %add3A_203 = arith.constant 1 : i32
          %add3A_204 = vector.broadcast %add3A_203 : i32 to vector<16xi32>
          %add3A_205 = arith.addi %parallel_loop3A_197#0, %add3A_204 : vector<16xi32>
          %add3A_206 = arith.addi %add3A_205, %iota3A_198 : vector<16xi32>
          tpu.vector_store_idx %arg7[%add3A_206], %broadcast_in_dim3A_200 : memref<1088xf32, #tpu.memory_space<vmem>>[vector<16xi32>], vector<16xf32>,
          %add3A_207 = arith.constant 1 : i32
          %add3A_208 = vector.broadcast %add3A_207 : i32 to vector<16xi32>
          %add3A_209 = arith.addi %parallel_loop3A_197#0, %add3A_208 : vector<16xi32>
          %add3A_210 = arith.addi %add3A_209, %iota3A_198 : vector<16xi32>
          tpu.vector_store_idx %arg8[%add3A_210], %broadcast_in_dim3A_202 : memref<1088xi32, #tpu.memory_space<vmem>>[vector<16xi32>], vector<16xi32>,
          %add3A_211 = arith.constant 1 : i32
          %add3A_212 = vector.broadcast %add3A_211 : i32 to vector<16xi32>
          %add3A_213 = arith.addi %parallel_loop3A_197#1, %add3A_212 : vector<16xi32>
          %add3A_214 = arith.addi %add3A_213, %iota3A_198 : vector<16xi32>
          tpu.vector_store_idx %arg5[%add3A_214], %broadcast_in_dim3A_200 : memref<20544xf32, #tpu.memory_space<vmem>>[vector<16xi32>], vector<16xf32>,
          %add3A_215 = arith.constant 1 : i32
          %add3A_216 = vector.broadcast %add3A_215 : i32 to vector<16xi32>
          %add3A_217 = arith.addi %parallel_loop3A_197#1, %add3A_216 : vector<16xi32>
          %add3A_218 = arith.addi %add3A_217, %iota3A_198 : vector<16xi32>
          tpu.vector_store_idx %arg6[%add3A_218], %broadcast_in_dim3A_202 : memref<20544xi32, #tpu.memory_space<vmem>>[vector<16xi32>], vector<16xi32>,
          %add3A_219 = arith.constant 17 : i32
          %add3A_220 = vector.broadcast %add3A_219 : i32 to vector<16xi32>
          %add3A_221 = arith.addi %parallel_loop3A_197#0, %add3A_220 : vector<16xi32>
          %add3A_222 = arith.addi %add3A_221, %iota3A_198 : vector<16xi32>
          tpu.vector_store_idx %arg7[%add3A_222], %broadcast_in_dim3A_200 : memref<1088xf32, #tpu.memory_space<vmem>>[vector<16xi32>], vector<16xf32>,
          %add3A_223 = arith.constant 17 : i32
          %add3A_224 = vector.broadcast %add3A_223 : i32 to vector<16xi32>
          %add3A_225 = arith.addi %parallel_loop3A_197#0, %add3A_224 : vector<16xi32>
          %add3A_226 = arith.addi %add3A_225, %iota3A_198 : vector<16xi32>
          tpu.vector_store_idx %arg8[%add3A_226], %broadcast_in_dim3A_202 : memref<1088xi32, #tpu.memory_space<vmem>>[vector<16xi32>], vector<16xi32>,
          %add3A_227 = arith.constant 17 : i32
          %add3A_228 = vector.broadcast %add3A_227 : i32 to vector<16xi32>
          %add3A_229 = arith.addi %parallel_loop3A_197#1, %add3A_228 : vector<16xi32>
          %add3A_230 = arith.addi %add3A_229, %iota3A_198 : vector<16xi32>
          tpu.vector_store_idx %arg5[%add3A_230], %broadcast_in_dim3A_200 : memref<20544xf32, #tpu.memory_space<vmem>>[vector<16xi32>], vector<16xf32>,
          %add3A_231 = arith.constant 17 : i32
          %add3A_232 = vector.broadcast %add3A_231 : i32 to vector<16xi32>
          %add3A_233 = arith.addi %parallel_loop3A_197#1, %add3A_232 : vector<16xi32>
          %add3A_234 = arith.addi %add3A_233, %iota3A_198 : vector<16xi32>
          tpu.vector_store_idx %arg6[%add3A_234], %broadcast_in_dim3A_202 : memref<20544xi32, #tpu.memory_space<vmem>>[vector<16xi32>], vector<16xi32>,
          %add3A_235 = arith.constant 33 : i32
          %add3A_236 = vector.broadcast %add3A_235 : i32 to vector<16xi32>
          %add3A_237 = arith.addi %parallel_loop3A_197#0, %add3A_236 : vector<16xi32>
          %add3A_238 = arith.addi %add3A_237, %iota3A_198 : vector<16xi32>
          tpu.vector_store_idx %arg7[%add3A_238], %broadcast_in_dim3A_200 : memref<1088xf32, #tpu.memory_space<vmem>>[vector<16xi32>], vector<16xf32>,
          %add3A_239 = arith.constant 33 : i32
          %add3A_240 = vector.broadcast %add3A_239 : i32 to vector<16xi32>
          %add3A_241 = arith.addi %parallel_loop3A_197#0, %add3A_240 : vector<16xi32>
          %add3A_242 = arith.addi %add3A_241, %iota3A_198 : vector<16xi32>
          tpu.vector_store_idx %arg8[%add3A_242], %broadcast_in_dim3A_202 : memref<1088xi32, #tpu.memory_space<vmem>>[vector<16xi32>], vector<16xi32>,
          %add3A_243 = arith.constant 33 : i32
          %add3A_244 = vector.broadcast %add3A_243 : i32 to vector<16xi32>
          %add3A_245 = arith.addi %parallel_loop3A_197#1, %add3A_244 : vector<16xi32>
          %add3A_246 = arith.addi %add3A_245, %iota3A_198 : vector<16xi32>
          tpu.vector_store_idx %arg5[%add3A_246], %broadcast_in_dim3A_200 : memref<20544xf32, #tpu.memory_space<vmem>>[vector<16xi32>], vector<16xf32>,
          %add3A_247 = arith.constant 33 : i32
          %add3A_248 = vector.broadcast %add3A_247 : i32 to vector<16xi32>
          %add3A_249 = arith.addi %parallel_loop3A_197#1, %add3A_248 : vector<16xi32>
          %add3A_250 = arith.addi %add3A_249, %iota3A_198 : vector<16xi32>
          tpu.vector_store_idx %arg6[%add3A_250], %broadcast_in_dim3A_202 : memref<20544xi32, #tpu.memory_space<vmem>>[vector<16xi32>], vector<16xi32>,
          %add3A_251 = arith.constant 49 : i32
          %add3A_252 = vector.broadcast %add3A_251 : i32 to vector<16xi32>
          %add3A_253 = arith.addi %parallel_loop3A_197#0, %add3A_252 : vector<16xi32>
          %add3A_254 = arith.addi %add3A_253, %iota3A_198 : vector<16xi32>
          tpu.vector_store_idx %arg7[%add3A_254], %broadcast_in_dim3A_200 : memref<1088xf32, #tpu.memory_space<vmem>>[vector<16xi32>], vector<16xf32>,
          %add3A_255 = arith.constant 49 : i32
          %add3A_256 = vector.broadcast %add3A_255 : i32 to vector<16xi32>
          %add3A_257 = arith.addi %parallel_loop3A_197#0, %add3A_256 : vector<16xi32>
          %add3A_258 = arith.addi %add3A_257, %iota3A_198 : vector<16xi32>
          tpu.vector_store_idx %arg8[%add3A_258], %broadcast_in_dim3A_202 : memref<1088xi32, #tpu.memory_space<vmem>>[vector<16xi32>], vector<16xi32>,
          %add3A_259 = arith.constant 49 : i32
          %add3A_260 = vector.broadcast %add3A_259 : i32 to vector<16xi32>
          %add3A_261 = arith.addi %parallel_loop3A_197#1, %add3A_260 : vector<16xi32>
          %add3A_262 = arith.addi %add3A_261, %iota3A_198 : vector<16xi32>
          tpu.vector_store_idx %arg5[%add3A_262], %broadcast_in_dim3A_200 : memref<20544xf32, #tpu.memory_space<vmem>>[vector<16xi32>], vector<16xf32>,
          %add3A_263 = arith.constant 49 : i32
          %add3A_264 = vector.broadcast %add3A_263 : i32 to vector<16xi32>
          %add3A_265 = arith.addi %parallel_loop3A_197#1, %add3A_264 : vector<16xi32>
          %add3A_266 = arith.addi %add3A_265, %iota3A_198 : vector<16xi32>
          tpu.vector_store_idx %arg6[%add3A_266], %broadcast_in_dim3A_202 : memref<20544xi32, #tpu.memory_space<vmem>>[vector<16xi32>], vector<16xi32>,
          %reduce_max3A_267 = arith.constant true
          %reduce_max3A_268 = vector.broadcast %reduce_max3A_267 : i1 to vector<16xi1>
          %reduce_max3A_269 = arith.constant -2147483648 : i32
          %reduce_max3A_270 = vector.broadcast %reduce_max3A_269 : i32 to vector<16xi32>
          %reduce_max3A_271 = arith.xori %parallel_loop3A_197#0, %reduce_max3A_270 : vector<16xi32>
          %reduce_max3A_272 = tpu.scan <max>, %reduce_max3A_271 masked %reduce_max3A_268 : vector<16xi32>, vector<16xi1> -> vector<16xi32>
          %reduce_max3A_273 = arith.xori %reduce_max3A_272, %reduce_max3A_270 : vector<16xi32>
          %reduce_max3A_274 = vector.extract %reduce_max3A_273[15] : i32 from vector<16xi32>
          %add3A_275 = arith.constant 1 : i32
          %add3A_276 = arith.addi %reduce_max3A_274, %add3A_275 : i32
          %add3A_277 = arith.constant 63 : i32
          %add3A_278 = arith.addi %add3A_276, %add3A_277 : i32
          %shift_right_arithmetic3A_279 = arith.constant 6 : i32
          %shift_right_arithmetic3A_280 = arith.shrsi %add3A_278, %shift_right_arithmetic3A_279 : i32
          %shift_left3A_281 = arith.constant 6 : i32
          %shift_left3A_282 = arith.shli %shift_right_arithmetic3A_280, %shift_left3A_281 : i32
          %reduce_max3A_283 = arith.constant true
          %reduce_max3A_284 = vector.broadcast %reduce_max3A_283 : i1 to vector<16xi1>
          %reduce_max3A_285 = arith.constant -2147483648 : i32
          %reduce_max3A_286 = vector.broadcast %reduce_max3A_285 : i32 to vector<16xi32>
          %reduce_max3A_287 = arith.xori %parallel_loop3A_197#1, %reduce_max3A_286 : vector<16xi32>
          %reduce_max3A_288 = tpu.scan <max>, %reduce_max3A_287 masked %reduce_max3A_284 : vector<16xi32>, vector<16xi1> -> vector<16xi32>
          %reduce_max3A_289 = arith.xori %reduce_max3A_288, %reduce_max3A_286 : vector<16xi32>
          %reduce_max3A_290 = vector.extract %reduce_max3A_289[15] : i32 from vector<16xi32>
          %add3A_291 = arith.constant 1 : i32
          %add3A_292 = arith.addi %reduce_max3A_290, %add3A_291 : i32
          %add3A_293 = arith.constant 63 : i32
          %add3A_294 = arith.addi %add3A_292, %add3A_293 : i32
          %shift_right_arithmetic3A_295 = arith.constant 6 : i32
          %shift_right_arithmetic3A_296 = arith.shrsi %add3A_294, %shift_right_arithmetic3A_295 : i32
          %shift_left3A_297 = arith.constant 6 : i32
          %shift_left3A_298 = arith.shli %shift_right_arithmetic3A_296, %shift_left3A_297 : i32
          %while3A_299 = arith.constant 0 : i32
          %while3A_300 = arith.subi %scan3A_68, %while3A_299 : i32
          %while3A_301 = arith.addi %while3A_299, %while3A_300 : i32
          %while3A_302 = arith.constant 1 : i32
          %while3A_303 = arith.divsi %while3A_300, %while3A_302 : i32
          %while3A_304 = arith.muli %while3A_303, %while3A_302 : i32
          %while3A_305 = arith.addi %while3A_299, %while3A_304 : i32
          %while3A_306 = arith.constant 1 : i32
          scf.for %while3A_360 = %while3A_299 to %while3A_305 step %while3A_306  : i32 {
            %mul3A_361 = arith.constant 16 : i32
            %mul3A_362 = arith.muli %while3A_360, %mul3A_361 : i32
            %add3A_363 = arith.constant 1 : i32
            %add3A_364 = arith.addi %mul3A_362, %add3A_363 : i32
            %broadcast_in_dim3A_365 = vector.broadcast %add3A_364 : i32 to vector<16xi32>
            %gather3A_366 = tpu.vector_load_idx %arg13[%broadcast_in_dim3A_365] : memref<3200xf32, #tpu.memory_space<vmem>>[vector<16xi32>], vector<16xf32>,
            %mul3A_367 = arith.constant 16 : i32
            %mul3A_368 = arith.muli %while3A_360, %mul3A_367 : i32
            %add3A_369 = arith.constant 2 : i32
            %add3A_370 = arith.addi %mul3A_368, %add3A_369 : i32
            %broadcast_in_dim3A_371 = vector.broadcast %add3A_370 : i32 to vector<16xi32>
            %gather3A_372 = tpu.vector_load_idx %arg13[%broadcast_in_dim3A_371] : memref<3200xf32, #tpu.memory_space<vmem>>[vector<16xi32>], vector<16xf32>,
            %mul3A_373 = arith.constant 16 : i32
            %mul3A_374 = arith.muli %while3A_360, %mul3A_373 : i32
            %add3A_375 = arith.constant 3 : i32
            %add3A_376 = arith.addi %mul3A_374, %add3A_375 : i32
            %broadcast_in_dim3A_377 = vector.broadcast %add3A_376 : i32 to vector<16xi32>
            %gather3A_378 = tpu.vector_load_idx %arg13[%broadcast_in_dim3A_377] : memref<3200xf32, #tpu.memory_space<vmem>>[vector<16xi32>], vector<16xf32>,
            %mul3A_379 = arith.constant 16 : i32
            %mul3A_380 = arith.muli %while3A_360, %mul3A_379 : i32
            %add3A_381 = arith.constant 4 : i32
            %add3A_382 = arith.addi %mul3A_380, %add3A_381 : i32
            %broadcast_in_dim3A_383 = vector.broadcast %add3A_382 : i32 to vector<16xi32>
            %gather3A_384 = tpu.vector_load_idx %arg13[%broadcast_in_dim3A_383] : memref<3200xf32, #tpu.memory_space<vmem>>[vector<16xi32>], vector<16xf32>,
            %sub3A_385 = arith.subf %gather3A_378, %gather3A_366 : vector<16xf32>
            %sub3A_386 = arith.subf %gather3A_384, %gather3A_372 : vector<16xf32>
            %mul3A_387 = arith.mulf %sub3A_385, %sub3A_386 : vector<16xf32>
            %parallel_loop3A_388 = arith.constant 0 : i32
            %parallel_loop3A_389 = arith.constant 16 : i32
            %parallel_loop3A_390:5 = scf.for %parallel_loop3A_391 = %parallel_loop3A_388 to %shift_left3A_282 step %parallel_loop3A_389 iter_args(%parallel_loop3A_392 = %gather3A_366, %parallel_loop3A_393 = %gather3A_372, %parallel_loop3A_394 = %gather3A_378, %parallel_loop3A_395 = %gather3A_384, %parallel_loop3A_396 = %mul3A_387) -> (vector<16xf32>, vector<16xf32>, vector<16xf32>, vector<16xf32>, vector<16xf32>)  : i32 {
              %parallel_loop3A_397 = arith.index_cast %parallel_loop3A_391 : i32 to index
              %parallel_loop3A_398 = tpu.vector_load %arg7[%parallel_loop3A_397] {strides = array<i32>} : memref<1088xf32, #tpu.memory_space<vmem>>, vector<16xf32>,
              %parallel_loop3A_399 = arith.index_cast %parallel_loop3A_391 : i32 to index
              %parallel_loop3A_400 = tpu.vector_load %arg8[%parallel_loop3A_399] {strides = array<i32>} : memref<1088xi32, #tpu.memory_space<vmem>>, vector<16xi32>,
              %parallel_loop3A_401 = tpu.vector_load_idx %arg9[%parallel_loop3A_400] : memref<20480xf32, #tpu.memory_space<vmem>>[vector<16xi32>], vector<16xf32>,
              %parallel_loop3A_402 = tpu.vector_load_idx %arg10[%parallel_loop3A_400] : memref<20480xf32, #tpu.memory_space<vmem>>[vector<16xi32>], vector<16xf32>,
              %parallel_loop3A_403 = tpu.vector_load_idx %arg11[%parallel_loop3A_400] : memref<20480xf32, #tpu.memory_space<vmem>>[vector<16xi32>], vector<16xf32>,
              %parallel_loop3A_404 = tpu.vector_load_idx %arg12[%parallel_loop3A_400] : memref<20480xf32, #tpu.memory_space<vmem>>[vector<16xi32>], vector<16xf32>,
              %parallel_loop3A_405 = arith.subf %parallel_loop3A_403, %parallel_loop3A_401 : vector<16xf32>
              %parallel_loop3A_406 = arith.subf %parallel_loop3A_404, %parallel_loop3A_402 : vector<16xf32>
              %parallel_loop3A_407 = arith.mulf %parallel_loop3A_405, %parallel_loop3A_406 : vector<16xf32>
              %parallel_loop3A_408 = arith.maximumf %parallel_loop3A_401, %parallel_loop3A_392 : vector<16xf32>
              %parallel_loop3A_409 = arith.maximumf %parallel_loop3A_402, %parallel_loop3A_393 : vector<16xf32>
              %parallel_loop3A_410 = arith.minimumf %parallel_loop3A_403, %parallel_loop3A_394 : vector<16xf32>
              %parallel_loop3A_411 = arith.minimumf %parallel_loop3A_404, %parallel_loop3A_395 : vector<16xf32>
              %parallel_loop3A_412 = arith.subf %parallel_loop3A_410, %parallel_loop3A_408 : vector<16xf32>
              %parallel_loop3A_413 = arith.constant 0.000000e+00 : f32
              %parallel_loop3A_414 = vector.broadcast %parallel_loop3A_413 : f32 to vector<16xf32>
              %parallel_loop3A_415 = arith.maximumf %parallel_loop3A_412, %parallel_loop3A_414 : vector<16xf32>
              %parallel_loop3A_416 = arith.subf %parallel_loop3A_411, %parallel_loop3A_409 : vector<16xf32>
              %parallel_loop3A_417 = arith.constant 0.000000e+00 : f32
              %parallel_loop3A_418 = vector.broadcast %parallel_loop3A_417 : f32 to vector<16xf32>
              %parallel_loop3A_419 = arith.maximumf %parallel_loop3A_416, %parallel_loop3A_418 : vector<16xf32>
              %parallel_loop3A_420 = arith.mulf %parallel_loop3A_415, %parallel_loop3A_419 : vector<16xf32>
              %parallel_loop3A_421 = arith.addf %parallel_loop3A_396, %parallel_loop3A_407 : vector<16xf32>
              %parallel_loop3A_422 = arith.subf %parallel_loop3A_421, %parallel_loop3A_420 : vector<16xf32>
              %parallel_loop3A_423 = arith.constant 9.99999971E-10 : f32
              %parallel_loop3A_424 = vector.broadcast %parallel_loop3A_423 : f32 to vector<16xf32>
              %parallel_loop3A_425 = arith.addf %parallel_loop3A_422, %parallel_loop3A_424 : vector<16xf32>
              %parallel_loop3A_426 = arith.divf %parallel_loop3A_420, %parallel_loop3A_425 : vector<16xf32>
              %parallel_loop3A_427 = arith.constant 4.500000e-01 : f32
              %parallel_loop3A_428 = vector.broadcast %parallel_loop3A_427 : f32 to vector<16xf32>
              %parallel_loop3A_429 = arith.cmpf ogt, %parallel_loop3A_426, %parallel_loop3A_428 : vector<16xf32>
              %parallel_loop3A_430 = arith.constant -1.000000e+09 : f32
              %parallel_loop3A_431 = vector.broadcast %parallel_loop3A_430 : f32 to vector<16xf32>
              %parallel_loop3A_432 = arith.select %parallel_loop3A_429, %parallel_loop3A_431, %parallel_loop3A_398 : vector<16xi1>, vector<16xf32>
              %parallel_loop3A_433 = arith.index_cast %parallel_loop3A_391 : i32 to index
              %parallel_loop3A_434 = tpu.vector_load %arg7[%parallel_loop3A_433] {strides = array<i32>} : memref<1088xf32, #tpu.memory_space<vmem>>, vector<16xf32>,
              tpu.vector_store %arg7[%parallel_loop3A_433], %parallel_loop3A_432 {strides = array<i32>} : memref<1088xf32, #tpu.memory_space<vmem>>, vector<16xf32>,
              scf.yield %parallel_loop3A_392, %parallel_loop3A_393, %parallel_loop3A_394, %parallel_loop3A_395, %parallel_loop3A_396 : vector<16xf32>, vector<16xf32>, vector<16xf32>, vector<16xf32>, vector<16xf32>
            } {sc.loop_unroll_factor = 4 : i64, sc.parallel_access}
          }
          %while3A_307 = arith.constant 1 : i32
          scf.for %while3A_360 = %while3A_305 to %while3A_301 step %while3A_307  : i32 {
            %mul3A_361 = arith.constant 16 : i32
            %mul3A_362 = arith.muli %while3A_360, %mul3A_361 : i32
            %add3A_363 = arith.constant 1 : i32
            %add3A_364 = arith.addi %mul3A_362, %add3A_363 : i32
            %broadcast_in_dim3A_365 = vector.broadcast %add3A_364 : i32 to vector<16xi32>
            %gather3A_366 = tpu.vector_load_idx %arg13[%broadcast_in_dim3A_365] : memref<3200xf32, #tpu.memory_space<vmem>>[vector<16xi32>], vector<16xf32>,
            %mul3A_367 = arith.constant 16 : i32
            %mul3A_368 = arith.muli %while3A_360, %mul3A_367 : i32
            %add3A_369 = arith.constant 2 : i32
            %add3A_370 = arith.addi %mul3A_368, %add3A_369 : i32
            %broadcast_in_dim3A_371 = vector.broadcast %add3A_370 : i32 to vector<16xi32>
            %gather3A_372 = tpu.vector_load_idx %arg13[%broadcast_in_dim3A_371] : memref<3200xf32, #tpu.memory_space<vmem>>[vector<16xi32>], vector<16xf32>,
            %mul3A_373 = arith.constant 16 : i32
            %mul3A_374 = arith.muli %while3A_360, %mul3A_373 : i32
            %add3A_375 = arith.constant 3 : i32
            %add3A_376 = arith.addi %mul3A_374, %add3A_375 : i32
            %broadcast_in_dim3A_377 = vector.broadcast %add3A_376 : i32 to vector<16xi32>
            %gather3A_378 = tpu.vector_load_idx %arg13[%broadcast_in_dim3A_377] : memref<3200xf32, #tpu.memory_space<vmem>>[vector<16xi32>], vector<16xf32>,
            %mul3A_379 = arith.constant 16 : i32
            %mul3A_380 = arith.muli %while3A_360, %mul3A_379 : i32
            %add3A_381 = arith.constant 4 : i32
            %add3A_382 = arith.addi %mul3A_380, %add3A_381 : i32
            %broadcast_in_dim3A_383 = vector.broadcast %add3A_382 : i32 to vector<16xi32>
            %gather3A_384 = tpu.vector_load_idx %arg13[%broadcast_in_dim3A_383] : memref<3200xf32, #tpu.memory_space<vmem>>[vector<16xi32>], vector<16xf32>,
            %sub3A_385 = arith.subf %gather3A_378, %gather3A_366 : vector<16xf32>
            %sub3A_386 = arith.subf %gather3A_384, %gather3A_372 : vector<16xf32>
            %mul3A_387 = arith.mulf %sub3A_385, %sub3A_386 : vector<16xf32>
            %parallel_loop3A_388 = arith.constant 0 : i32
            %parallel_loop3A_389 = arith.constant 16 : i32
            %parallel_loop3A_390:5 = scf.for %parallel_loop3A_391 = %parallel_loop3A_388 to %shift_left3A_282 step %parallel_loop3A_389 iter_args(%parallel_loop3A_392 = %gather3A_366, %parallel_loop3A_393 = %gather3A_372, %parallel_loop3A_394 = %gather3A_378, %parallel_loop3A_395 = %gather3A_384, %parallel_loop3A_396 = %mul3A_387) -> (vector<16xf32>, vector<16xf32>, vector<16xf32>, vector<16xf32>, vector<16xf32>)  : i32 {
              %parallel_loop3A_397 = arith.index_cast %parallel_loop3A_391 : i32 to index
              %parallel_loop3A_398 = tpu.vector_load %arg7[%parallel_loop3A_397] {strides = array<i32>} : memref<1088xf32, #tpu.memory_space<vmem>>, vector<16xf32>,
              %parallel_loop3A_399 = arith.index_cast %parallel_loop3A_391 : i32 to index
              %parallel_loop3A_400 = tpu.vector_load %arg8[%parallel_loop3A_399] {strides = array<i32>} : memref<1088xi32, #tpu.memory_space<vmem>>, vector<16xi32>,
              %parallel_loop3A_401 = tpu.vector_load_idx %arg9[%parallel_loop3A_400] : memref<20480xf32, #tpu.memory_space<vmem>>[vector<16xi32>], vector<16xf32>,
              %parallel_loop3A_402 = tpu.vector_load_idx %arg10[%parallel_loop3A_400] : memref<20480xf32, #tpu.memory_space<vmem>>[vector<16xi32>], vector<16xf32>,
              %parallel_loop3A_403 = tpu.vector_load_idx %arg11[%parallel_loop3A_400] : memref<20480xf32, #tpu.memory_space<vmem>>[vector<16xi32>], vector<16xf32>,
              %parallel_loop3A_404 = tpu.vector_load_idx %arg12[%parallel_loop3A_400] : memref<20480xf32, #tpu.memory_space<vmem>>[vector<16xi32>], vector<16xf32>,
              %parallel_loop3A_405 = arith.subf %parallel_loop3A_403, %parallel_loop3A_401 : vector<16xf32>
              %parallel_loop3A_406 = arith.subf %parallel_loop3A_404, %parallel_loop3A_402 : vector<16xf32>
              %parallel_loop3A_407 = arith.mulf %parallel_loop3A_405, %parallel_loop3A_406 : vector<16xf32>
              %parallel_loop3A_408 = arith.maximumf %parallel_loop3A_401, %parallel_loop3A_392 : vector<16xf32>
              %parallel_loop3A_409 = arith.maximumf %parallel_loop3A_402, %parallel_loop3A_393 : vector<16xf32>
              %parallel_loop3A_410 = arith.minimumf %parallel_loop3A_403, %parallel_loop3A_394 : vector<16xf32>
              %parallel_loop3A_411 = arith.minimumf %parallel_loop3A_404, %parallel_loop3A_395 : vector<16xf32>
              %parallel_loop3A_412 = arith.subf %parallel_loop3A_410, %parallel_loop3A_408 : vector<16xf32>
              %parallel_loop3A_413 = arith.constant 0.000000e+00 : f32
              %parallel_loop3A_414 = vector.broadcast %parallel_loop3A_413 : f32 to vector<16xf32>
              %parallel_loop3A_415 = arith.maximumf %parallel_loop3A_412, %parallel_loop3A_414 : vector<16xf32>
              %parallel_loop3A_416 = arith.subf %parallel_loop3A_411, %parallel_loop3A_409 : vector<16xf32>
              %parallel_loop3A_417 = arith.constant 0.000000e+00 : f32
              %parallel_loop3A_418 = vector.broadcast %parallel_loop3A_417 : f32 to vector<16xf32>
              %parallel_loop3A_419 = arith.maximumf %parallel_loop3A_416, %parallel_loop3A_418 : vector<16xf32>
              %parallel_loop3A_420 = arith.mulf %parallel_loop3A_415, %parallel_loop3A_419 : vector<16xf32>
              %parallel_loop3A_421 = arith.addf %parallel_loop3A_396, %parallel_loop3A_407 : vector<16xf32>
              %parallel_loop3A_422 = arith.subf %parallel_loop3A_421, %parallel_loop3A_420 : vector<16xf32>
              %parallel_loop3A_423 = arith.constant 9.99999971E-10 : f32
              %parallel_loop3A_424 = vector.broadcast %parallel_loop3A_423 : f32 to vector<16xf32>
              %parallel_loop3A_425 = arith.addf %parallel_loop3A_422, %parallel_loop3A_424 : vector<16xf32>
              %parallel_loop3A_426 = arith.divf %parallel_loop3A_420, %parallel_loop3A_425 : vector<16xf32>
              %parallel_loop3A_427 = arith.constant 4.500000e-01 : f32
              %parallel_loop3A_428 = vector.broadcast %parallel_loop3A_427 : f32 to vector<16xf32>
              %parallel_loop3A_429 = arith.cmpf ogt, %parallel_loop3A_426, %parallel_loop3A_428 : vector<16xf32>
              %parallel_loop3A_430 = arith.constant -1.000000e+09 : f32
              %parallel_loop3A_431 = vector.broadcast %parallel_loop3A_430 : f32 to vector<16xf32>
              %parallel_loop3A_432 = arith.select %parallel_loop3A_429, %parallel_loop3A_431, %parallel_loop3A_398 : vector<16xi1>, vector<16xf32>
              %parallel_loop3A_433 = arith.index_cast %parallel_loop3A_391 : i32 to index
              %parallel_loop3A_434 = tpu.vector_load %arg7[%parallel_loop3A_433] {strides = array<i32>} : memref<1088xf32, #tpu.memory_space<vmem>>, vector<16xf32>,
              tpu.vector_store %arg7[%parallel_loop3A_433], %parallel_loop3A_432 {strides = array<i32>} : memref<1088xf32, #tpu.memory_space<vmem>>, vector<16xf32>,
              scf.yield %parallel_loop3A_392, %parallel_loop3A_393, %parallel_loop3A_394, %parallel_loop3A_395, %parallel_loop3A_396 : vector<16xf32>, vector<16xf32>, vector<16xf32>, vector<16xf32>, vector<16xf32>
            } {sc.loop_unroll_factor = 4 : i64, sc.parallel_access}
          }
          %broadcast_in_dim3A_308 = arith.constant 1.000000e+30 : f32
          %broadcast_in_dim3A_309 = vector.broadcast %broadcast_in_dim3A_308 : f32 to vector<16xf32>
          %broadcast_in_dim3A_310 = arith.constant 0.000000e+00 : f32
          %broadcast_in_dim3A_311 = vector.broadcast %broadcast_in_dim3A_310 : f32 to vector<16xf32>
          %broadcast_in_dim3A_312 = arith.constant -3.000000e+38 : f32
          %broadcast_in_dim3A_313 = vector.broadcast %broadcast_in_dim3A_312 : f32 to vector<16xf32>
          %broadcast_in_dim3A_314 = arith.constant 0 : i32
          %broadcast_in_dim3A_315 = vector.broadcast %broadcast_in_dim3A_314 : i32 to vector<16xi32>
          %broadcast_in_dim3A_316 = arith.constant -1 : i32
          %broadcast_in_dim3A_317 = vector.broadcast %broadcast_in_dim3A_316 : i32 to vector<16xi32>
          %parallel_loop3A_318 = arith.constant 0 : i32
          %parallel_loop3A_319 = arith.constant 16 : i32
          %parallel_loop3A_320:8 = scf.for %parallel_loop3A_360 = %parallel_loop3A_318 to %shift_left3A_282 step %parallel_loop3A_319 iter_args(%parallel_loop3A_361 = %broadcast_in_dim3A_313, %parallel_loop3A_362 = %broadcast_in_dim3A_315, %parallel_loop3A_363 = %broadcast_in_dim3A_317, %parallel_loop3A_364 = %broadcast_in_dim3A_309, %parallel_loop3A_365 = %broadcast_in_dim3A_309, %parallel_loop3A_366 = %broadcast_in_dim3A_309, %parallel_loop3A_367 = %broadcast_in_dim3A_309, %parallel_loop3A_368 = %broadcast_in_dim3A_311) -> (vector<16xf32>, vector<16xi32>, vector<16xi32>, vector<16xf32>, vector<16xf32>, vector<16xf32>, vector<16xf32>, vector<16xf32>)  : i32 {
            %parallel_loop3A_369 = arith.index_cast %parallel_loop3A_360 : i32 to index
            %parallel_loop3A_370 = tpu.vector_load %arg7[%parallel_loop3A_369] {strides = array<i32>} : memref<1088xf32, #tpu.memory_space<vmem>>, vector<16xf32>,
            %parallel_loop3A_371 = arith.index_cast %parallel_loop3A_360 : i32 to index
            %parallel_loop3A_372 = tpu.vector_load %arg8[%parallel_loop3A_371] {strides = array<i32>} : memref<1088xi32, #tpu.memory_space<vmem>>, vector<16xi32>,
            %parallel_loop3A_373 = tpu.vector_load_idx %arg9[%parallel_loop3A_372] : memref<20480xf32, #tpu.memory_space<vmem>>[vector<16xi32>], vector<16xf32>,
            %parallel_loop3A_374 = tpu.vector_load_idx %arg10[%parallel_loop3A_372] : memref<20480xf32, #tpu.memory_space<vmem>>[vector<16xi32>], vector<16xf32>,
            %parallel_loop3A_375 = tpu.vector_load_idx %arg11[%parallel_loop3A_372] : memref<20480xf32, #tpu.memory_space<vmem>>[vector<16xi32>], vector<16xf32>,
            %parallel_loop3A_376 = tpu.vector_load_idx %arg12[%parallel_loop3A_372] : memref<20480xf32, #tpu.memory_space<vmem>>[vector<16xi32>], vector<16xf32>,
            %parallel_loop3A_377 = arith.subf %parallel_loop3A_375, %parallel_loop3A_373 : vector<16xf32>
            %parallel_loop3A_378 = arith.subf %parallel_loop3A_376, %parallel_loop3A_374 : vector<16xf32>
            %parallel_loop3A_379 = arith.mulf %parallel_loop3A_377, %parallel_loop3A_378 : vector<16xf32>
            %parallel_loop3A_380 = arith.maximumf %parallel_loop3A_373, %parallel_loop3A_364 : vector<16xf32>
            %parallel_loop3A_381 = arith.maximumf %parallel_loop3A_374, %parallel_loop3A_365 : vector<16xf32>
            %parallel_loop3A_382 = arith.minimumf %parallel_loop3A_375, %parallel_loop3A_366 : vector<16xf32>
            %parallel_loop3A_383 = arith.minimumf %parallel_loop3A_376, %parallel_loop3A_367 : vector<16xf32>
            %parallel_loop3A_384 = arith.subf %parallel_loop3A_382, %parallel_loop3A_380 : vector<16xf32>
            %parallel_loop3A_385 = arith.constant 0.000000e+00 : f32
            %parallel_loop3A_386 = vector.broadcast %parallel_loop3A_385 : f32 to vector<16xf32>
            %parallel_loop3A_387 = arith.maximumf %parallel_loop3A_384, %parallel_loop3A_386 : vector<16xf32>
            %parallel_loop3A_388 = arith.subf %parallel_loop3A_383, %parallel_loop3A_381 : vector<16xf32>
            %parallel_loop3A_389 = arith.constant 0.000000e+00 : f32
            %parallel_loop3A_390 = vector.broadcast %parallel_loop3A_389 : f32 to vector<16xf32>
            %parallel_loop3A_391 = arith.maximumf %parallel_loop3A_388, %parallel_loop3A_390 : vector<16xf32>
            %parallel_loop3A_392 = arith.mulf %parallel_loop3A_387, %parallel_loop3A_391 : vector<16xf32>
            %parallel_loop3A_393 = arith.addf %parallel_loop3A_368, %parallel_loop3A_379 : vector<16xf32>
            %parallel_loop3A_394 = arith.subf %parallel_loop3A_393, %parallel_loop3A_392 : vector<16xf32>
            %parallel_loop3A_395 = arith.constant 9.99999971E-10 : f32
            %parallel_loop3A_396 = vector.broadcast %parallel_loop3A_395 : f32 to vector<16xf32>
            %parallel_loop3A_397 = arith.addf %parallel_loop3A_394, %parallel_loop3A_396 : vector<16xf32>
            %parallel_loop3A_398 = arith.divf %parallel_loop3A_392, %parallel_loop3A_397 : vector<16xf32>
            %parallel_loop3A_399 = arith.constant 4.500000e-01 : f32
            %parallel_loop3A_400 = vector.broadcast %parallel_loop3A_399 : f32 to vector<16xf32>
            %parallel_loop3A_401 = arith.cmpf ogt, %parallel_loop3A_398, %parallel_loop3A_400 : vector<16xf32>
            %parallel_loop3A_402 = arith.constant -1.000000e+09 : f32
            %parallel_loop3A_403 = vector.broadcast %parallel_loop3A_402 : f32 to vector<16xf32>
            %parallel_loop3A_404 = arith.select %parallel_loop3A_401, %parallel_loop3A_403, %parallel_loop3A_370 : vector<16xi1>, vector<16xf32>
            %parallel_loop3A_405 = arith.constant 0.000000e+00 : f32
            %parallel_loop3A_406 = vector.broadcast %parallel_loop3A_405 : f32 to vector<16xf32>
            %parallel_loop3A_407 = arith.cmpf ogt, %parallel_loop3A_404, %parallel_loop3A_406 : vector<16xf32>
            %parallel_loop3A_408 = arith.extui %parallel_loop3A_407 : vector<16xi1> to vector<16xi32>
            %parallel_loop3A_409 = arith.constant true
            %parallel_loop3A_410 = vector.broadcast %parallel_loop3A_409 : i1 to vector<16xi1>
            %parallel_loop3A_411 = tpu.scan <sum>, %parallel_loop3A_408 masked %parallel_loop3A_410 : vector<16xi32>, vector<16xi1> -> vector<16xi32>
            %parallel_loop3A_412 = arith.addi %parallel_loop3A_363, %parallel_loop3A_411 : vector<16xi32>
            tpu.vector_store_idx %arg7[%parallel_loop3A_412], %parallel_loop3A_404 masked %parallel_loop3A_407 : memref<1088xf32, #tpu.memory_space<vmem>>[vector<16xi32>], vector<16xf32>, vector<16xi1>
            tpu.vector_store_idx %arg8[%parallel_loop3A_412], %parallel_loop3A_372 masked %parallel_loop3A_407 : memref<1088xi32, #tpu.memory_space<vmem>>[vector<16xi32>], vector<16xi32>, vector<16xi1>
            %parallel_loop3A_413 = tpu.all_reduce %parallel_loop3A_407 {dim = 0 : i64, kind = #tpu.reduction_kind<sum>} : vector<16xi1> -> vector<16xi32>
            %parallel_loop3A_414 = arith.addi %parallel_loop3A_363, %parallel_loop3A_413 : vector<16xi32>
            %parallel_loop3A_415 = arith.maximumf %parallel_loop3A_361, %parallel_loop3A_404 : vector<16xf32>
            %parallel_loop3A_416 = arith.cmpf ogt, %parallel_loop3A_415, %parallel_loop3A_361 : vector<16xf32>
            %parallel_loop3A_417 = arith.select %parallel_loop3A_416, %parallel_loop3A_372, %parallel_loop3A_362 : vector<16xi1>, vector<16xi32>
            scf.yield %parallel_loop3A_415, %parallel_loop3A_417, %parallel_loop3A_414, %parallel_loop3A_364, %parallel_loop3A_365, %parallel_loop3A_366, %parallel_loop3A_367, %parallel_loop3A_368 : vector<16xf32>, vector<16xi32>, vector<16xi32>, vector<16xf32>, vector<16xf32>, vector<16xf32>, vector<16xf32>, vector<16xf32>
          } {sc.loop_unroll_factor = 4 : i64, sc.parallel_access}
          %iota3A_321 = tpu.iota {dimensions = array<i32: 0>} : vector<16xi32>
          %broadcast_in_dim3A_322 = arith.constant -1.000000e+09 : f32
          %broadcast_in_dim3A_323 = vector.broadcast %broadcast_in_dim3A_322 : f32 to vector<16xf32>
          %add3A_324 = arith.constant 1 : i32
          %add3A_325 = vector.broadcast %add3A_324 : i32 to vector<16xi32>
          %add3A_326 = arith.addi %parallel_loop3A_320#2, %add3A_325 : vector<16xi32>
          %add3A_327 = arith.addi %add3A_326, %iota3A_321 : vector<16xi32>
          tpu.vector_store_idx %arg7[%add3A_327], %broadcast_in_dim3A_323 : memref<1088xf32, #tpu.memory_space<vmem>>[vector<16xi32>], vector<16xf32>,
          %add3A_328 = arith.constant 17 : i32
          %add3A_329 = vector.broadcast %add3A_328 : i32 to vector<16xi32>
          %add3A_330 = arith.addi %parallel_loop3A_320#2, %add3A_329 : vector<16xi32>
          %add3A_331 = arith.addi %add3A_330, %iota3A_321 : vector<16xi32>
          tpu.vector_store_idx %arg7[%add3A_331], %broadcast_in_dim3A_323 : memref<1088xf32, #tpu.memory_space<vmem>>[vector<16xi32>], vector<16xf32>,
          %add3A_332 = arith.constant 33 : i32
          %add3A_333 = vector.broadcast %add3A_332 : i32 to vector<16xi32>
          %add3A_334 = arith.addi %parallel_loop3A_320#2, %add3A_333 : vector<16xi32>
          %add3A_335 = arith.addi %add3A_334, %iota3A_321 : vector<16xi32>
          tpu.vector_store_idx %arg7[%add3A_335], %broadcast_in_dim3A_323 : memref<1088xf32, #tpu.memory_space<vmem>>[vector<16xi32>], vector<16xf32>,
          %add3A_336 = arith.constant 49 : i32
          %add3A_337 = vector.broadcast %add3A_336 : i32 to vector<16xi32>
          %add3A_338 = arith.addi %parallel_loop3A_320#2, %add3A_337 : vector<16xi32>
          %add3A_339 = arith.addi %add3A_338, %iota3A_321 : vector<16xi32>
          tpu.vector_store_idx %arg7[%add3A_339], %broadcast_in_dim3A_323 : memref<1088xf32, #tpu.memory_space<vmem>>[vector<16xi32>], vector<16xf32>,
          %reduce_max3A_340 = arith.constant true
          %reduce_max3A_341 = vector.broadcast %reduce_max3A_340 : i1 to vector<16xi1>
          %reduce_max3A_342 = arith.constant -2147483648 : i32
          %reduce_max3A_343 = vector.broadcast %reduce_max3A_342 : i32 to vector<16xi32>
          %reduce_max3A_344 = arith.xori %parallel_loop3A_320#2, %reduce_max3A_343 : vector<16xi32>
          %reduce_max3A_345 = tpu.scan <max>, %reduce_max3A_344 masked %reduce_max3A_341 : vector<16xi32>, vector<16xi1> -> vector<16xi32>
          %reduce_max3A_346 = arith.xori %reduce_max3A_345, %reduce_max3A_343 : vector<16xi32>
          %reduce_max3A_347 = vector.extract %reduce_max3A_346[15] : i32 from vector<16xi32>
          %add3A_348 = arith.constant 1 : i32
          %add3A_349 = arith.addi %reduce_max3A_347, %add3A_348 : i32
          %add3A_350 = arith.constant 63 : i32
          %add3A_351 = arith.addi %add3A_349, %add3A_350 : i32
          %shift_right_arithmetic3A_352 = arith.constant 6 : i32
          %shift_right_arithmetic3A_353 = arith.shrsi %add3A_351, %shift_right_arithmetic3A_352 : i32
          %shift_left3A_354 = arith.constant 6 : i32
          %shift_left3A_355 = arith.shli %shift_right_arithmetic3A_353, %shift_left3A_354 : i32
          %reduce_max3A_356 = arith.constant true
          %reduce_max3A_357 = vector.broadcast %reduce_max3A_356 : i1 to vector<16xi1>
          %reduce_max3A_358 = tpu.scan <max>, %parallel_loop3A_320#0 masked %reduce_max3A_357 : vector<16xf32>, vector<16xi1> -> vector<16xf32>
          %reduce_max3A_359 = vector.extract %reduce_max3A_358[15] : f32 from vector<16xf32>
          scf.yield %parallel_loop3A_320#0, %parallel_loop3A_320#1, %reduce_max3A_359, %shift_left3A_355, %add3A_292, %shift_left3A_298 : vector<16xf32>, vector<16xi32>, f32, i32, i32, i32
        } else {
          scf.yield %scan3A_69, %scan3A_70, %reduce_max3A_77, %scan3A_71, %scan3A_72, %scan3A_73 : vector<16xf32>, vector<16xi32>, f32, i32, i32, i32
        }
        %iota3A_84 = tpu.iota {dimensions = array<i32: 0>} : vector<16xi32>
        %broadcast_in_dim3A_85 = vector.broadcast %cond3A_83#2 : f32 to vector<16xf32>
        %eq3A = arith.cmpf oeq, %cond3A_83#0, %broadcast_in_dim3A_85 : vector<16xf32>
        %jit3A = arith.constant 1073741824 : i32
        %broadcast_in_dim3A_86 = vector.broadcast %jit3A : i32 to vector<16xi32>
        %select_n3A = arith.select %eq3A, %cond3A_83#1, %broadcast_in_dim3A_86 : vector<16xi1>, vector<16xi32>
        %reduce_min3A = arith.constant true
        %reduce_min3A_87 = vector.broadcast %reduce_min3A : i1 to vector<16xi1>
        %reduce_min3A_88 = arith.constant -2147483648 : i32
        %reduce_min3A_89 = vector.broadcast %reduce_min3A_88 : i32 to vector<16xi32>
        %reduce_min3A_90 = arith.xori %select_n3A, %reduce_min3A_89 : vector<16xi32>
        %reduce_min3A_91 = tpu.scan <min>, %reduce_min3A_90 masked %reduce_min3A_87 : vector<16xi32>, vector<16xi1> -> vector<16xi32>
        %reduce_min3A_92 = arith.xori %reduce_min3A_91, %reduce_min3A_89 : vector<16xi32>
        %reduce_min3A_93 = vector.extract %reduce_min3A_92[15] : i32 from vector<16xi32>
        %broadcast_in_dim3A_94 = vector.broadcast %reduce_min3A_93 : i32 to vector<16xi32>
        %gather3A = tpu.vector_load_idx %arg9[%broadcast_in_dim3A_94] : memref<20480xf32, #tpu.memory_space<vmem>>[vector<16xi32>], vector<16xf32>,
        %gather3A_95 = tpu.vector_load_idx %arg10[%broadcast_in_dim3A_94] : memref<20480xf32, #tpu.memory_space<vmem>>[vector<16xi32>], vector<16xf32>,
        %gather3A_96 = tpu.vector_load_idx %arg11[%broadcast_in_dim3A_94] : memref<20480xf32, #tpu.memory_space<vmem>>[vector<16xi32>], vector<16xf32>,
        %gather3A_97 = tpu.vector_load_idx %arg12[%broadcast_in_dim3A_94] : memref<20480xf32, #tpu.memory_space<vmem>>[vector<16xi32>], vector<16xf32>,
        %sub3A = arith.subf %gather3A_96, %gather3A : vector<16xf32>
        %sub3A_98 = arith.subf %gather3A_97, %gather3A_95 : vector<16xf32>
        %mul3A_99 = arith.mulf %sub3A, %sub3A_98 : vector<16xf32>
        %gt3A_100 = arith.constant 0.00999999977 : f32
        %gt3A_101 = vector.broadcast %gt3A_100 : f32 to vector<16xf32>
        %gt3A_102 = arith.cmpf ogt, %broadcast_in_dim3A_85, %gt3A_101 : vector<16xf32>
        %broadcast_in_dim3A_103 = arith.constant 1.000000e+00 : f32
        %broadcast_in_dim3A_104 = vector.broadcast %broadcast_in_dim3A_103 : f32 to vector<16xf32>
        %broadcast_in_dim3A_105 = arith.constant 0.000000e+00 : f32
        %broadcast_in_dim3A_106 = vector.broadcast %broadcast_in_dim3A_105 : f32 to vector<16xf32>
        %select_n3A_107 = arith.select %gt3A_102, %broadcast_in_dim3A_104, %broadcast_in_dim3A_106 : vector<16xi1>, vector<16xf32>
        %eq3A_108 = arith.constant 0 : i32
        %eq3A_109 = vector.broadcast %eq3A_108 : i32 to vector<16xi32>
        %eq3A_110 = arith.cmpi eq, %iota3A_84, %eq3A_109 : vector<16xi32>
        %convert_element_type3A_111 = arith.extui %eq3A_110 : vector<16xi1> to vector<16xi32>
        %convert_element_type3A_112 = arith.sitofp %convert_element_type3A_111 : vector<16xi32> to vector<16xf32>
        %mul3A_113 = arith.mulf %convert_element_type3A_112, %broadcast_in_dim3A_85 : vector<16xf32>
        %eq3A_114 = arith.constant 1 : i32
        %eq3A_115 = vector.broadcast %eq3A_114 : i32 to vector<16xi32>
        %eq3A_116 = arith.cmpi eq, %iota3A_84, %eq3A_115 : vector<16xi32>
        %convert_element_type3A_117 = arith.extui %eq3A_116 : vector<16xi1> to vector<16xi32>
        %convert_element_type3A_118 = arith.sitofp %convert_element_type3A_117 : vector<16xi32> to vector<16xf32>
        %mul3A_119 = arith.mulf %convert_element_type3A_118, %gather3A : vector<16xf32>
        %add3A_120 = arith.addf %mul3A_113, %mul3A_119 : vector<16xf32>
        %eq3A_121 = arith.constant 2 : i32
        %eq3A_122 = vector.broadcast %eq3A_121 : i32 to vector<16xi32>
        %eq3A_123 = arith.cmpi eq, %iota3A_84, %eq3A_122 : vector<16xi32>
        %convert_element_type3A_124 = arith.extui %eq3A_123 : vector<16xi1> to vector<16xi32>
        %convert_element_type3A_125 = arith.sitofp %convert_element_type3A_124 : vector<16xi32> to vector<16xf32>
        %mul3A_126 = arith.mulf %convert_element_type3A_125, %gather3A_95 : vector<16xf32>
        %add3A_127 = arith.addf %add3A_120, %mul3A_126 : vector<16xf32>
        %eq3A_128 = arith.constant 3 : i32
        %eq3A_129 = vector.broadcast %eq3A_128 : i32 to vector<16xi32>
        %eq3A_130 = arith.cmpi eq, %iota3A_84, %eq3A_129 : vector<16xi32>
        %convert_element_type3A_131 = arith.extui %eq3A_130 : vector<16xi1> to vector<16xi32>
        %convert_element_type3A_132 = arith.sitofp %convert_element_type3A_131 : vector<16xi32> to vector<16xf32>
        %mul3A_133 = arith.mulf %convert_element_type3A_132, %gather3A_96 : vector<16xf32>
        %add3A_134 = arith.addf %add3A_127, %mul3A_133 : vector<16xf32>
        %eq3A_135 = arith.constant 4 : i32
        %eq3A_136 = vector.broadcast %eq3A_135 : i32 to vector<16xi32>
        %eq3A_137 = arith.cmpi eq, %iota3A_84, %eq3A_136 : vector<16xi32>
        %convert_element_type3A_138 = arith.extui %eq3A_137 : vector<16xi1> to vector<16xi32>
        %convert_element_type3A_139 = arith.sitofp %convert_element_type3A_138 : vector<16xi32> to vector<16xf32>
        %mul3A_140 = arith.mulf %convert_element_type3A_139, %gather3A_97 : vector<16xf32>
        %add3A_141 = arith.addf %add3A_134, %mul3A_140 : vector<16xf32>
        %mul3A_142 = arith.mulf %add3A_141, %select_n3A_107 : vector<16xf32>
        %mul3A_143 = arith.constant 16 : i32
        %mul3A_144 = arith.muli %scan3A_68, %mul3A_143 : i32
        %swap3A = arith.index_cast %mul3A_144 : i32 to index
        %swap3A_145 = tpu.vector_load %arg13[%swap3A] {strides = array<i32>} : memref<3200xf32, #tpu.memory_space<vmem>>, vector<16xf32>,
        tpu.vector_store %arg13[%swap3A], %mul3A_142 {strides = array<i32>} : memref<3200xf32, #tpu.memory_space<vmem>>, vector<16xf32>,
        %broadcast_in_dim3A_146 = arith.constant -3.000000e+38 : f32
        %broadcast_in_dim3A_147 = vector.broadcast %broadcast_in_dim3A_146 : f32 to vector<16xf32>
        %broadcast_in_dim3A_148 = arith.constant 0 : i32
        %broadcast_in_dim3A_149 = vector.broadcast %broadcast_in_dim3A_148 : i32 to vector<16xi32>
        %broadcast_in_dim3A_150 = arith.constant -1 : i32
        %broadcast_in_dim3A_151 = vector.broadcast %broadcast_in_dim3A_150 : i32 to vector<16xi32>
        %parallel_loop3A_152 = arith.constant 0 : i32
        %parallel_loop3A_153 = arith.constant 16 : i32
        %parallel_loop3A_154:8 = scf.for %parallel_loop3A_190 = %parallel_loop3A_152 to %cond3A_83#3 step %parallel_loop3A_153 iter_args(%parallel_loop3A_191 = %broadcast_in_dim3A_147, %parallel_loop3A_192 = %broadcast_in_dim3A_149, %parallel_loop3A_193 = %broadcast_in_dim3A_151, %parallel_loop3A_194 = %gather3A, %parallel_loop3A_195 = %gather3A_95, %parallel_loop3A_196 = %gather3A_96, %parallel_loop3A_197 = %gather3A_97, %parallel_loop3A_198 = %mul3A_99) -> (vector<16xf32>, vector<16xi32>, vector<16xi32>, vector<16xf32>, vector<16xf32>, vector<16xf32>, vector<16xf32>, vector<16xf32>)  : i32 {
          %parallel_loop3A_199 = arith.index_cast %parallel_loop3A_190 : i32 to index
          %parallel_loop3A_200 = tpu.vector_load %arg7[%parallel_loop3A_199] {strides = array<i32>} : memref<1088xf32, #tpu.memory_space<vmem>>, vector<16xf32>,
          %parallel_loop3A_201 = arith.index_cast %parallel_loop3A_190 : i32 to index
          %parallel_loop3A_202 = tpu.vector_load %arg8[%parallel_loop3A_201] {strides = array<i32>} : memref<1088xi32, #tpu.memory_space<vmem>>, vector<16xi32>,
          %parallel_loop3A_203 = tpu.vector_load_idx %arg9[%parallel_loop3A_202] : memref<20480xf32, #tpu.memory_space<vmem>>[vector<16xi32>], vector<16xf32>,
          %parallel_loop3A_204 = tpu.vector_load_idx %arg10[%parallel_loop3A_202] : memref<20480xf32, #tpu.memory_space<vmem>>[vector<16xi32>], vector<16xf32>,
          %parallel_loop3A_205 = tpu.vector_load_idx %arg11[%parallel_loop3A_202] : memref<20480xf32, #tpu.memory_space<vmem>>[vector<16xi32>], vector<16xf32>,
          %parallel_loop3A_206 = tpu.vector_load_idx %arg12[%parallel_loop3A_202] : memref<20480xf32, #tpu.memory_space<vmem>>[vector<16xi32>], vector<16xf32>,
          %parallel_loop3A_207 = arith.subf %parallel_loop3A_205, %parallel_loop3A_203 : vector<16xf32>
          %parallel_loop3A_208 = arith.subf %parallel_loop3A_206, %parallel_loop3A_204 : vector<16xf32>
          %parallel_loop3A_209 = arith.mulf %parallel_loop3A_207, %parallel_loop3A_208 : vector<16xf32>
          %parallel_loop3A_210 = arith.maximumf %parallel_loop3A_203, %parallel_loop3A_194 : vector<16xf32>
          %parallel_loop3A_211 = arith.maximumf %parallel_loop3A_204, %parallel_loop3A_195 : vector<16xf32>
          %parallel_loop3A_212 = arith.minimumf %parallel_loop3A_205, %parallel_loop3A_196 : vector<16xf32>
          %parallel_loop3A_213 = arith.minimumf %parallel_loop3A_206, %parallel_loop3A_197 : vector<16xf32>
          %parallel_loop3A_214 = arith.subf %parallel_loop3A_212, %parallel_loop3A_210 : vector<16xf32>
          %parallel_loop3A_215 = arith.constant 0.000000e+00 : f32
          %parallel_loop3A_216 = vector.broadcast %parallel_loop3A_215 : f32 to vector<16xf32>
          %parallel_loop3A_217 = arith.maximumf %parallel_loop3A_214, %parallel_loop3A_216 : vector<16xf32>
          %parallel_loop3A_218 = arith.subf %parallel_loop3A_213, %parallel_loop3A_211 : vector<16xf32>
          %parallel_loop3A_219 = arith.constant 0.000000e+00 : f32
          %parallel_loop3A_220 = vector.broadcast %parallel_loop3A_219 : f32 to vector<16xf32>
          %parallel_loop3A_221 = arith.maximumf %parallel_loop3A_218, %parallel_loop3A_220 : vector<16xf32>
          %parallel_loop3A_222 = arith.mulf %parallel_loop3A_217, %parallel_loop3A_221 : vector<16xf32>
          %parallel_loop3A_223 = arith.addf %parallel_loop3A_198, %parallel_loop3A_209 : vector<16xf32>
          %parallel_loop3A_224 = arith.subf %parallel_loop3A_223, %parallel_loop3A_222 : vector<16xf32>
          %parallel_loop3A_225 = arith.constant 9.99999971E-10 : f32
          %parallel_loop3A_226 = vector.broadcast %parallel_loop3A_225 : f32 to vector<16xf32>
          %parallel_loop3A_227 = arith.addf %parallel_loop3A_224, %parallel_loop3A_226 : vector<16xf32>
          %parallel_loop3A_228 = arith.divf %parallel_loop3A_222, %parallel_loop3A_227 : vector<16xf32>
          %parallel_loop3A_229 = arith.constant 4.500000e-01 : f32
          %parallel_loop3A_230 = vector.broadcast %parallel_loop3A_229 : f32 to vector<16xf32>
          %parallel_loop3A_231 = arith.cmpf ogt, %parallel_loop3A_228, %parallel_loop3A_230 : vector<16xf32>
          %parallel_loop3A_232 = arith.constant -1.000000e+09 : f32
          %parallel_loop3A_233 = vector.broadcast %parallel_loop3A_232 : f32 to vector<16xf32>
          %parallel_loop3A_234 = arith.select %parallel_loop3A_231, %parallel_loop3A_233, %parallel_loop3A_200 : vector<16xi1>, vector<16xf32>
          %parallel_loop3A_235 = arith.constant 0.000000e+00 : f32
          %parallel_loop3A_236 = vector.broadcast %parallel_loop3A_235 : f32 to vector<16xf32>
          %parallel_loop3A_237 = arith.cmpf ogt, %parallel_loop3A_234, %parallel_loop3A_236 : vector<16xf32>
          %parallel_loop3A_238 = arith.extui %parallel_loop3A_237 : vector<16xi1> to vector<16xi32>
          %parallel_loop3A_239 = arith.constant true
          %parallel_loop3A_240 = vector.broadcast %parallel_loop3A_239 : i1 to vector<16xi1>
          %parallel_loop3A_241 = tpu.scan <sum>, %parallel_loop3A_238 masked %parallel_loop3A_240 : vector<16xi32>, vector<16xi1> -> vector<16xi32>
          %parallel_loop3A_242 = arith.addi %parallel_loop3A_193, %parallel_loop3A_241 : vector<16xi32>
          tpu.vector_store_idx %arg7[%parallel_loop3A_242], %parallel_loop3A_234 masked %parallel_loop3A_237 : memref<1088xf32, #tpu.memory_space<vmem>>[vector<16xi32>], vector<16xf32>, vector<16xi1>
          tpu.vector_store_idx %arg8[%parallel_loop3A_242], %parallel_loop3A_202 masked %parallel_loop3A_237 : memref<1088xi32, #tpu.memory_space<vmem>>[vector<16xi32>], vector<16xi32>, vector<16xi1>
          %parallel_loop3A_243 = tpu.all_reduce %parallel_loop3A_237 {dim = 0 : i64, kind = #tpu.reduction_kind<sum>} : vector<16xi1> -> vector<16xi32>
          %parallel_loop3A_244 = arith.addi %parallel_loop3A_193, %parallel_loop3A_243 : vector<16xi32>
          %parallel_loop3A_245 = arith.maximumf %parallel_loop3A_191, %parallel_loop3A_234 : vector<16xf32>
          %parallel_loop3A_246 = arith.cmpf ogt, %parallel_loop3A_245, %parallel_loop3A_191 : vector<16xf32>
          %parallel_loop3A_247 = arith.select %parallel_loop3A_246, %parallel_loop3A_202, %parallel_loop3A_192 : vector<16xi1>, vector<16xi32>
          scf.yield %parallel_loop3A_245, %parallel_loop3A_247, %parallel_loop3A_244, %parallel_loop3A_194, %parallel_loop3A_195, %parallel_loop3A_196, %parallel_loop3A_197, %parallel_loop3A_198 : vector<16xf32>, vector<16xi32>, vector<16xi32>, vector<16xf32>, vector<16xf32>, vector<16xf32>, vector<16xf32>, vector<16xf32>
        } {sc.loop_unroll_factor = 4 : i64, sc.parallel_access}
        %iota3A_155 = tpu.iota {dimensions = array<i32: 0>} : vector<16xi32>
        %broadcast_in_dim3A_156 = arith.constant -1.000000e+09 : f32
        %broadcast_in_dim3A_157 = vector.broadcast %broadcast_in_dim3A_156 : f32 to vector<16xf32>
        %add3A_158 = arith.constant 1 : i32
        %add3A_159 = vector.broadcast %add3A_158 : i32 to vector<16xi32>
        %add3A_160 = arith.addi %parallel_loop3A_154#2, %add3A_159 : vector<16xi32>
        %add3A_161 = arith.addi %add3A_160, %iota3A_155 : vector<16xi32>
        tpu.vector_store_idx %arg7[%add3A_161], %broadcast_in_dim3A_157 : memref<1088xf32, #tpu.memory_space<vmem>>[vector<16xi32>], vector<16xf32>,
        %add3A_162 = arith.constant 17 : i32
        %add3A_163 = vector.broadcast %add3A_162 : i32 to vector<16xi32>
        %add3A_164 = arith.addi %parallel_loop3A_154#2, %add3A_163 : vector<16xi32>
        %add3A_165 = arith.addi %add3A_164, %iota3A_155 : vector<16xi32>
        tpu.vector_store_idx %arg7[%add3A_165], %broadcast_in_dim3A_157 : memref<1088xf32, #tpu.memory_space<vmem>>[vector<16xi32>], vector<16xf32>,
        %add3A_166 = arith.constant 33 : i32
        %add3A_167 = vector.broadcast %add3A_166 : i32 to vector<16xi32>
        %add3A_168 = arith.addi %parallel_loop3A_154#2, %add3A_167 : vector<16xi32>
        %add3A_169 = arith.addi %add3A_168, %iota3A_155 : vector<16xi32>
        tpu.vector_store_idx %arg7[%add3A_169], %broadcast_in_dim3A_157 : memref<1088xf32, #tpu.memory_space<vmem>>[vector<16xi32>], vector<16xf32>,
        %add3A_170 = arith.constant 49 : i32
        %add3A_171 = vector.broadcast %add3A_170 : i32 to vector<16xi32>
        %add3A_172 = arith.addi %parallel_loop3A_154#2, %add3A_171 : vector<16xi32>
        %add3A_173 = arith.addi %add3A_172, %iota3A_155 : vector<16xi32>
        tpu.vector_store_idx %arg7[%add3A_173], %broadcast_in_dim3A_157 : memref<1088xf32, #tpu.memory_space<vmem>>[vector<16xi32>], vector<16xf32>,
        %reduce_max3A_174 = arith.constant true
        %reduce_max3A_175 = vector.broadcast %reduce_max3A_174 : i1 to vector<16xi1>
        %reduce_max3A_176 = arith.constant -2147483648 : i32
        %reduce_max3A_177 = vector.broadcast %reduce_max3A_176 : i32 to vector<16xi32>
        %reduce_max3A_178 = arith.xori %parallel_loop3A_154#2, %reduce_max3A_177 : vector<16xi32>
        %reduce_max3A_179 = tpu.scan <max>, %reduce_max3A_178 masked %reduce_max3A_175 : vector<16xi32>, vector<16xi1> -> vector<16xi32>
        %reduce_max3A_180 = arith.xori %reduce_max3A_179, %reduce_max3A_177 : vector<16xi32>
        %reduce_max3A_181 = vector.extract %reduce_max3A_180[15] : i32 from vector<16xi32>
        %add3A_182 = arith.constant 1 : i32
        %add3A_183 = arith.addi %reduce_max3A_181, %add3A_182 : i32
        %add3A_184 = arith.constant 63 : i32
        %add3A_185 = arith.addi %add3A_183, %add3A_184 : i32
        %shift_right_arithmetic3A_186 = arith.constant 6 : i32
        %shift_right_arithmetic3A_187 = arith.shrsi %add3A_185, %shift_right_arithmetic3A_186 : i32
        %shift_left3A_188 = arith.constant 6 : i32
        %shift_left3A_189 = arith.shli %shift_right_arithmetic3A_187, %shift_left3A_188 : i32
        scf.yield %parallel_loop3A_154#0, %parallel_loop3A_154#1, %shift_left3A_189, %cond3A_83#4, %cond3A_83#5 : vector<16xf32>, vector<16xi32>, i32, i32, i32
      }
      %scan3A_63 = arith.constant 200 : i32
      %mul3A_64 = arith.constant 200 : i32
      %mul3A_65 = arith.muli %add3A, %mul3A_64 : i32
      %mul3A_66 = arith.constant 16 : i32
      %mul3A_67 = arith.muli %mul3A_65, %mul3A_66 : i32
      "tpu.region"() ({
        %run_scoped3A = tpu.sem_alloc : memref<!tpu.dma_semaphore, #tpu.memory_space<semaphore_mem>>
        %dma_start3A = tpu.memref_slice %arg4[%mul3A_67] : memref<64000xf32, #tpu.memory_space<hbm>> -> memref<3200xf32, #tpu.memory_space<hbm>>
        %dma_start3A_68 = tpu.memref_slice %arg4[%mul3A_67] : memref<64000xf32, #tpu.memory_space<hbm>> -> memref<3200xf32, #tpu.memory_space<hbm>>
        tpu.enqueue_dma source(%arg13 : memref<3200xf32, #tpu.memory_space<vmem>>) target(%dma_start3A_68 : memref<3200xf32, #tpu.memory_space<hbm>>) target_semaphore(%run_scoped3A : memref<!tpu.dma_semaphore, #tpu.memory_space<semaphore_mem>>)
        %dma_wait3A = tpu.memref_slice %arg4[%mul3A_67] : memref<64000xf32, #tpu.memory_space<hbm>> -> memref<3200xf32, #tpu.memory_space<hbm>>
        %dma_wait3A_69 = tpu.memref_slice %arg4[%mul3A_67] : memref<64000xf32, #tpu.memory_space<hbm>> -> memref<3200xf32, #tpu.memory_space<hbm>>
        tpu.wait_dma2 semaphore(%run_scoped3A : memref<!tpu.dma_semaphore, #tpu.memory_space<semaphore_mem>>) src(%arg13 : memref<3200xf32, #tpu.memory_space<vmem>>) dst(%dma_wait3A_69 : memref<3200xf32, #tpu.memory_space<hbm>>)
        tpu.yield
      }) : () -> ()
    } else {
    }
    return
  }
}

module attributes {stable_mosaic.version = 14 : i64} {
  func.func @_prep_body(%arg0: memref<21x20000xf32, #tpu.memory_space<vmem>>, %arg1: memref<4x20000xf32, #tpu.memory_space<vmem>>, %arg2: memref<4x20000xf32, #tpu.memory_space<vmem>>, %arg3: memref<20x20480xf32, #tpu.memory_space<vmem>>, %arg4: memref<4x20480xf32, #tpu.memory_space<vmem>>) attributes {dimension_semantics = [], scalar_prefetch = 0 : i64, scratch_operands = 0 : i64, tpu.core_type = #tpu.core_type<tc>} {
    %get3A = arith.constant 0 : index
    %get3A_0 = arith.constant 0 : index
    %get3A_1 = vector.load %arg0[%get3A, %get3A_0] : memref<21x20000xf32, #tpu.memory_space<vmem>>, vector<21x20000xf32>
    %reduce_max3A = arith.constant dense<0xFF800000> : vector<20000xf32>
    %reduce_max3A_2 = vector.multi_reduction <maximumf>, %get3A_1, %reduce_max3A [0] : vector<21x20000xf32> to vector<20000xf32>
    %broadcast_in_dim3A = vector.shape_cast %reduce_max3A_2 : vector<20000xf32> to vector<1x20000xf32>
    %sub3A = vector.broadcast %broadcast_in_dim3A : vector<1x20000xf32> to vector<21x20000xf32>
    %sub3A_3 = arith.subf %get3A_1, %sub3A : vector<21x20000xf32>
    %exp3A = math.exp %sub3A_3 : vector<21x20000xf32>
    %reduce_sum3A = arith.constant dense<0.000000e+00> : vector<20000xf32>
    %reduce_sum3A_4 = vector.multi_reduction <add>, %exp3A, %reduce_sum3A [0] : vector<21x20000xf32> to vector<20000xf32>
    %broadcast_in_dim3A_5 = vector.shape_cast %reduce_sum3A_4 : vector<20000xf32> to vector<1x20000xf32>
    %div3A = vector.broadcast %broadcast_in_dim3A_5 : vector<1x20000xf32> to vector<21x20000xf32>
    %div3A_6 = arith.divf %exp3A, %div3A : vector<21x20000xf32>
    %slice3A = vector.extract_strided_slice %div3A_6 {offsets = [1, 0], sizes = [20, 20000], strides = [1, 1]} : vector<21x20000xf32> to vector<20x20000xf32>
    %broadcast_in_dim3A_7 = arith.constant -1.000000e+09 : f32
    %broadcast_in_dim3A_8 = vector.broadcast %broadcast_in_dim3A_7 : f32 to vector<20x480xf32>
    %gt3A = arith.constant 0.00999999977 : f32
    %gt3A_9 = vector.broadcast %gt3A : f32 to vector<20x20000xf32>
    %gt3A_10 = arith.cmpf ogt, %slice3A, %gt3A_9 : vector<20x20000xf32>
    %jit3A = arith.constant -1.000000e+09 : f32
    %broadcast_in_dim3A_11 = vector.broadcast %jit3A : f32 to vector<20x20000xf32>
    %select_n3A = arith.select %gt3A_10, %slice3A, %broadcast_in_dim3A_11 : vector<20x20000xi1>, vector<20x20000xf32>
    %concatenate3A = tpu.concatenate %select_n3A, %broadcast_in_dim3A_8 in 1 : vector<20x20000xf32>, vector<20x480xf32> -> vector<20x20480xf32>
    %swap3A = arith.constant 0 : index
    %swap3A_12 = arith.constant 0 : index
    %swap3A_13 = vector.load %arg3[%swap3A, %swap3A_12] : memref<20x20480xf32, #tpu.memory_space<vmem>>, vector<20x20480xf32>
    tpu.vector_store %arg3[%swap3A, %swap3A_12], %concatenate3A {strides = array<i32>} : memref<20x20480xf32, #tpu.memory_space<vmem>>, vector<20x20480xf32>,
    %get3A_14 = arith.constant 0 : index
    %get3A_15 = arith.constant 0 : index
    %get3A_16 = vector.load %arg1[%get3A_14, %get3A_15] : memref<4x20000xf32, #tpu.memory_space<vmem>>, vector<2x20000xf32>
    %get3A_17 = arith.constant 2 : index
    %get3A_18 = arith.constant 0 : index
    %get3A_19 = vector.load %arg1[%get3A_17, %get3A_18] : memref<4x20000xf32, #tpu.memory_space<vmem>>, vector<2x20000xf32>
    %get3A_20 = arith.constant 0 : index
    %get3A_21 = arith.constant 0 : index
    %get3A_22 = vector.load %arg2[%get3A_20, %get3A_21] : memref<4x20000xf32, #tpu.memory_space<vmem>>, vector<2x20000xf32>
    %get3A_23 = arith.constant 2 : index
    %get3A_24 = arith.constant 0 : index
    %get3A_25 = vector.load %arg2[%get3A_23, %get3A_24] : memref<4x20000xf32, #tpu.memory_space<vmem>>, vector<2x20000xf32>
    %mul3A = arith.constant 1.000000e-01 : f32
    %mul3A_26 = vector.broadcast %mul3A : f32 to vector<2x20000xf32>
    %mul3A_27 = arith.mulf %get3A_16, %mul3A_26 : vector<2x20000xf32>
    %mul3A_28 = arith.mulf %mul3A_27, %get3A_25 : vector<2x20000xf32>
    %add3A = arith.addf %get3A_22, %mul3A_28 : vector<2x20000xf32>
    %mul3A_29 = arith.constant 2.000000e-01 : f32
    %mul3A_30 = vector.broadcast %mul3A_29 : f32 to vector<2x20000xf32>
    %mul3A_31 = arith.mulf %get3A_19, %mul3A_30 : vector<2x20000xf32>
    %exp3A_32 = math.exp %mul3A_31 : vector<2x20000xf32>
    %mul3A_33 = arith.mulf %get3A_25, %exp3A_32 : vector<2x20000xf32>
    %div3A_34 = arith.constant 2.000000e+00 : f32
    %div3A_35 = vector.broadcast %div3A_34 : f32 to vector<2x20000xf32>
    %div3A_36 = arith.divf %mul3A_33, %div3A_35 : vector<2x20000xf32>
    %sub3A_37 = arith.subf %add3A, %div3A_36 : vector<2x20000xf32>
    %add3A_38 = arith.addf %sub3A_37, %mul3A_33 : vector<2x20000xf32>
    %broadcast_in_dim3A_39 = arith.constant 1.000000e+30 : f32
    %broadcast_in_dim3A_40 = vector.broadcast %broadcast_in_dim3A_39 : f32 to vector<4x480xf32>
    %concatenate3A_41 = tpu.concatenate %sub3A_37, %add3A_38 in 0 : vector<2x20000xf32>, vector<2x20000xf32> -> vector<4x20000xf32>
    %concatenate3A_42 = tpu.concatenate %concatenate3A_41, %broadcast_in_dim3A_40 in 1 : vector<4x20000xf32>, vector<4x480xf32> -> vector<4x20480xf32>
    %swap3A_43 = arith.constant 0 : index
    %swap3A_44 = arith.constant 0 : index
    %swap3A_45 = vector.load %arg4[%swap3A_43, %swap3A_44] : memref<4x20480xf32, #tpu.memory_space<vmem>>, vector<4x20480xf32>
    tpu.vector_store %arg4[%swap3A_43, %swap3A_44], %concatenate3A_42 {strides = array<i32>} : memref<4x20480xf32, #tpu.memory_space<vmem>>, vector<4x20480xf32>,
    return
  }
}

</mosaic_0001>

<sc_bundles>
// kernel: kernel.4.cloned.1.call-start
scs
__scs_entry_jumppad:
0x0: {  	(pc) =	sbr.rel $0x88, $3  }
0x1: {  	(tag) =	ssettag $0x0;
	lr =	simm.s32 $0x1  }
0x2: {  	[smem:$0x3F9E] =	sst lr;
	_ =	strace $0xD0000000  }
0x3: {  	_ = 	snop  }
0x4: {  	_ = 	snop  }
0x5: {  	_ = 	snop  }
0x6: {  	_ = 	snop  }
0x7: {  	_ = 	snop  }
__scs_overlays_trampoline_lowered:
0x8: {  	[smem:$0x3FAD] =	sst s0  }
0x9: {  	[smem:$0x3FAE] =	sst s1  }
0xa: {  	[smem:$0x3FAF] =	sst s2  }
0xb: {  	[smem:$0x3FB0] =	sst s3  }
0xc: {  	[smem:$0x3FB1] =	sst s4  }
0xd: {  	[smem:$0x3FB2] =	sst s5  }
0xe: {  	[smem:$0x3FB3] =	sst s6  }
0xf: {  	[smem:$0x3FB4] =	sst s7  }
0x10: {  	[smem:$0x3FB5] =	sst s8  }
0x11: {  	[smem:$0x3FB6] =	sst s9;
	s0 =	simm.s32 @!p0 $0x0  }
0x12: {  	s1 =	sld [smem:$0x3F9C];
	s0 =	simm.s32 @p0 $0x1  }
0x13: {  	[smem:$0x3FB7] =	sst s0;
	s0 =	simm.s32 @!p1 $0x0  }
0x14: {  	s2 =	sld [smem:$0x3F9B];
	s0 =	simm.s32 @p1 $0x1  }
0x15: {  	[smem:$0x3FB8] =	sst s0;
	s0 =	simm.s32 @!p2 $0x0  }
0x16: {  	s3 =	sld [smem:$0x3FDB];
	s0 =	simm.s32 @p2 $0x1  }
0x17: {  	s4 =	simm.s32 $0x1BF5;
	[smem:$0x3FBA] =	sst s0  }
0x18: {  	s0 =	sld [smem:$0x3F9D];
	_ =	swait.ge [sflag:s4], $0x0  }
0x19: {  	s7 =	sld [smem:$0x3F9E]  }
0x1a: {  	s8 =	sadd.s32 $0xFFFFE003, lr  }
0x1b: {  	s9 =	sadd.s32 $0xFFFFFEF7, lr;
	s5 =	simm.s32 $0xFFFFFFFF;
	p2 =	slt.u32 s8, $0xFFFFF086  }
0x1c: {  	p1 =	slt.u32 s9, $0xF7A;
	s5 =	simm.s32 @!p2 $0x0  }
0x1d: {  	s5 =	simm.s32 @p1 $0x1;
	p0 =	seq.s32 s7, s2  }
0x1e: {  	s7 =	smul.u32 @!p0 $0xF7A, s2;
	p2 =	seq.s32 @!p0 s5, $0x0  }
0x1f: {  	s9 =	smul.u32 $0xF7A, s1;
	s8 =	simm.s32 @!p0 $0x1BF5;
	p2 =	por !p2, p0  }
0x20: {  	[sflag:s8] =	ssyncset.s32 @!p0 $0xFFFFF086;
	s6 =	sadd.s32 @!p0 s3, s7;
	s7 =	simm.s32 @!p0 $0x108  }
0x21: {  	s3 =	sadd.s32 s3, s9;
	s6 =	sadd.s32 @!p0 $0x88, s6;
	s7 =	simm.s32 @p2 $0x1082  }
0x22: {  	[simem:s7], [sflag:s8] =	dma.local @!p0 [hbm:s6], $0xF7A  }
0x23: {  	s9 =	sor.u32 $0xD0000000, s2;
	s6 =	simm.s32 $0x108;
	_ =	swait.ge @!p0 [sflag:s8], $0x0  }
0x24: {  	s3 =	sadd.s32 $0x88, s3;
	s6 =	simm.s32 @!p1 $0x1082;
	[sflag:s4] =	ssyncset.s32 $0xFFFFF086  }
0x25: {  	[simem:s6], [sflag:s4] =	dma.local [hbm:s3], $0xF7A  }
0x26: {  	[smem:$0x3F9E] =	sst s1;
	(tag) =	ssettag s2;
	_ =	strace s9  }
0x27: {  	s1 =	sld [smem:$0x3FAE]  }
0x28: {  	s2 =	sld [smem:$0x3FAF]  }
0x29: {  	s4 =	sld [smem:$0x3FB1]  }
0x2a: {  	p0 =	seq.s32 s5, $0x0;
	s5 =	sld [smem:$0x3FB2]  }
0x2b: {  	s6 =	sld [smem:$0x3FB3]  }
0x2c: {  	s7 =	sld [smem:$0x3FB4]  }
0x2d: {  	s3 =	simm.s32 $0x108;
	s8 =	sld [smem:$0x3FB5]  }
0x2e: {  	s3 =	simm.s32 @!p0 $0x1082;
	s9 =	sld [smem:$0x3FB6]  }
0x2f: {  	lr =	sadd.s32 s0, s3;
	s0 =	sld [smem:$0x3FAD]  }
0x30: {  	s3 =	sld [smem:$0x3FB0]  }
0x31: {  	[smem:$0x3FB9] =	sst s10  }
0x32: {  	s10 =	sld [smem:$0x3FB7];
	_ =	sdelay $0x3  }
0x33: {  	p0 =	seq.s32 s10, $0x1;
	s10 =	sld [smem:$0x3FB9];
	_ =	sdelay $0x3  }
0x34: {  	[smem:$0x3FB9] =	sst s10  }
0x35: {  	s10 =	sld [smem:$0x3FB8];
	_ =	sdelay $0x3  }
0x36: {  	p1 =	seq.s32 s10, $0x1;
	s10 =	sld [smem:$0x3FB9];
	_ =	sdelay $0x3  }
0x37: {  	[smem:$0x3FB9] =	sst s10  }
0x38: {  	s10 =	sld [smem:$0x3FBA]  }
0x39: {  	_ = 	snop;
	(pc) =	sbr.ind lr, $3  }
0x3a: {  	_ = 	snop  }
0x3b: {  	_ = 	snop  }
0x3c: {  	p2 =	seq.s32 s10, $0x1;
	s10 =	sld [smem:$0x3FB9]  }
0x3d: {  	_ =	shalt  }
0x3e: {  	_ =	shalt  }
0x3f: {  	_ =	shalt  }
0x40: {  	_ =	shalt  }
0x41: {  	_ =	shalt  }
0x42: {  	_ =	shalt  }
0x43: {  	_ =	shalt  }
0x44: {  	_ =	shalt  }
0x45: {  	_ =	shalt  }
0x46: {  	_ =	shalt  }
0x47: {  	_ =	shalt  }
0x48: {  	_ =	shalt  }
0x49: {  	_ =	shalt  }
0x4a: {  	_ =	shalt  }
0x4b: {  	_ =	shalt  }
0x4c: {  	_ =	shalt  }
0x4d: {  	_ =	shalt  }
0x4e: {  	_ =	shalt  }
0x4f: {  	_ =	shalt  }
0x50: {  	_ =	shalt  }
0x51: {  	_ =	shalt  }
0x52: {  	_ =	shalt  }
0x53: {  	_ =	shalt  }
0x54: {  	_ =	shalt  }
0x55: {  	_ =	shalt  }
0x56: {  	_ =	shalt  }
0x57: {  	_ =	shalt  }
0x58: {  	_ =	shalt  }
0x59: {  	_ =	shalt  }
0x5a: {  	_ =	shalt  }
0x5b: {  	_ =	shalt  }
0x5c: {  	_ =	shalt  }
0x5d: {  	_ =	shalt  }
0x5e: {  	_ =	shalt  }
0x5f: {  	_ =	shalt  }
0x60: {  	_ =	shalt  }
0x61: {  	_ =	shalt  }
0x62: {  	_ =	shalt  }
0x63: {  	_ =	shalt  }
0x64: {  	_ =	shalt  }
0x65: {  	_ =	shalt  }
0x66: {  	_ =	shalt  }
0x67: {  	_ =	shalt  }
0x68: {  	_ =	shalt  }
0x69: {  	_ =	shalt  }
0x6a: {  	_ =	shalt  }
0x6b: {  	_ =	shalt  }
0x6c: {  	_ =	shalt  }
0x6d: {  	_ =	shalt  }
0x6e: {  	_ =	shalt  }
0x6f: {  	_ =	shalt  }
0x70: {  	_ =	shalt  }
0x71: {  	_ =	shalt  }
0x72: {  	_ =	shalt  }
0x73: {  	_ =	shalt  }
0x74: {  	_ =	shalt  }
0x75: {  	_ =	shalt  }
0x76: {  	_ =	shalt  }
0x77: {  	_ =	shalt  }
0x78: {  	_ =	shalt  }
0x79: {  	_ =	shalt  }
0x7a: {  	_ =	shalt  }
0x7b: {  	_ =	shalt  }
0x7c: {  	_ =	shalt  }
0x7d: {  	_ =	shalt  }
0x7e: {  	_ =	shalt  }
0x7f: {  	_ =	shalt  }
0x80: {  	_ =	shalt  }
0x81: {  	_ =	shalt  }
0x82: {  	_ =	shalt  }
0x83: {  	_ =	shalt  }
0x84: {  	_ =	shalt  }
0x85: {  	_ =	shalt  }
0x86: {  	_ =	shalt  }
0x87: {  	_ =	shalt  }
.Lfunc_end0:
.L_simem_size_0:
called_computation_lowered:
.L_overlay_start_0:
0x88: {  	s2 =	sld [smem:$0x3FD9]  }
0x89: {  	s3 =	sld [smem:$0x3FFE];
	_ =	sdelay $0x1  }
0x8a: {  	s1 =	srdreg.scid  }
0x8b: {  	s0 =	sand.u32 $0x1, s1  }
0x8c: {  	s16 =	sshll.u32 s0, $0xA;
	s2 =	sadd.s32 s3, s2  }
0x8d: {  	s2 =	sadd.s32 s2, s16  }
0x8e: {  	[smem:$0x3FC5] =	sst s2  }
0x8f: {  	_ = 	snop  }
0x90: {  	(tm) =	ssettm $0x1  }
0x91: {  	s17 =	sld [smem:$0x3FFB];
	_ =	sdelay $0x3  }
0x92: {  	_ =	strace s17  }
0x93: {  	s2 =	sld [smem:$0x3FFC];
	_ =	sdelay $0x3  }
0x94: {  	_ =	strace s2  }
0x95: {  	s2 =	sld [smem:$0x3FFD];
	_ =	sdelay $0x3  }
0x96: {  	_ =	strace s2  }
0x97: {  	_ =	strace $0x8FFFFFFF  }
0x98: {  	s18 =	sld [smem:$0x3FDB];
	_ =	sdelay $0x1  }
0x99: {  	s19 =	simm.s32 $_scs_section_size  }
0x9a: {  	s4 =	simm.s32 $_size__tile_overlayer_lowered;
	s5 =	simm.s32 $_tile_overlayer_lowered  }
0x9b: {  	s22 =	simm.s32 $0x1BFF;
	s21 =	sshll.u32 s5, $0x1;
	s2 =	sadd.s32 s19, s18  }
0x9c: {  	s6 =	simm.s32 $0x0;
	s20 =	sshll.u32 s4, $0x1;
	s4 =	sadd.s32 s21, s2  }
0x9d: {  	[timem:s6], [sflag:s22] =	dma.local [hbm:s4], s20  }
0x9e: {  	_ =	swait.ge [sflag:s22], s20  }
0x9f: {  	s3 =	ssub.s32 $0x0, s20;
	[sflag:s22] =	ssyncset.done $0x0  }
0xa0: {  	[sflag:s22] =	ssyncadd.s32 s3;
	_ =	sdelay $0x1  }
0xa1: {  	s23 =	simm.s32 $0x1B8B  }
0xa2: {  	_ =	swait.ge [sflag:s23], $0x1  }
0xa3: {  	[sflag:s23] =	ssyncset.done $0x0  }
0xa4: {  	s25 =	simm.s32 $0x1B8E;
	s24 =	sld [smem:$0x3FFE];
	[sflag:s23] =	ssyncadd.s32 $0xFFFFFFFF  }
0xa5: {  	s26 =	simm.s32 $execute0_lowered;
	[smem:$0x3FD2] =	sst s25  }
0xa6: {  	s4 =	sshll.u32 s26, $0x1;
	_ =	strace $0x80000046;
	[dreg:$0x1] =	wrdreg $0xFFFFFFFF  }
0xa7: {  	s28 =	simm.s32 $_size_execute0_lowered;
	s2 =	sadd.s32 s2, s4;
	[dreg:$0x0] =	wrdreg $0x0  }
0xa8: {  	s4 =	sshll.u32 s28, $0x1;
	[dreg:$0x2] =	wrdreg s2  }
0xa9: {  	[dreg:$0x3] =	wrdreg s4  }
0xaa: {  	[dreg:$0x4] =	wrdreg $0xC0  }
0xab: {  	_ =	task [dreg:s6], $0x5FFFF  }
0xac: {  	[dreg:$0x1] =	wrdreg $0xFFFFFFFF  }
0xad: {  	[dreg:$0x0] =	wrdreg $0x60  }
0xae: {  	[dreg:$0x2] =	wrdreg s24  }
0xaf: {  	[dreg:$0x3] =	wrdreg $0x9  }
0xb0: {  	_ =	task.clear_ibuf [dreg:s6], $0x4FFFF;
	_ =	strace $0x90000046  }
0xb1: {  	s29 =	simm.s32 $0x9;
	_ =	strace $0x80000048  }
0xb2: {  	_ =	swait.ge [sflag:s29], $0x1  }
0xb3: {  	[sflag:s29] =	ssyncadd.s32 $0xFFFFFFFF  }
0xb4: {  	_ =	strace $0x90000048  }
0xb5: {  	_ =	sfence  }
0xb6: {  	s30 =	sld [smem:$0x0];
	_ =	sdelay $0x2  }
0xb7: {  	s31 =	sshll.u32 s1, $0xD;
	s1 =	sshrl.u32 s1, $0x2  }
0xb8: {  	s3 =	sand.u32 $0x4000, s31;
	s1 =	sadd.s32 s1, s30  }
0xb9: {  	s0 =	sor.u32 s3, s0;
	s1 =	sshll.u32 s1, $0x11  }
0xba: {  	s0 =	sor.u32 s1, s0  }
0xbb: {  	s0 =	sadd.s32 $0x8F2B, s0  }
0xbc: {  	[sflag:s0] =	ssyncadd.remote.s32 $0x1  }
0xbd: {  	_ =	sfence.sel $0xFFFF  }
0xbe: {  	[dreg:$0x0] =	wrdreg $0xFFFFFFFF;
	(pc) =	sbr.abs _section_cstart, $3  }
0xbf: {  	[dreg:$0x1] =	wrdreg $0xFFFFFFFF  }
0xc0: {  	_ =	task.clear_ibuf [dreg:s6], $0x2FFFF;
	_ =	strace $0x9FFFFFFF  }
0xc1: {  	(tm) =	ssettm $0x7FFFFFFF  }
tec
execute0_lowered:
.L_overlay_start_1:
0x0: {  	(tag) =	ssettag $0x1  }
0x1: {  	s1 =	stileid.u32  }
0x2: {  	p0 =	sgt.u32 s1, $0x9  }
.Ltmp0:
0x3: {  	_ = 	snop;
	(pc) =	sbr.rel @p0 .LBB2_38-.Ltmp0, $4  }
0x4: {  	_ = 	snop  }
0x5: {  	s2 =	simm.s32 $0x0  }
0x6: {  	[smem:$0x7FF] =	sst s2  }
0x7: {  	s0 =	rddreg [dreg:$0x0];
	_ =	strace $0x80000047  }
0x8: {  	s3 =	srdreg.scid;
	s30 =	sshll.u32 s1, $0x1  }
0x9: {  	s8 =	sadd.s32 $0xA00, s0;
	s12 =	simm.s32 $0xFA00;
	s13 =	simm.s32 $0x14A00  }
0xa: {  	s14 =	simm.s32 $0x19A00;
	s15 =	simm.s32 $0x5080;
	s5 =	sand.u32 $0x1, s3  }
0xb: {  	s16 =	simm.s32 $0xA100;
	s17 =	simm.s32 $0xA580;
	s6 =	sor.u32 s5, s30  }
0xc: {  	s18 =	simm.s32 $0x1EA00;
	s19 =	simm.s32 $0x0;
	s4 =	smul.u32 $0x190, s6  }
.Ltmp1:
0xd: {  	s3 =	sadd.s32 $0xD200, s0;
	s9 =	ssub.s32 $0x2, s5;
	(pc) =	sbr.rel .LBB2_2-.Ltmp1, $4  }
0xe: {  	s5 =	sadd.s32 $0xE600, s0;
	s10 =	sshrl.u32 s9, $0x1;
	s11 =	smul.u32 $0xA00, s6  }
0xf: {  	v0 =	vlaneseq.u32;
	v1 =	vimm.s32 $0x0;
	v3 =	vimm.f32 $-1.000000000e+09;
	s6 =	sadd.s32 $0xF000, s0;
	s31 =	ssub.s32 s9, s10;
	s10 =	simm.s32 $0x1  }
0x10: {  	v60 =	vimm.f32 $0.0e+00;
	vm4 =	vcmask $0x1310;
	v58 =	vadd.s32 $0x1, v0;
	s7 =	sadd.s32 s4, s0;
	s4 =	sadd.s32 $0xDC00, s0;
	s8 =	sadd.s32 s8, s11  }
0x11: {  	v5 =	vadd.s32 $0x11, v0;
	v6 =	vadd.s32 $0x21, v0;
	v59 =	vadd.s32 $0x31, v0;
	s9 =	smax.u32 s31, $0x1;
	s11 =	simm.s32 $0xAA00;
	s7 =	sadd.s32 $0xFA00, s7  }
.LBB2_37:
0x12: {  	s19 =	sadd.s32 $0x1, s19  }
0x13: {  	p0 =	sne.s32 s19, s9  }
.Ltmp2:
0x14: {  	_ = 	snop;
	(pc) =	sbr.rel @!p0 .LBB2_38-.Ltmp2, $4  }
0x15: {  	[hbm4b:s7+s2] =	stream.linear.scatter [tilespmem:s18], [sflag:$0x1], $0xC80, $0x38;
	[tilespmem:$0x1F680] =	vst v63  }
0x16: {  	_ =	swait.ge [sflag:s10], $0xC80  }
0x17: {  	[sflag:s10] =	ssyncset.done $0x0  }
0x18: {  	v0 =	vlaneseq.u32;
	[sflag:s10] =	ssyncadd.s32 $0xFFFFF380  }
.LBB2_2:
0x19: {  	s0 =	simm.s32 $0x0  }
0x1a: {  	[tilespmem:s0], [sflag:$0x1] =	stream.linear.gather [hbm4b:s8+s0], $0x5000, $0x38;
	[tilespmem:$0x1F680] =	vst v63  }
0x1b: {  	_ =	swait.ge [sflag:s10], $0x5000  }
0x1c: {  	[sflag:s10] =	ssyncset.done $0x0  }
0x1d: {  	[sflag:s10] =	ssyncadd.s32 $0xFFFFB000  }
0x1e: {  	[tilespmem:s11], [sflag:$0x1] =	stream.linear.gather [hbm4b:s3+s0], $0x5000, $0x38;
	[tilespmem:$0x1F680] =	vst v63  }
0x1f: {  	_ =	swait.ge [sflag:s10], $0x5000  }
0x20: {  	[sflag:s10] =	ssyncset.done $0x0  }
0x21: {  	[sflag:s10] =	ssyncadd.s32 $0xFFFFB000  }
0x22: {  	[tilespmem:s12], [sflag:$0x1] =	stream.linear.gather [hbm4b:s4+s0], $0x5000, $0x38;
	[tilespmem:$0x1F680] =	vst v63  }
0x23: {  	_ =	swait.ge [sflag:s10], $0x5000  }
0x24: {  	[sflag:s10] =	ssyncset.done $0x0  }
0x25: {  	[sflag:s10] =	ssyncadd.s32 $0xFFFFB000  }
0x26: {  	[tilespmem:s13], [sflag:$0x1] =	stream.linear.gather [hbm4b:s5+s0], $0x5000, $0x38;
	[tilespmem:$0x1F680] =	vst v63  }
0x27: {  	_ =	swait.ge [sflag:s10], $0x5000  }
0x28: {  	[sflag:s10] =	ssyncset.done $0x0  }
0x29: {  	[sflag:s10] =	ssyncadd.s32 $0xFFFFB000  }
0x2a: {  	[tilespmem:s14], [sflag:$0x1] =	stream.linear.gather [hbm4b:s6+s0], $0x5000, $0x38;
	[tilespmem:$0x1F680] =	vst v63  }
0x2b: {  	_ =	swait.ge [sflag:s10], $0x5000  }
0x2c: {  	[sflag:s10] =	ssyncset.done $0x0  }
0x2d: {  	s20 =	simm.s32 $0x5080;
	[sflag:s10] =	ssyncadd.s32 $0xFFFFB000  }
.LBB2_3:
0x2e: {  	p0 =	sne.s32 s0, $0x4FF0  }
.Ltmp3:
0x2f: {  	_ = 	snop;
	(pc) =	sbr.rel @p0 .LBB2_3-.Ltmp3, $3  }
0x30: {  	_ =	sdelay $0x1  }
0x31: {  	v8 =	vor.u32 s0, v0  }
0x32: {  	s0 =	sadd.s32 $0x10, s0;
	[tilespmem:s20+$0x0] =	vst v8;
	s20 =	sadd.s32 $0x10, s20  }
0x33: {  	s0 =	simm.s32 $0x50A0  }
0x34: {  	v25 =	vld [tilespmem:s0+$0xFFFFFFE0]  }
0x35: {  	v8 =	vld [tilespmem:s0+$0x10];
	_ =	sdelay $0x4  }
0x36: {  	v10 =	vld [tilespmem:s0+$0xFFFFFFF0]  }
0x37: {  	v9 =	vld [tilespmem:s0+$0x0]  }
0x38: {  	v11 =	vld.idx.msk [tilespmem:v25+s13+$0x0], $0xffff  }
0x39: {  	v12 =	vld.idx.msk [tilespmem:v8+s14+$0x0], $0xffff  }
0x3a: {  	v13 =	vld.idx.msk [tilespmem:v8+s13+$0x0], $0xffff  }
0x3b: {  	v14 =	vld.idx.msk [tilespmem:v8+s12+$0x0], $0xffff  }
0x3c: {  	v15 =	vld.idx.msk [tilespmem:v25+s14+$0x0], $0xffff  }
0x3d: {  	v16 =	vld.idx.msk [tilespmem:v8+s11+$0x0], $0xffff  }
0x3e: {  	v17 =	vld.idx.msk [tilespmem:v25+s11+$0x0], $0xffff  }
0x3f: {  	v18 =	vld.idx.msk [tilespmem:v25+s12+$0x0], $0xffff  }
0x40: {  	v19 =	vld.idx.msk [tilespmem:v9+s12+$0x0], $0xffff  }
0x41: {  	v20 =	vld.idx.msk [tilespmem:v10+s13+$0x0], $0xffff  }
0x42: {  	v24 =	vld.idx.msk [tilespmem:v9+s14+$0x0], $0xffff;
	v22 =	vmin.f32 v11, $1.000000020e+30;
	v23 =	vmin.f32 v12, $1.000000020e+30  }
0x43: {  	v21 =	vld.idx.msk [tilespmem:v10+s12+$0x0], $0xffff;
	v12 =	vsub.f32 v12, v14;
	v26 =	vmin.f32 v13, $1.000000020e+30;
	v14 =	vmax.f32 v14, $1.000000020e+30  }
0x44: {  	v28 =	vld.idx.msk [tilespmem:v10+s11+$0x0], $0xffff;
	v27 =	vmin.f32 v15, $1.000000020e+30;
	v13 =	vsub.f32 v13, v16;
	v11 =	vsub.f32 v11, v17  }
0x45: {  	v30 =	vld.idx.msk [tilespmem:v10+s14+$0x0], $0xffff;
	v29 =	vmax.f32 v18, $1.000000020e+30;
	v17 =	vmax.f32 v17, $1.000000020e+30;
	v15 =	vsub.f32 v15, v18  }
0x46: {  	v31 =	vld.idx.msk [tilespmem:v9+s11+$0x0], $0xffff;
	v16 =	vmax.f32 v16, $1.000000020e+30;
	v18 =	vsub.f32 v27, v29;
	v17 =	vsub.f32 v22, v17  }
0x47: {  	s30 =	simm.s32 $0x50E0;
	v27 =	vmax.f32 v19, $1.000000020e+30;
	v23 =	vsub.f32 v23, v14;
	v29 =	vld.idx.msk [tilespmem:v9+s13+$0x0], $0xffff;
	v19 =	vsub.f32 v24, v19  }
0x48: {  	v24 =	vmin.f32 v24, $1.000000020e+30;
	v16 =	vsub.f32 v26, v16;
	v22 =	vmul.f32 v12, v13;
	v12 =	vld [tilespmem:s30+$0xFFFFFFE0]  }
0x49: {  	v15 =	vmul.f32 v15, v11;
	v13 =	vmin.f32 v20, $1.000000020e+30;
	v11 =	vld [tilespmem:s30+$0x10];
	v24 =	vsub.f32 v24, v27  }
0x4a: {  	v14 =	vmax.f32 v17, $0.0e+00;
	v17 =	vmax.f32 v18, $0.0e+00;
	v18 =	vsub.f32 v20, v28  }
0x4b: {  	v20 =	vmax.f32 v28, $1.000000020e+30;
	v28 =	vmin.f32 v30, $1.000000020e+30;
	v16 =	vmax.f32 v16, $0.0e+00  }
0x4c: {  	v17 =	vmul.f32 v17, v14;
	v14 =	vsub.f32 v30, v21;
	v21 =	vmax.f32 v21, $1.000000020e+30  }
0x4d: {  	v23 =	vmax.f32 v23, $0.0e+00;
	v13 =	vsub.f32 v13, v20;
	v20 =	vsub.f32 v28, v21  }
0x4e: {  	v21 =	vmax.f32 v31, $1.000000020e+30;
	v18 =	vmul.f32 v14, v18;
	v14 =	vld [tilespmem:s30+$0xFFFFFFF0];
	v27 =	vmin.f32 v29, $1.000000020e+30  }
0x4f: {  	v28 =	vmax.f32 v13, $0.0e+00;
	v13 =	vld [tilespmem:s30+$0x0];
	v29 =	vsub.f32 v29, v31;
	v20 =	vmax.f32 v20, $0.0e+00  }
0x50: {  	v21 =	vsub.f32 v27, v21;
	v18 =	vadd.f32 $0.0e+00, v18;
	v20 =	vmul.f32 v20, v28;
	v28 =	vld.idx.msk [tilespmem:v12+s13+$0x0], $0xffff  }
0x51: {  	v24 =	vmax.f32 v24, $0.0e+00;
	v15 =	vadd.f32 $0.0e+00, v15;
	v19 =	vmul.f32 v19, v29;
	v27 =	vld.idx.msk [tilespmem:v11+s14+$0x0], $0xffff  }
0x52: {  	v23 =	vmul.f32 v23, v16;
	v21 =	vmax.f32 v21, $0.0e+00;
	v18 =	vsub.f32 v18, v20;
	v29 =	vld.idx.msk [tilespmem:v11+s13+$0x0], $0xffff  }
0x53: {  	v16 =	vadd.f32 $0.0e+00, v22;
	v26 =	vld.idx.msk [tilespmem:v11+s12+$0x0], $0xffff;
	v21 =	vmul.f32 v24, v21;
	v19 =	vadd.f32 $0.0e+00, v19  }
0x54: {  	v15 =	vsub.f32 v15, v17;
	v30 =	vld.idx.msk [tilespmem:v12+s14+$0x0], $0xffff;
	v18 =	vadd.f32 $9.999999710e-10, v18  }
0x55: {  	v31 =	vld.idx.msk [tilespmem:v11+s11+$0x0], $0xffff;
	v19 =	vsub.f32 v19, v21  }
0x56: {  	v16 =	vsub.f32 v16, v23;
	v15 =	vadd.f32 $9.999999710e-10, v15;
	(erf) = vrcp.f32 v18;
	v18 =	vld.idx.msk [tilespmem:v12+s11+$0x0], $0xffff  }
0x57: {  	v22 =	vld.idx.msk [tilespmem:v13+s12+$0x0], $0xffff;
	v19 =	vadd.f32 $9.999999710e-10, v19  }
0x58: {  	v16 =	vadd.f32 $9.999999710e-10, v16;
	v24 =	vimm.s32 $0xFFFFFFFF;
	v32 =	vld.idx.msk [tilespmem:v14+s13+$0x0], $0xffff;
	(erf) = vrcp.f32 v15  }
0x59: {  	v15 =	vld.idx.msk [tilespmem:v12+s12+$0x0], $0xffff;
	v33 =	vmin.f32 v28, $1.000000020e+30;
	v34 =	vmin.f32 v27, $1.000000020e+30;
	(erf) = vrcp.f32 v19  }
0x5a: {  	v35 =	vld.idx.msk [tilespmem:v13+s11+$0x0], $0xffff;
	v19 =	vsub.f32 v27, v26;
	v27 =	vmin.f32 v29, $1.000000020e+30;
	v26 =	vmax.f32 v26, $1.000000020e+30  }
0x5b: {  	v39 =	vld.idx.msk [tilespmem:v14+s11+$0x0], $0xffff;
	v29 =	vsub.f32 v29, v31;
	v31 =	vmax.f32 v31, $1.000000020e+30;
	(erf) = vrcp.f32 v16  }
0x5c: {  	v36 =	vld.idx.msk [tilespmem:v14+s12+$0x0], $0xffff;
	v16 =	vmin.f32 v30, $1.000000020e+30;
	v26 =	vsub.f32 v34, v26;
	v27 =	vsub.f32 v27, v31  }
0x5d: {  	v37 =	vld.idx.msk [tilespmem:v13+s14+$0x0], $0xffff;
	v29 =	vmul.f32 v19, v29;
	v28 =	vsub.f32 v28, v18;
	v18 =	vmax.f32 v18, $1.000000020e+30  }
0x5e: {  	v40 =	vmax.f32 v22, $1.000000020e+30;
	v38 =	vmax.f32 v15, $1.000000020e+30;
	v15 =	vsub.f32 v30, v15;
	v30 =	vld.idx.msk [tilespmem:v14+s14+$0x0], $0xffff  }
0x5f: {  	v51 =	vmax.f32 v35, $1.000000020e+30;
	v18 =	vsub.f32 v33, v18;
	v16 =	vsub.f32 v16, v38  }
0x60: {  	v52 =	vmax.f32 v39, $1.000000020e+30;
	v28 =	vmul.f32 v15, v28;
	v15 =	vmin.f32 v32, $1.000000020e+30  }
0x61: {  	v50 =	vld.idx.msk [tilespmem:v13+s13+$0x0], $0xffff;
	v18 =	vmax.f32 v18, $0.0e+00;
	v49 =	vpop (erf);
	v16 =	vmax.f32 v16, $0.0e+00;
	v15 =	vsub.f32 v15, v52  }
0x62: {  	v19 =	vpop (erf);
	v41 =	vmul.f32 v16, v18;
	v16 =	vmin.f32 v37, $1.000000020e+30;
	v18 =	vsub.f32 v32, v39  }
0x63: {  	s20 =	simm.s32 $0x5120;
	v17 =	vmul.f32 v19, v17;
	v19 =	vsub.f32 v37, v22;
	v22 =	vsub.f32 v30, v36  }
0x64: {  	v36 =	vmax.f32 v36, $1.000000020e+30;
	v30 =	vmin.f32 v30, $1.000000020e+30;
	v53 =	vsub.f32 v16, v40;
	v16 =	vld [tilespmem:s20+$0xFFFFFFE0]  }
0x65: {  	s31 =	simm.s32 $0x20;
	v55 =	vmax.f32 v15, $0.0e+00;
	v15 =	vld [tilespmem:s20+$0x10];
	v30 =	vsub.f32 v30, v36;
	v18 =	vmul.f32 v22, v18  }
0x66: {  	v54 =	vmin.f32 v50, $1.000000020e+30;
	v26 =	vmax.f32 v26, $0.0e+00;
	v33 =	vsub.f32 v50, v35;
	v22 =	vld [tilespmem:s31+$0xFFFFFFE0]  }
0x67: {  	v62 =	vld [tilespmem:s31+$0x0];
	v20 =	vmul.f32 v49, v20;
	v28 =	vadd.f32 $0.0e+00, v28;
	v30 =	vmax.f32 v30, $0.0e+00  }
0x68: {  	v31 =	vld [tilespmem:s31+$0xFFFFFFF0];
	v32 =	vsub.f32 v54, v51;
	v56 =	vadd.f32 $0.0e+00, v18;
	v35 =	vmul.f32 v30, v55  }
0x69: {  	vm0 =	vgt.f32 v20, $4.499999880e-01;
	v28 =	vsub.f32 v28, v41;
	vm1 =	vgt.f32 v17, $4.499999880e-01;
	v17 =	vld [tilespmem:s20+$0x0];
	v18 =	vpop (erf)  }
0x6a: {  	v34 =	vmax.f32 v53, $0.0e+00;
	v30 =	vld [tilespmem:s31+$0x10];
	v57 =	vsub.f32 v56, v35;
	v20 =	vmul.f32 v18, v21  }
0x6b: {  	v18 =	vld [tilespmem:s20+$0xFFFFFFF0];
	v21 =	vmul.f32 v19, v33;
	v19 =	vmax.f32 v32, $0.0e+00;
	v32 =	vsel vm1, $0xCE6E6B28, v22;
	v22 =	vpop (erf)  }
0x6c: {  	v28 =	vadd.f32 $9.999999710e-10, v28;
	v19 =	vmul.f32 v34, v19;
	v61 =	vmul.f32 v22, v23;
	v63 =	vld.idx.msk [tilespmem:v16+s13+$0x0], $0xffff  }
0x6d: {  	v22 =	vadd.f32 $9.999999710e-10, v57;
	vm8 =	vgt.f32 v32, $0.0e+00;
	v54 =	vld.idx.msk [tilespmem:v15+s14+$0x0], $0xffff;
	v23 =	vmax.f32 v27, $0.0e+00  }
0x6e: {  	v55 =	vld.idx.msk [tilespmem:v15+s13+$0x0], $0xffff;
	v21 =	vadd.f32 $0.0e+00, v21;
	v52 =	vsel vm8, $0x1, v1;
	v53 =	vmpcnt.ones.xlane vm8  }
0x6f: {  	v42 =	vld.idx.msk [tilespmem:v16+s12+$0x0], $0xffff;
	v23 =	vmul.f32 v26, v23;
	v26 =	vadd.f32 $0.0e+00, v29;
	vm14 =	vgt.f32 v20, $4.499999880e-01  }
0x70: {  	v29 =	vld.idx.msk [tilespmem:v16+s14+$0x0], $0xffff;
	(erf) = vrcp.f32 v22;
	v22 =	vsel vm0, $0xCE6E6B28, v31;
	vm15 =	vgt.f32 v61, $4.499999880e-01  }
0x71: {  	v44 =	vld.idx.msk [tilespmem:v17+s12+$0x0], $0xffff;
	v21 =	vsub.f32 v21, v19;
	(erf) = vrcp.f32 v28;
	v38 =	vadd.s32 v24, v53  }
0x72: {  	(xrf0) =	vadd.scan.msk.s32 $0xffff, v52;
	v34 =	vld.idx.msk [tilespmem:v17+s11+$0x0], $0xffff;
	v31 =	vsub.f32 v26, v23;
	vm5 =	vgt.f32 v22, $0.0e+00;
	v20 =	vsel vm15, $0xCE6E6B28, v30  }
0x73: {  	v28 =	vld.idx.msk [tilespmem:v15+s12+$0x0], $0xffff;
	v57 =	vmpcnt.ones.xlane vm5;
	v43 =	vsel vm5, $0x1, v1;
	vm7 =	vgt.f32 v20, $0.0e+00  }
0x74: {  	v26 =	vld.idx.msk [tilespmem:v15+s11+$0x0], $0xffff;
	v27 =	vadd.f32 $9.999999710e-10, v21;
	v21 =	vsel vm14, $0xCE6E6B28, v62;
	v36 =	vmin.f32 v63, $1.000000020e+30  }
0x75: {  	v30 =	vld.idx.msk [tilespmem:v16+s11+$0x0], $0xffff;
	v56 =	vmin.f32 v54, $1.000000020e+30;
	v31 =	vadd.f32 $9.999999710e-10, v31;
	v52 =	vsel vm7, $0x1, v1  }
0x76: {  	v62 =	vld.idx.msk [tilespmem:v17+s14+$0x0], $0xffff;
	v47 =	vadd.s32 v38, v57;
	vm6 =	vgt.f32 v21, $0.0e+00;
	v49 =	vsub.f32 v29, v42  }
0x77: {  	(erf) = vrcp.f32 v27;
	v27 =	vmin.f32 v55, $1.000000020e+30;
	v46 =	vld.idx.msk [tilespmem:v18+s13+$0x0], $0xffff;
	v61 =	vsel vm6, $0x1, v1  }
0x78: {  	v48 =	vld.idx.msk [tilespmem:v18+s12+$0x0], $0xffff;
	v51 =	vmax.f32 v44, $1.000000020e+30;
	v39 =	vsub.f32 v54, v28;
	v45, _, _ =	vpop (xrf0);
	v28 =	vmax.f32 v28, $1.000000020e+30;
	(xrf0) =	vadd.scan.msk.s32 $0xffff, v43  }
0x79: {  	v50 =	vld.idx.msk [tilespmem:v18+s11+$0x0], $0xffff;
	(erf) = vrcp.f32 v31;
	v31 =	vmin.f32 v29, $1.000000020e+30;
	v40 =	vsub.f32 v55, v26  }
0x7a: {  	v53 =	vld.idx.msk [tilespmem:v18+s14+$0x0], $0xffff;
	v43 =	vadd.s32 v24, v45;
	v24 =	vsub.f32 v63, v30;
	v30 =	vmax.f32 v30, $1.000000020e+30  }
0x7b: {  	v29 =	vmax.f32 v42, $1.000000020e+30;
	v54 =	vmpcnt.ones.xlane vm7;
	(xrf0) =	vadd.scan.msk.s32 $0xffff, v61;
	v30 =	vsub.f32 v36, v30  }
0x7c: {  	v42 =	vsub.f32 v31, v29;
	v31 =	vsub.f32 v56, v28;
	v29 =	vmul.f32 v39, v40;
	v63 =	vpop (erf)  }
0x7d: {  	v37 =	vmul.f32 v49, v24;
	v28 =	vpop (erf);
	v49 =	vmin.f32 v46, $1.000000020e+30;
	v24 =	vmax.f32 v30, $0.0e+00  }
0x7e: {  	v30 =	vmax.f32 v42, $0.0e+00;
	v61 =	vsub.f32 v46, v50;
	v42 =	vsub.f32 v62, v44;
	v57, _, _ =	vpop (xrf0);
	(xrf0) =	vadd.scan.msk.s32 $0xffff, v52  }
0x7f: {  	v55 =	vsub.f32 v53, v48;
	v44 =	vmax.f32 v34, $1.000000020e+30;
	v39 =	vmul.f32 v28, v41;
	[tilespmem:v43+s2+$0x0] =	vst.idx.msk vm8, v32  }
0x80: {  	v24 =	vmul.f32 v30, v24;
	v30 =	vadd.s32 v38, v57;
	[tilespmem:v43+s15+$0x0] =	vst.idx.msk vm8, v25;
	v43 =	vld.idx.msk [tilespmem:v17+s13+$0x0], $0xffff  }
0x81: {  	v28 =	vmin.f32 v62, $1.000000020e+30;
	v62 =	vmpcnt.ones.xlane vm6;
	v41 =	vmul.f32 v63, v35;
	v63, _, _ =	vpop (xrf0)  }
0x82: {  	v50 =	vmax.f32 v50, $1.000000020e+30;
	v46 =	vmax.f32 v48, $1.000000020e+30;
	v40 =	vpop (erf);
	v32 =	vadd.s32 v47, v63  }
0x83: {  	s20 =	simm.s32 $0x60;
	v48 =	vmin.f32 v53, $1.000000020e+30;
	v49 =	vsub.f32 v49, v50;
	v36 =	vadd.s32 v47, v62;
	v35 =	vpop (erf)  }
0x84: {  	s22 =	simm.s32 $0x80;
	s23 =	simm.s32 $0x5160;
	s21 =	simm.s32 $0x60;
	v45 =	vsub.f32 v28, v51;
	v28 =	vld [tilespmem:s20+$0xFFFFFFE0];
	v47 =	vmul.f32 v55, v61;
	v25 =	vadd.s32 v36, v54;
	v38, _, _ =	vpop (xrf0)  }
.LBB2_5:
0x85: {  	v50 =	vld [tilespmem:s23+$0xFFFFFFE0];
	s22 =	sadd.s32 $0x40, s22;
	v46 =	vsub.f32 v48, v46;
	v0 =	vmin.f32 v43, $1.000000020e+30;
	s20 =	sadd.s32 $0x40, s20;
	[tilespmem:v30+s2+$0x0] =	vst.idx.msk vm5, v22;
	v22 =	vadd.s32 v36, v38  }
0x86: {  	v33 =	vmovc v16;
	v38 =	vld [tilespmem:s23+$0x10];
	p0 =	slt.u32 s22, $0x4FC0;
	v36 =	vmax.f32 v49, $0.0e+00;
	v47 =	vadd.f32 $0.0e+00, v47;
	v44 =	vsub.f32 v0, v44;
	[tilespmem:v30+s15+$0x0] =	vst.idx.msk vm5, v10  }
0x87: {  	v34 =	vsub.f32 v43, v34;
	v43 =	vmax.f32 v45, $0.0e+00;
	v10 =	vmovc v14;
	v30 =	vld [tilespmem:s23+$0xFFFFFFF0];
	v16 =	vmax.f32 v46, $0.0e+00;
	[tilespmem:v32+s2+$0x0] =	vst.idx.msk vm6, v21  }
0x88: {  	vm0 =	vgt.f32 v39, $4.499999880e-01;
	v39 =	vmul.f32 v40, v19;
	vm5 =	vgt.f32 v41, $4.499999880e-01;
	v14 =	vmovc v18;
	v21 =	vld [tilespmem:s23+$0x0];
	[tilespmem:v32+s15+$0x0] =	vst.idx.msk vm6, v9  }
0x89: {  	v18 =	vmul.f32 v42, v34;
	v32 =	vmul.f32 v16, v36;
	v0 =	vmax.f32 v44, $0.0e+00;
	v9 =	vmovc v13;
	v13 =	vmovc v17;
	v40 =	vld [tilespmem:s20+$0xFFFFFFE0]  }
0x8a: {  	v17 =	vadd.f32 $0.0e+00, v37;
	v36 =	vsel vm0, $0xCE6E6B28, v28;
	v19 =	vmul.f32 v43, v0;
	v34 =	vld [tilespmem:s21+$0x10];
	[tilespmem:v22+s2+$0x0] =	vst.idx.msk vm7, v20;
	v16 =	vmovc v50  }
0x8b: {  	v26 =	vmax.f32 v26, $1.000000020e+30;
	v0 =	vadd.f32 $0.0e+00, v18;
	v20 =	vsub.f32 v47, v32;
	v37 =	vld [tilespmem:s21+$0x0];
	[tilespmem:v22+s15+$0x0] =	vst.idx.msk vm7, v8;
	v8 =	vmovc v11  }
0x8c: {  	v2 =	vsub.f32 v17, v24;
	v22 =	vsub.f32 v27, v26;
	v27 =	vmul.f32 v35, v23;
	v11 =	vmovc v15;
	v26 =	vld [tilespmem:s21+$0xFFFFFFF0];
	s21 =	smov.u32 s20  }
0x8d: {  	vm8 =	vgt.f32 v36, $0.0e+00;
	v41 =	vsub.f32 v0, v19;
	v15 =	vmovc v38;
	v20 =	vadd.f32 $9.999999710e-10, v20;
	v18 =	vmovc v30;
	v35 =	vld.idx.msk [tilespmem:v50+s13+$0x0], $0xffff  }
0x8e: {  	v43 =	vmpcnt.ones.xlane vm8;
	v23 =	vsel vm8, $0x1, v1;
	v42 =	vadd.f32 $9.999999710e-10, v2;
	v17 =	vmovc v21;
	v30 =	vld.idx.msk [tilespmem:v38+s14+$0x0], $0xffff;
	v28 =	vmovc v40  }
0x8f: {  	v21 =	vmax.f32 v22, $0.0e+00;
	v22 =	vmax.f32 v31, $0.0e+00;
	v40 =	vld.idx.msk [tilespmem:v38+s13+$0x0], $0xffff;
	(erf) = vrcp.f32 v20;
	(xrf0) =	vadd.scan.msk.s32 $0xffff, v23  }
0x90: {  	v23 =	vmul.f32 v22, v21;
	v20 =	vadd.f32 $0.0e+00, v29;
	v31 =	vld.idx.msk [tilespmem:v38+s12+$0x0], $0xffff;
	(erf) = vrcp.f32 v42  }
0x91: {  	v38 =	vadd.f32 $9.999999710e-10, v41;
	v41 =	vadd.s32 v25, v43;
	v29 =	vld.idx.msk [tilespmem:v50+s14+$0x0], $0xffff;
	v22 =	vsel vm5, $0xCE6E6B28, v26  }
0x92: {  	vm0 =	vgt.f32 v39, $4.499999880e-01;
	vm1 =	vgt.f32 v27, $4.499999880e-01;
	v42 =	vsub.f32 v20, v23;
	v26 =	vld.idx.msk [tilespmem:v15+s11+$0x0], $0xffff  }
0x93: {  	v21 =	vsel vm0, $0xCE6E6B28, v37;
	v20 =	vsel vm1, $0xCE6E6B28, v34;
	vm5 =	vgt.f32 v22, $0.0e+00;
	v39 =	vld.idx.msk [tilespmem:v50+s11+$0x0], $0xffff  }
0x94: {  	v43 =	vmin.f32 v35, $1.000000020e+30;
	v44 =	vmin.f32 v30, $1.000000020e+30;
	v34 =	vmpcnt.ones.xlane vm5;
	v37 =	vld.idx.msk [tilespmem:v16+s12+$0x0], $0xffff  }
0x95: {  	v42 =	vadd.f32 $9.999999710e-10, v42;
	v45 =	vld.idx.msk [tilespmem:v17+s12+$0x0], $0xffff;
	(erf) = vrcp.f32 v38;
	v38 =	vsel vm5, $0x1, v1;
	v46, _, _ =	vpop (xrf0)  }
0x96: {  	v27 =	vmin.f32 v40, $1.000000020e+30;
	v30 =	vsub.f32 v30, v31;
	v49 =	vadd.s32 v41, v34;
	v47 =	vld.idx.msk [tilespmem:v18+s13+$0x0], $0xffff;
	(xrf0) =	vadd.scan.msk.s32 $0xffff, v38  }
0x97: {  	vm6 =	vgt.f32 v21, $0.0e+00;
	v31 =	vmax.f32 v31, $1.000000020e+30;
	v34 =	vld.idx.msk [tilespmem:v17+s11+$0x0], $0xffff;
	(erf) = vrcp.f32 v42  }
0x98: {  	v38 =	vmin.f32 v29, $1.000000020e+30;
	v25 =	vadd.s32 v25, v46;
	v40 =	vsub.f32 v40, v26;
	v48 =	vld.idx.msk [tilespmem:v18+s12+$0x0], $0xffff;
	v50 =	vpop (erf)  }
0x99: {  	v51 =	vsel vm6, $0x1, v1;
	v35 =	vsub.f32 v35, v39;
	v39 =	vmax.f32 v39, $1.000000020e+30;
	v42 =	vld.idx.msk [tilespmem:v17+s14+$0x0], $0xffff;
	v46 =	vpop (erf)  }
0x9a: {  	vm7 =	vgt.f32 v20, $0.0e+00;
	v52 =	vsub.f32 v29, v37;
	v29 =	vmax.f32 v37, $1.000000020e+30;
	v53 =	vld.idx.msk [tilespmem:v18+s11+$0x0], $0xffff  }
0x9b: {  	v56 =	vsel vm7, $0x1, v1;
	v38 =	vsub.f32 v38, v29;
	v55 =	vmax.f32 v45, $1.000000020e+30;
	v54 =	vld.idx.msk [tilespmem:v18+s14+$0x0], $0xffff;
	(xrf0) =	vadd.scan.msk.s32 $0xffff, v51  }
0x9c: {  	v31 =	vsub.f32 v44, v31;
	v39 =	vsub.f32 v43, v39;
	v29 =	vmul.f32 v30, v40;
	v43 =	vld.idx.msk [tilespmem:v17+s13+$0x0], $0xffff;
	v30, _, _ =	vpop (xrf0)  }
0x9d: {  	v37 =	vmul.f32 v52, v35;
	v51 =	vmin.f32 v47, $1.000000020e+30;
	v52 =	vmpcnt.ones.xlane vm7;
	(xrf0) =	vadd.scan.msk.s32 $0xffff, v56  }
0x9e: {  	v0 =	vmax.f32 v39, $0.0e+00;
	v39 =	vmul.f32 v46, v24;
	v38 =	vmax.f32 v38, $0.0e+00;
	v40 =	vpop (erf)  }
0x9f: {  	v24 =	vmul.f32 v38, v0;
	v30 =	vadd.s32 v41, v30;
	v38 =	vmin.f32 v42, $1.000000020e+30  }
.Ltmp4:
0xa0: {  	v56 =	vmpcnt.ones.xlane vm6;
	v42 =	vsub.f32 v42, v45;
	v47 =	vsub.f32 v47, v53;
	v35 =	vpop (erf);
	(pc) =	sbr.rel @p0 .LBB2_5-.Ltmp4, $4  }
0xa1: {  	v44 =	vmax.f32 v34, $1.000000020e+30;
	v41 =	vmul.f32 v50, v32;
	v57 =	vsub.f32 v54, v48;
	v32, _, _ =	vpop (xrf0)  }
0xa2: {  	v50 =	vmax.f32 v53, $1.000000020e+30;
	v45 =	vsub.f32 v38, v55;
	[tilespmem:v25+s2+$0x0] =	vst.idx.msk vm8, v36;
	v32 =	vadd.s32 v49, v32  }
0xa3: {  	v46 =	vmax.f32 v48, $1.000000020e+30;
	v48 =	vmin.f32 v54, $1.000000020e+30;
	v36 =	vadd.s32 v49, v56;
	[tilespmem:v25+s15+$0x0] =	vst.idx.msk vm8, v12;
	v38, _, _ =	vpop (xrf0)  }
0xa4: {  	s23 =	sadd.s32 $0x40, s23;
	v47 =	vmul.f32 v57, v47;
	v49 =	vsub.f32 v51, v50;
	v25 =	vadd.s32 v36, v52;
	v12 =	vmovc v33  }
0xa5: {  	v33 =	vsub.f32 v48, v46  }
0xa6: {  	v56 =	vmin.f32 v43, $1.000000020e+30;
	v34 =	vsub.f32 v43, v34  }
0xa7: {  	v37 =	vadd.f32 $0.0e+00, v37;
	v57 =	vmax.f32 v49, $0.0e+00;
	v33 =	vmax.f32 v33, $0.0e+00  }
0xa8: {  	v26 =	vmax.f32 v26, $1.000000020e+30;
	v47 =	vadd.f32 $0.0e+00, v47;
	v33 =	vmul.f32 v33, v57  }
0xa9: {  	v62 =	vmax.f32 v45, $0.0e+00;
	v61 =	vsub.f32 v56, v44;
	v26 =	vsub.f32 v27, v26  }
0xaa: {  	v31 =	vmax.f32 v31, $0.0e+00;
	v34 =	vmul.f32 v42, v34;
	v63 =	vsub.f32 v47, v33  }
0xab: {  	v37 =	vsub.f32 v37, v24;
	v43 =	vmax.f32 v61, $0.0e+00;
	v26 =	vmax.f32 v26, $0.0e+00  }
0xac: {  	v27 =	vmul.f32 v62, v43;
	v34 =	vadd.f32 $0.0e+00, v34;
	v42 =	vadd.f32 $9.999999710e-10, v63  }
0xad: {  	v29 =	vadd.f32 $0.0e+00, v29;
	v37 =	vadd.f32 $9.999999710e-10, v37;
	v26 =	vmul.f32 v31, v26  }
0xae: {  	v45 =	vsub.f32 v34, v27;
	(erf) = vrcp.f32 v42  }
0xaf: {  	v46 =	vld [tilespmem:s21+$0xFFFFFFF0];
	v29 =	vsub.f32 v29, v26;
	(erf) = vrcp.f32 v37  }
0xb0: {  	v48 =	vld [tilespmem:s21+$0x0];
	v31 =	vadd.f32 $9.999999710e-10, v45  }
0xb1: {  	vm0 =	vgt.f32 v39, $4.499999880e-01;
	v19 =	vmul.f32 v40, v19;
	v47 =	vld [tilespmem:s21+$0x10];
	v29 =	vadd.f32 $9.999999710e-10, v29  }
0xb2: {  	vm10 =	vgt.f32 v41, $4.499999880e-01;
	v23 =	vmul.f32 v35, v23;
	(erf) = vrcp.f32 v31  }
0xb3: {  	v36 =	vadd.s32 v36, v38;
	v28 =	vsel vm0, $0xCE6E6B28, v28;
	(erf) = vrcp.f32 v29  }
0xb4: {  	vm8 =	vgt.f32 v28, $0.0e+00;
	vm11 =	vgt.f32 v19, $4.499999880e-01;
	vm1 =	vgt.f32 v23, $4.499999880e-01  }
0xb5: {  	v49 =	vmpcnt.ones.xlane vm8;
	v39 =	vsel vm11, $0xCE6E6B28, v48;
	v29 =	vsel vm10, $0xCE6E6B28, v46  }
0xb6: {  	s0 =	sadd.s32 $0x40, s20;
	v34 =	vsel vm8, $0x1, v1;
	v37 =	vsel vm1, $0xCE6E6B28, v47;
	vm9 =	vgt.f32 v29, $0.0e+00  }
0xb7: {  	v50 =	vld [tilespmem:s0+$0xFFFFFFE0];
	vm11 =	vgt.f32 v37, $0.0e+00;
	vm10 =	vgt.f32 v39, $0.0e+00;
	v51 =	vmpcnt.ones.xlane vm9;
	v52 =	vpop (erf)  }
0xb8: {  	v57 =	vld [tilespmem:s0+$0xFFFFFFF0];
	v31 =	vadd.s32 v25, v49;
	v61 =	vsel vm11, $0x1, v1;
	v56 =	vmpcnt.ones.xlane vm10;
	v53 =	vpop (erf)  }
0xb9: {  	v62 =	vmpcnt.ones.xlane vm11;
	v19 =	vadd.s32 v31, v51;
	v54 =	vmul.f32 v53, v24  }
0xba: {  	v63 =	vld [tilespmem:s0+$0x0];
	v55 =	vsel vm10, $0x1, v1;
	v23 =	vmul.f32 v52, v33;
	v33 =	vadd.s32 v19, v56  }
0xbb: {  	v49 =	vld [tilespmem:s0+$0x10];
	v40 =	vsel vm9, $0x1, v1;
	v48 =	vpop (erf);
	v45 =	vadd.s32 v33, v62;
	vm0 =	vgt.f32 v54, $4.499999880e-01  }
0xbc: {  	v27 =	vmul.f32 v48, v27;
	v35 =	vsel vm0, $0xCE6E6B28, v50;
	v50 =	vpop (erf);
	vm0 =	vgt.f32 v23, $4.499999880e-01  }
0xbd: {  	vm12 =	vgt.f32 v35, $0.0e+00;
	v51 =	vmul.f32 v50, v26;
	v43 =	vsel vm0, $0xCE6E6B28, v57  }
0xbe: {  	(xrf0) =	vadd.scan.msk.s32 $0xffff, v34;
	vm0 =	vgt.f32 v27, $4.499999880e-01;
	v52 =	vsel vm12, $0x1, v1;
	v53 =	vmpcnt.ones.xlane vm12  }
0xbf: {  	(xrf0) =	vadd.scan.msk.s32 $0xffff, v40;
	vm13 =	vgt.f32 v43, $0.0e+00;
	v23 =	vsel vm0, $0xCE6E6B28, v63;
	vm1 =	vgt.f32 v51, $4.499999880e-01  }
0xc0: {  	(xrf0) =	vadd.scan.msk.s32 $0xffff, v55;
	v54 =	vmpcnt.ones.xlane vm13;
	vm15 =	vgt.f32 v23, $0.0e+00;
	v24 =	vsel vm1, $0xCE6E6B28, v49  }
0xc1: {  	(xrf0) =	vadd.scan.msk.s32 $0xffff, v61;
	v34 =	vadd.s32 v45, v53;
	v55 =	vmpcnt.ones.xlane vm15;
	vm14 =	vgt.f32 v24, $0.0e+00  }
0xc2: {  	(xrf0) =	vadd.scan.msk.s32 $0xffff, v52;
	v56 =	vsel vm13, $0x1, v1;
	v27 =	vadd.s32 v34, v54;
	v57 =	vmpcnt.ones.xlane vm14  }
0xc3: {  	(xrf0) =	vadd.scan.msk.s32 $0xffff, v56;
	v61 =	vsel vm15, $0x1, v1;
	v40 =	vadd.s32 v27, v55  }
0xc4: {  	v62, _, _ =	vpop (xrf0);
	(xrf0) =	vadd.scan.msk.s32 $0xffff, v61;
	v63 =	vsel vm14, $0x1, v1;
	v41 =	vadd.s32 v40, v57  }
0xc5: {  	[tilespmem:v30+s2+$0x0] =	vst.idx.msk vm5, v22;
	v44, _, _ =	vpop (xrf0);
	(xrf0) =	vadd.scan.msk.s32 $0xffff, v63;
	v46 =	vxor.u32 $0x80000000, v41  }
0xc6: {  	[tilespmem:v32+s2+$0x0] =	vst.idx.msk vm6, v21;
	v47 =	vadd.s32 v25, v62;
	v48, _, _ =	vpop (xrf0);
	(xrf0) =	vmax.scan.msk.u32 $0xffff, v46  }
0xc7: {  	[tilespmem:v36+s2+$0x0] =	vst.idx.msk vm7, v20;
	v49, _, _ =	vpop (xrf0)  }
0xc8: {  	[tilespmem:v36+s15+$0x0] =	vst.idx.msk vm7, v8;
	v8 =	vadd.s32 v19, v48;
	v50, _, _ =	vpop (xrf0)  }
0xc9: {  	[tilespmem:v30+s15+$0x0] =	vst.idx.msk vm5, v10;
	v52, _, _ =	vpop (xrf0)  }
0xca: {  	[tilespmem:v32+s15+$0x0] =	vst.idx.msk vm6, v9;
	v51 =	vadd.s32 v31, v44;
	v53, _, _ =	vpop (xrf0)  }
0xcb: {  	[tilespmem:v47+s2+$0x0] =	vst.idx.msk vm8, v28;
	v54, _, _ =	vpop (xrf0)  }
0xcc: {  	[tilespmem:v47+s15+$0x0] =	vst.idx.msk vm8, v12;
	v55 =	vadd.s32 v33, v49;
	v12, _, _ =	vpop (xrf0)  }
0xcd: {  	[tilespmem:v8+s2+$0x0] =	vst.idx.msk vm10, v39;
	(v2sf) =	vpush v12, $0xF  }
0xce: {  	[tilespmem:v8+s15+$0x0] =	vst.idx.msk vm10, v13;
	v56 =	vadd.s32 v45, v50  }
0xcf: {  	[tilespmem:v51+s2+$0x0] =	vst.idx.msk vm9, v29  }
0xd0: {  	[tilespmem:v51+s15+$0x0] =	vst.idx.msk vm9, v14;
	v8 =	vadd.s32 v34, v52  }
0xd1: {  	[tilespmem:v55+s2+$0x0] =	vst.idx.msk vm11, v37  }
0xd2: {  	[tilespmem:v55+s15+$0x0] =	vst.idx.msk vm11, v11;
	v57 =	vadd.s32 v27, v53  }
0xd3: {  	[tilespmem:v56+s2+$0x0] =	vst.idx.msk vm12, v35  }
0xd4: {  	v61 =	vadd.s32 v40, v54;
	[tilespmem:v56+s15+$0x0] =	vst.idx.msk vm12, v16  }
0xd5: {  	[tilespmem:v8+s2+$0x0] =	vst.idx.msk vm13, v43  }
0xd6: {  	[tilespmem:v8+s15+$0x0] =	vst.idx.msk vm13, v18;
	v8 =	vadd.s32 v58, v41  }
0xd7: {  	v62 =	vadd.s32 v5, v41;
	[tilespmem:v57+s2+$0x0] =	vst.idx.msk vm15, v23  }
0xd8: {  	v63 =	vadd.s32 v6, v41;
	[tilespmem:v57+s15+$0x0] =	vst.idx.msk vm15, v17  }
0xd9: {  	v12 =	vadd.s32 v59, v41;
	[tilespmem:v61+s2+$0x0] =	vst.idx.msk vm14, v24  }
.Ltmp5:
0xda: {  	s23 =	simm.s32 $0x0;
	[tilespmem:v61+s15+$0x0] =	vst.idx.msk vm14, v15;
	(pc) =	sbr.rel .LBB2_7-.Ltmp5, $4  }
0xdb: {  	[tilespmem:v8+s23+$0x0] =	vst.idx.msk $0xffff, v3  }
0xdc: {  	[tilespmem:v62+s23+$0x0] =	vst.idx.msk $0xffff, v3;
	s30 =	spop (v2sf)  }
0xdd: {  	v13 =	vimm.f32 $-3.000000010e+38;
	vm12 =	vcmask $0x300;
	vm13 =	vcmask $0x704;
	[tilespmem:v63+s23+$0x0] =	vst.idx.msk $0xffff, v3;
	s31 =	sand.u32 $0xFFFFFFC0, s30  }
0xde: {  	s20 =	simm.s32 $0x0;
	v14 =	vimm.s32 $0x0;
	vm15 =	vcmask $0xF0C;
	vm14 =	vcmask $0xB08;
	[tilespmem:v12+s23+$0x0] =	vst.idx.msk $0xffff, v3;
	s22 =	sadd.s32 $0x80000001, s30;
	s21 =	sadd.s32 $0x80000040, s31  }
.LBB2_36:
0xdf: {  	v0 =	vxor.u32 $0x80000000, v16  }
0xe0: {  	(xrf0) =	vmax.scan.msk.u32 $0xffff, v0;
	_ =	sdelay $0x5  }
0xe1: {  	v0, _, _ =	vpop (xrf0)  }
0xe2: {  	(v2sf) =	vpush v0, $0xF;
	_ =	sdelay $0x8  }
0xe3: {  	v0 =	vadd.s32 v58, v16  }
0xe4: {  	v2 =	vadd.s32 v5, v16  }
0xe5: {  	v4 =	vadd.s32 v6, v16;
	s20 =	sadd.s32 $0x1, s20  }
0xe6: {  	v7 =	vadd.s32 v59, v16;
	p0 =	sne.s32 s20, $0xC8  }
.Ltmp6:
0xe7: {  	_ = 	snop;
	(pc) =	sbr.rel @!p0 .LBB2_37-.Ltmp6, $4  }
0xe8: {  	[tilespmem:v0+s16+$0x0] =	vst.idx.msk $0xffff, v3  }
0xe9: {  	[tilespmem:v2+s16+$0x0] =	vst.idx.msk $0xffff, v3;
	s0 =	spop (v2sf)  }
0xea: {  	[tilespmem:v4+s16+$0x0] =	vst.idx.msk $0xffff, v3;
	s0 =	sand.u32 $0xFFFFFFC0, s0  }
0xeb: {  	[tilespmem:v7+s16+$0x0] =	vst.idx.msk $0xffff, v3;
	s23 =	sadd.s32 $0x80000040, s0  }
.LBB2_7:
0xec: {  	(xrf0) =	vmax.scan.msk.f32 $0xffff, v13;
	_ =	sdelay $0x5  }
0xed: {  	v8, _, _ =	vpop (xrf0)  }
0xee: {  	(v2sf) =	vpush v8, $0xF;
	_ =	sdelay $0xe  }
0xef: {  	s24 =	spop (v2sf)  }
0xf0: {  	p0 =	sle.f32 s24, $9.999999770e-03;
	_ =	sdelay $0x1  }
0xf1: {  	p1 =	slt.s32 @p0 s22, $0x1  }
0xf2: {  	p1 =	por !p0, p1  }
.Ltmp7:
0xf3: {  	_ = 	snop;
	(pc) =	sbr.rel @p1 .LBB2_8-.Ltmp7, $1  }
0xf4: {  	_ =	sdelay $0x3  }
0xf5: {  	p0 =	slt.u32 s22, $0x401  }
.Ltmp8:
0xf6: {  	_ = 	snop;
	(pc) =	sbr.rel @p0 .LBB2_21-.Ltmp8, $3  }
0xf7: {  	_ =	sdelay $0x1  }
0xf8: {  	s25 =	sadd.s32 $0xF, s21  }
0xf9: {  	s26 =	simm.s32 $0x3C23D70A;
	s23 =	sand.u32 $0xFFFFFFC0, s25;
	s24 =	sshll.u32 s25, $0x2  }
.Ltmp9:
0xfa: {  	(pc) =	sbr.rel .LBB2_11-.Ltmp9, $3  }
0xfb: {  	_ =	sdelay $0x1  }
0xfc: {  	s0 =	sshra.s32 s24, $0x2;
	s26 =	simm.s32 $0x3C23D70A;
	s29 =	simm.s32 $0x40000000  }
0xfd: {  	p0 =	slt.s32 s25, $0x40;
	p1 =	sge.s32 s23, s21;
	s28 =	sand.u32 $0xFFFFFFC0, s0  }
.LBB2_19:
0xfe: {  	v8 =	vxor.u32 $0x80000000, v9  }
0xff: {  	(xrf0) =	vmax.scan.msk.u32 $0xffff, v8;
	_ =	sdelay $0x5  }
0x100: {  	v8, _, _ =	vpop (xrf0)  }
0x101: {  	(v2sf) =	vpush v8, $0xF;
	_ =	sdelay $0xe  }
0x102: {  	s0 =	spop (v2sf)  }
0x103: {  	s0 =	sxor.u32 $0x80000000, s0  }
0x104: {  	p2 =	sgt.s32 s0, $0x1FF  }
0x105: {  	s26 =	smov.u32 @p2 s30;
	s30 =	smov.u32 @p2 s29;
	s22 =	smov.u32 @p2 s0  }
0x106: {  	p2 =	slt.s32 s22, $0x401;
	s0 =	ssub.s32 s30, s26  }
0x107: {  	p3 =	sgt.s32 @!p2 s0, $0x1  }
0x108: {  	p3 =	por p2, !p3  }
.Ltmp10:
0x109: {  	_ = 	snop;
	(pc) =	sbr.rel @p3 .LBB2_20-.Ltmp10, $2  }
0x10a: {  	_ =	sdelay $0x2  }
0x10b: {  	s29 =	smov.u32 s30  }
.LBB2_11:
.Ltmp11:
0x10c: {  	(pc) =	sbr.rel @p0 .LBB2_17-.Ltmp11, $4  }
0x10d: {  	s0 =	sadd.s32 s26, s29  }
0x10e: {  	s30 =	sshra.s32 s0, $0x1  }
0x10f: {  	v8 =	vmov s30  }
0x110: {  	v9 =	vimm.s32 $0x0;
	v8 =	vbroadcast v8, $0x0  }
0x111: {  	p3 =	sgt.s32 s23, $0x40  }
.Ltmp12:
0x112: {  	s0 =	simm.s32 $0x20;
	(pc) =	sbr.rel @!p3 .LBB2_13-.Ltmp12, $4  }
0x113: {  	v13 =	vld [tilespmem:s0+$0xFFFFFFE0]  }
0x114: {  	v11 =	vld [tilespmem:s0+$0xFFFFFFF0]  }
0x115: {  	v12 =	vld [tilespmem:s0+$0x0]  }
0x116: {  	v9 =	vimm.s32 $0x0;
	p2 =	por $0x0, $0x0;
	v10 =	vld [tilespmem:s0+$0x10]  }
0x117: {  	_ = 	snop  }
0x118: {  	p3 =	sgt.s32 s23, $0x80;
	vm0 =	vgt.f32 v13, v8  }
.Ltmp13:
0x119: {  	s31 =	simm.s32 $0x60;
	v14 =	vmpcnt.ones.xlane vm0;
	vm9 =	vgt.f32 v11, v8;
	(pc) =	sbr.rel @!p3 .LBB2_16-.Ltmp13, $4  }
0x11a: {  	v13 =	vld [tilespmem:s31+$0xFFFFFFE0];
	v15 =	vmpcnt.ones.xlane vm9;
	vm10 =	vgt.f32 v12, v8  }
0x11b: {  	v11 =	vld [tilespmem:s31+$0xFFFFFFF0];
	v14 =	vadd.s32 v9, v14;
	v16 =	vmpcnt.ones.xlane vm10  }
0x11c: {  	v12 =	vld [tilespmem:s31+$0x0];
	vm11 =	vgt.f32 v10, v8;
	v15 =	vadd.s32 v15, v14  }
0x11d: {  	s0 =	simm.s32 $0x80;
	p2 =	por $0x1, $0x1;
	v10 =	vld [tilespmem:s31+$0x10];
	v14 =	vmpcnt.ones.xlane vm11;
	v15 =	vadd.s32 v16, v15  }
.LBB2_15:
0x11e: {  	s0 =	sadd.s32 $0x40, s0  }
0x11f: {  	vm0 =	vgt.f32 v13, v8;
	s31 =	sadd.s32 $0x40, s31;
	v14 =	vadd.s32 v14, v15;
	p3 =	slt.s32 s0, s23  }
.Ltmp14:
0x120: {  	v13 =	vld [tilespmem:s31+$0xFFFFFFE0];
	v15 =	vmpcnt.ones.xlane vm0;
	vm0 =	vgt.f32 v11, v8;
	(pc) =	sbr.rel @p3 .LBB2_15-.Ltmp14, $4  }
0x121: {  	v11 =	vld [tilespmem:s31+$0xFFFFFFF0];
	v16 =	vmpcnt.ones.xlane vm0;
	vm0 =	vgt.f32 v12, v8  }
0x122: {  	v12 =	vld [tilespmem:s31+$0x0];
	v14 =	vadd.s32 v14, v15;
	v15 =	vmpcnt.ones.xlane vm0;
	vm0 =	vgt.f32 v10, v8  }
0x123: {  	v10 =	vld [tilespmem:s31+$0x10];
	v16 =	vadd.s32 v16, v14;
	v14 =	vmpcnt.ones.xlane vm0  }
0x124: {  	v15 =	vadd.s32 v15, v16  }
.LBB2_16:
0x125: {  	_ = 	snop  }
0x126: {  	vm0 =	vgt.f32 v13, v8  }
0x127: {  	v13 =	vadd.s32 @p2 v14, v15;
	v63 =	vmpcnt.ones.xlane vm0;
	vm9 =	vgt.f32 v11, v8  }
0x128: {  	v9 =	vpsel p2, v13, v9;
	v11 =	vmpcnt.ones.xlane vm9;
	vm10 =	vgt.f32 v12, v8  }
0x129: {  	v9 =	vadd.s32 v9, v63;
	v12 =	vmpcnt.ones.xlane vm10;
	vm11 =	vgt.f32 v10, v8  }
0x12a: {  	v9 =	vadd.s32 v11, v9;
	v10 =	vmpcnt.ones.xlane vm11  }
0x12b: {  	v9 =	vadd.s32 v12, v9  }
0x12c: {  	v9 =	vadd.s32 v10, v9  }
.LBB2_17:
.Ltmp15:
0x12d: {  	(pc) =	sbr.rel @p1 .LBB2_19-.Ltmp15, $2  }
0x12e: {  	_ =	sdelay $0x2  }
0x12f: {  	s0 =	smov.u32 s28;
	s31 =	smov.u32 s23  }
.LBB2_18:
0x130: {  	v10 =	vld [tilespmem:s0+$0x0];
	_ =	sdelay $0x1  }
0x131: {  	s31 =	sadd.s32 $0x10, s31  }
0x132: {  	p2 =	slt.s32 s31, s21  }
.Ltmp16:
0x133: {  	_ = 	snop;
	(pc) =	sbr.rel @p2 .LBB2_18-.Ltmp16, $3  }
0x134: {  	vm0 =	vgt.f32 v10, v8  }
0x135: {  	v10 =	vmpcnt.ones.xlane vm0;
	_ =	sdelay $0x1  }
0x136: {  	s0 =	sadd.s32 $0x10, s0;
	v9 =	vadd.s32 v9, v10  }
.Ltmp17:
0x137: {  	_ = 	snop;
	(pc) =	sbr.rel .LBB2_19-.Ltmp17, $1  }
0x138: {  	_ =	sdelay $0x3  }
.LBB2_13:
.Ltmp18:
0x139: {  	(pc) =	sbr.rel .LBB2_16-.Ltmp18, $2  }
0x13a: {  	_ =	sdelay $0x2  }
0x13b: {  	_ = 	snop  }
.LBB2_8:
.Ltmp19:
0x13c: {  	(pc) =	sbr.rel .LBB2_31-.Ltmp19, $3  }
0x13d: {  	_ =	sdelay $0x1  }
0x13e: {  	s24 =	smov.u32 @p0 s24  }
0x13f: {  	s23 =	smov.u32 @p0 s23;
	v8 =	vpsel p0, v13, v13;
	v9 =	vpsel p0, v14, v14;
	s22 =	smov.u32 @p0 s22;
	s21 =	smov.u32 @p0 s21  }
.LBB2_20:
0x140: {  	s26 =	smov.u32 @p2 s26  }
.LBB2_21:
0x141: {  	p0 =	slt.s32 s25, $0x40  }
.Ltmp20:
0x142: {  	_ = 	snop;
	(pc) =	sbr.rel @p0 .LBB2_24-.Ltmp20, $3  }
0x143: {  	_ =	sdelay $0x1  }
0x144: {  	v8 =	vmov s26  }
0x145: {  	v10 =	vimm.s32 $0xFFFFFFFF;
	v9 =	vimm.s32 $0xFFFFFFFF;
	v8 =	vbroadcast v8, $0x0  }
0x146: {  	p2 =	sgt.s32 s23, $0x40  }
.Ltmp21:
0x147: {  	_ = 	snop;
	(pc) =	sbr.rel @!p2 .LBB2_23-.Ltmp21, $3  }
0x148: {  	_ =	sdelay $0x1  }
0x149: {  	s25 =	simm.s32 $0x20  }
0x14a: {  	v9 =	vimm.s32 $0xFFFFFFFF;
	s22 =	simm.s32 $0x50A0;
	p0 =	por $0x0, $0x0;
	p1 =	por $0x0, $0x0;
	v22 =	vld [tilespmem:s25+$0xFFFFFFE0]  }
0x14b: {  	_ =	sdelay $0x3  }
0x14c: {  	vm0 =	vgt.f32 v22, v8  }
0x14d: {  	v15 =	vld [tilespmem:s25+$0xFFFFFFF0];
	v10 =	vsel vm0, $0x1, v1  }
0x14e: {  	(xrf0) =	vadd.scan.msk.s32 $0xffff, v10;
	_ =	sdelay $0x3  }
0x14f: {  	vm1 =	vgt.f32 v15, v8  }
0x150: {  	v17 =	vld [tilespmem:s25+$0x0];
	v10 =	vsel vm1, $0x1, v1  }
0x151: {  	(xrf0) =	vadd.scan.msk.s32 $0xffff, v10;
	v11, _, _ =	vpop (xrf0)  }
0x152: {  	v13 =	vadd.s32 v9, v11  }
0x153: {  	vm5 =	vlt.s32 v13, $0x400  }
0x154: {  	vm6 =	vmand vm0, vm5  }
0x155: {  	vm10 =	vgt.f32 v17, v8;
	v11 =	vld [tilespmem:s25+$0x10];
	v10 =	vmpcnt.ones.xlane vm6  }
0x156: {  	v12 =	vsel vm10, $0x1, v1  }
0x157: {  	v14, _, _ =	vpop (xrf0);
	(xrf0) =	vadd.scan.msk.s32 $0xffff, v12;
	v19 =	vadd.s32 v9, v10  }
0x158: {  	p2 =	sgt.s32 s23, $0x80;
	vm0 =	vgt.f32 v22, $0.0e+00;
	vm5 =	vmneg vm6;
	v18 =	vadd.s32 v19, v14  }
.Ltmp22:
0x159: {  	vm5 =	vmand vm0, vm5;
	vm0 =	vlt.s32 v18, $0x400;
	(pc) =	sbr.rel @!p2 .LBB2_40-.Ltmp22, $4  }
0x15a: {  	v10 =	vsel vm5, $0x1, v1;
	vm11 =	vgt.f32 v11, v8;
	vm9 =	vmand vm1, vm0  }
0x15b: {  	(xrf0) =	vadd.scan.msk.s32 $0xffff, v10;
	v10 =	vld [tilespmem:s22+$0xFFFFFFF0];
	vm0 =	vgt.f32 v15, $0.0e+00;
	vm1 =	vmneg vm9;
	v14 =	vmpcnt.ones.xlane vm9  }
0x15c: {  	v12 =	vld [tilespmem:s22+$0xFFFFFFE0];
	s25 =	simm.s32 $0x60;
	v20 =	vsel vm11, $0x1, v1;
	vm12 =	vmand vm0, vm1  }
0x15d: {  	p0 =	por $0x1, $0x1;
	v16 =	vld [tilespmem:s25+$0xFFFFFFE0];
	v30, _, _ =	vpop (xrf0);
	(xrf0) =	vadd.scan.msk.s32 $0xffff, v20;
	[tilespmem:v13+s16+$0x0] =	vst.idx.msk vm6, v22;
	v24 =	vsel vm12, $0x1, v1;
	v27 =	vadd.s32 v19, v14  }
0x15e: {  	_ =	sdelay $0x1  }
0x15f: {  	v14 =	vadd.s32 v27, v30  }
0x160: {  	vm0 =	vlt.s32 v14, $0x400  }
0x161: {  	vm8 =	vmand vm10, vm0;
	vm0 =	vgt.f32 v16, v8  }
0x162: {  	v19 =	vld [tilespmem:s25+$0xFFFFFFF0];
	v23 =	vsel vm0, $0x1, v1  }
0x163: {  	vm1 =	vgt.f32 v17, $0.0e+00;
	v20 =	vmpcnt.ones.xlane vm8;
	vm7 =	vmneg vm8  }
0x164: {  	v21, _, _ =	vpop (xrf0);
	vm13 =	vmand vm1, vm7;
	(xrf0) =	vadd.scan.msk.s32 $0xffff, v23  }
0x165: {  	v25 =	vmpcnt.ones.xlane vm5;
	v20 =	vadd.s32 v27, v20;
	v26 =	vsel vm13, $0x1, v1;
	v27 =	vld [tilespmem:s22+$0x0];
	v23, _, _ =	vpop (xrf0)  }
0x166: {  	[tilespmem:v13+s17+$0x0] =	vst.idx.msk vm6, v12;
	vm6 =	vgt.f32 v11, $0.0e+00;
	(xrf0) =	vadd.scan.msk.s32 $0xffff, v26;
	v23 =	vadd.s32 v20, v23  }
0x167: {  	[tilespmem:v18+s16+$0x0] =	vst.idx.msk vm9, v15;
	vm7 =	vmmov vm12;
	vm14 =	vgt.f32 v19, v8;
	vm1 =	vlt.s32 v23, $0x400  }
0x168: {  	[tilespmem:v18+s17+$0x0] =	vst.idx.msk vm9, v10;
	v18 =	vsel vm14, $0x1, v1;
	v26 =	vadd.s32 v9, v21;
	v21 =	vld [tilespmem:s25+$0x0];
	vm11 =	vmand vm11, vm1  }
0x169: {  	[tilespmem:v14+s16+$0x0] =	vst.idx.msk vm8, v17;
	(xrf0) =	vadd.scan.msk.s32 $0xffff, v18;
	v28 =	vmpcnt.ones.xlane vm11;
	vm9 =	vmneg vm11  }
0x16a: {  	[tilespmem:v14+s17+$0x0] =	vst.idx.msk vm8, v27;
	v13, _, _ =	vpop (xrf0);
	(xrf0) =	vadd.scan.msk.s32 $0xffff, v24;
	v24 =	vmpcnt.ones.xlane vm7;
	vm8 =	vmand vm6, vm9  }
0x16b: {  	v25 =	vadd.s32 v9, v25;
	v18 =	vadd.s32 v20, v28;
	v14 =	vsel vm8, $0x1, v1  }
0x16c: {  	v24 =	vadd.s32 v25, v24;
	v29, _, _ =	vpop (xrf0);
	v13 =	vadd.s32 v18, v13;
	(xrf0) =	vadd.scan.msk.s32 $0xffff, v14  }
0x16d: {  	[tilespmem:v26+s2+$0x0] =	vst.idx.msk vm5, v22;
	vm10 =	vgt.f32 v21, v8;
	v14 =	vadd.s32 v24, v29;
	vm6 =	vlt.s32 v13, $0x400  }
0x16e: {  	v22 =	vld [tilespmem:s25+$0x10];
	[tilespmem:v26+s15+$0x0] =	vst.idx.msk vm5, v12;
	v26 =	vsel vm10, $0x1, v1;
	vm6 =	vmand vm0, vm6  }
0x16f: {  	v28 =	vmpcnt.ones.xlane vm13;
	v20 =	vld [tilespmem:s22+$0x10];
	v29 =	vmpcnt.ones.xlane vm6  }
0x170: {  	vm1 =	vgt.f32 v16, $0.0e+00;
	v30, _, _ =	vpop (xrf0);
	vm0 =	vmneg vm6  }
0x171: {  	(xrf0) =	vadd.scan.msk.s32 $0xffff, v26;
	v24 =	vadd.s32 v24, v28;
	v26, _, _ =	vpop (xrf0);
	vm5 =	vmand vm1, vm0;
	v29 =	vadd.s32 v18, v29  }
0x172: {  	p2 =	sgt.s32 s23, $0xC0;
	v25 =	vadd.s32 v25, v26;
	v26 =	vsel vm5, $0x1, v1;
	[tilespmem:v14+s2+$0x0] =	vst.idx.msk vm13, v17;
	v18 =	vadd.s32 v29, v30;
	v17, _, _ =	vpop (xrf0)  }
.Ltmp23:
0x173: {  	[tilespmem:v23+s16+$0x0] =	vst.idx.msk vm11, v11;
	(xrf0) =	vadd.scan.msk.s32 $0xffff, v26;
	vm0 =	vlt.s32 v18, $0x400;
	v26 =	vadd.s32 v24, v17;
	(pc) =	sbr.rel @!p2 .LBB2_42-.Ltmp23, $4  }
0x174: {  	s25 =	simm.s32 $0xA0;
	v12 =	vmpcnt.ones.xlane vm8;
	[tilespmem:v23+s17+$0x0] =	vst.idx.msk vm11, v20;
	vm11 =	vgt.f32 v22, v8;
	vm9 =	vmand vm14, vm0  }
0x175: {  	s26 =	simm.s32 $0x50E0;
	[tilespmem:v14+s15+$0x0] =	vst.idx.msk vm13, v27;
	v14 =	vld [tilespmem:s25+$0xFFFFFFE0];
	vm0 =	vgt.f32 v19, $0.0e+00;
	vm1 =	vmneg vm9;
	v28 =	vmpcnt.ones.xlane vm9  }
0x176: {  	v23 =	vadd.s32 v24, v12;
	v12 =	vld [tilespmem:s26+$0xFFFFFFE0];
	v17 =	vsel vm11, $0x1, v1;
	[tilespmem:v13+s16+$0x0] =	vst.idx.msk vm6, v16;
	vm12 =	vmand vm0, vm1  }
0x177: {  	s28 =	simm.s32 $0xC0;
	p1 =	por $0x1, $0x1;
	v31 =	vld [tilespmem:s26+$0xFFFFFFF0];
	v30, _, _ =	vpop (xrf0);
	(xrf0) =	vadd.scan.msk.s32 $0xffff, v17;
	[tilespmem:v25+s2+$0x0] =	vst.idx.msk vm7, v15;
	v24 =	vsel vm12, $0x1, v1;
	v27 =	vadd.s32 v29, v28  }
.LBB2_43:
0x178: {  	s28 =	sadd.s32 $0x40, s28;
	v15 =	vadd.s32 v27, v30;
	[tilespmem:v26+s2+$0x0] =	vst.idx.msk vm8, v11;
	v11 =	vmov v22  }
0x179: {  	vm0 =	vgt.f32 v21, $0.0e+00;
	p2 =	slt.s32 s28, s23;
	vm1 =	vlt.s32 v15, $0x400;
	v17, _, _ =	vpop (xrf0);
	[tilespmem:v26+s15+$0x0] =	vst.idx.msk vm8, v20  }
0x17a: {  	v20 =	vmpcnt.ones.xlane vm5;
	vm14 =	vgt.f32 v14, v8;
	vm8 =	vmand vm10, vm1;
	[tilespmem:v25+s15+$0x0] =	vst.idx.msk vm7, v10  }
0x17b: {  	v0 =	vsel vm14, $0x1, v1;
	v28 =	vld [tilespmem:s25+$0xFFFFFFF0];
	[tilespmem:v18+s16+$0x0] =	vst.idx.msk vm9, v19;
	vm1 =	vmneg vm8;
	v22 =	vmpcnt.ones.xlane vm8  }
0x17c: {  	v17 =	vadd.s32 v23, v17;
	(xrf0) =	vadd.scan.msk.s32 $0xffff, v0;
	[tilespmem:v18+s17+$0x0] =	vst.idx.msk vm9, v31;
	v29 =	vld [tilespmem:s26+$0x0];
	vm13 =	vmand vm0, vm1;
	v10 =	vmovc v31  }
0x17d: {  	vm15 =	vgt.f32 v14, $0.0e+00;
	v25 =	vadd.s32 v23, v20;
	[tilespmem:v13+s17+$0x0] =	vst.idx.msk vm6, v12;
	v13 =	vadd.s32 v27, v22;
	v18, _, _ =	vpop (xrf0)  }
0x17e: {  	v20 =	vsel vm13, $0x1, v1;
	v23 =	vmpcnt.ones.xlane vm13;
	v18 =	vadd.s32 v13, v18  }
0x17f: {  	vm7 =	vmmov vm12;
	vm0 =	vlt.s32 v18, $0x400;
	(xrf0) =	vadd.scan.msk.s32 $0xffff, v20  }
0x180: {  	vm1 =	vgt.f32 v11, $0.0e+00;
	vm9 =	vgt.f32 v28, v8;
	[tilespmem:v15+s16+$0x0] =	vst.idx.msk vm8, v21;
	vm0 =	vmand vm11, vm0  }
0x181: {  	v20 =	vsel vm9, $0x1, v1;
	v27 =	vld [tilespmem:s25+$0x0];
	[tilespmem:v15+s17+$0x0] =	vst.idx.msk vm8, v29;
	vm6 =	vmneg vm0;
	v15 =	vmpcnt.ones.xlane vm0  }
0x182: {  	v22, _, _ =	vpop (xrf0);
	(xrf0) =	vadd.scan.msk.s32 $0xffff, v20;
	[tilespmem:v17+s2+$0x0] =	vst.idx.msk vm5, v16;
	v20 =	vld [tilespmem:s26+$0x10];
	vm8 =	vmand vm1, vm6;
	v16 =	vmov v14  }
0x183: {  	v14 =	vmpcnt.ones.xlane vm7;
	v26 =	vsel vm8, $0x1, v1;
	v15 =	vadd.s32 v13, v15;
	(xrf0) =	vadd.scan.msk.s32 $0xffff, v24  }
0x184: {  	v13 =	vadd.s32 v15, v22;
	[tilespmem:v17+s15+$0x0] =	vst.idx.msk vm5, v12;
	(xrf0) =	vadd.scan.msk.s32 $0xffff, v26  }
0x185: {  	v14 =	vadd.s32 v25, v14;
	v17 =	vmpcnt.ones.xlane vm8;
	vm1 =	vlt.s32 v13, $0x400;
	v12, _, _ =	vpop (xrf0)  }
0x186: {  	s26 =	sadd.s32 $0x40, s26;
	vm6 =	vmand vm14, vm1;
	vm10 =	vgt.f32 v27, v8;
	v22 =	vld [tilespmem:s25+$0x10];
	v24 =	vadd.s32 v14, v12;
	[tilespmem:v18+s16+$0x0] =	vst.idx.msk vm0, v11  }
0x187: {  	v12 =	vld [tilespmem:s26+$0xFFFFFFE0];
	vm1 =	vmneg vm6;
	v26 =	vmpcnt.ones.xlane vm6;
	v30 =	vsel vm10, $0x1, v1;
	[tilespmem:v18+s17+$0x0] =	vst.idx.msk vm0, v20  }
0x188: {  	v14 =	vadd.s32 v14, v23;
	vm5 =	vmand vm15, vm1;
	v18, _, _ =	vpop (xrf0);
	(xrf0) =	vadd.scan.msk.s32 $0xffff, v30  }
0x189: {  	v23 =	vadd.s32 v14, v17;
	v30 =	vsel vm5, $0x1, v1;
	v15 =	vadd.s32 v15, v26;
	v17, _, _ =	vpop (xrf0)  }
0x18a: {  	v18 =	vadd.s32 v15, v18;
	v25 =	vadd.s32 v25, v17;
	v17, _, _ =	vpop (xrf0)  }
.Ltmp24:
0x18b: {  	vm0 =	vlt.s32 v18, $0x400;
	vm11 =	vgt.f32 v22, v8;
	(xrf0) =	vadd.scan.msk.s32 $0xffff, v30;
	v26 =	vadd.s32 v14, v17;
	(pc) =	sbr.rel @p2 .LBB2_43-.Ltmp24, $4  }
0x18c: {  	s25 =	sadd.s32 $0x40, s25;
	vm1 =	vgt.f32 v28, $0.0e+00;
	vm9 =	vmand vm9, vm0;
	[tilespmem:v24+s2+$0x0] =	vst.idx.msk vm13, v21;
	v21 =	vmov v27  }
0x18d: {  	v32 =	vsel vm11, $0x1, v1;
	v14 =	vld [tilespmem:s25+$0xFFFFFFE0];
	vm0 =	vmneg vm9;
	v17 =	vmpcnt.ones.xlane vm9;
	[tilespmem:v24+s15+$0x0] =	vst.idx.msk vm13, v29  }
0x18e: {  	[tilespmem:v13+s16+$0x0] =	vst.idx.msk vm6, v16;
	vm12 =	vmand vm1, vm0;
	v30, _, _ =	vpop (xrf0)  }
0x18f: {  	v31 =	vld [tilespmem:s26+$0xFFFFFFF0];
	v24 =	vsel vm12, $0x1, v1;
	v27 =	vadd.s32 v15, v17;
	(xrf0) =	vadd.scan.msk.s32 $0xffff, v32;
	[tilespmem:v25+s2+$0x0] =	vst.idx.msk vm7, v19;
	v19 =	vmovc v28  }
0x190: {  	_ =	sdelay $0x2  }
0x191: {  	v29 =	vmov v11;
	v28 =	vmov v10  }
0x192: {  	v11 =	vmovc v22;
	v17 =	vmovc v21;
	v15 =	vmov v19;
	v22 =	vmov v16;
	v10 =	vmov v31  }
.LBB2_45:
0x193: {  	v21 =	vadd.s32 @p0 v27, v30  }
0x194: {  	vm0 =	vlt.s32 @p0 v21, $0x400  }
0x195: {  	vm14 =	vmand @p0 vm10, vm0  }
0x196: {  	v19 =	vmpcnt.ones.xlane @p0 vm14  }
0x197: {  	v30, _, _ =	vpop @p0 (xrf0);
	vm0 =	vgt.f32 v14, v8  }
0x198: {  	v16 =	vld [tilespmem:s25+$0xFFFFFFF0];
	v31 =	vsel vm0, $0x1, v1;
	v19 =	vadd.s32 @p0 v27, v19;
	v27, _, _ =	vpop @p0 (xrf0)  }
0x199: {  	(xrf0) =	vadd.scan.msk.s32 $0xffff, v31;
	v27 =	vadd.s32 @p0 v19, v27  }
0x19a: {  	vm1 =	vlt.s32 @p0 v27, $0x400  }
0x19b: {  	vm10 =	vgt.f32 @p0 v17, $0.0e+00;
	vm13 =	vmneg @p0 vm14;
	vm11 =	vmand @p0 vm11, vm1  }
0x19c: {  	vm13 =	vmand @p0 vm10, vm13;
	v31 =	vmpcnt.ones.xlane @p0 vm11  }
0x19d: {  	v32 =	vsel @p0 vm13, $0x1, v1;
	vm1 =	vgt.f32 v16, v8  }
0x19e: {  	v36 =	vld [tilespmem:s25+$0x0];
	(xrf0) =	vadd.scan.msk.s32 @p0 $0xffff, v32;
	v63 =	vsel vm1, $0x1, v1;
	v31 =	vadd.s32 @p0 v19, v31  }
0x19f: {  	v33, _, _ =	vpop (xrf0);
	(xrf0) =	vadd.scan.msk.s32 $0xffff, v63;
	v31 =	vpsel p0, v31, v9  }
0x1a0: {  	v37 =	vadd.s32 v31, v33  }
0x1a1: {  	vm15 =	vgt.f32 @p0 v11, $0.0e+00;
	vm2 =	vmneg @p0 vm11;
	vm10 =	vlt.s32 v37, $0x400  }
0x1a2: {  	[tilespmem:v26+s2+$0x0] =	vst.idx.msk @p1 vm8, v29;
	vm15 =	vmand @p0 vm15, vm2;
	vm10 =	vmand vm0, vm10  }
0x1a3: {  	v29 =	vsel @p0 vm15, $0x1, v1;
	(xrf0) =	vadd.scan.msk.s32 @p0 $0xffff, v24;
	vm0 =	vgt.f32 v36, v8;
	v38 =	vmpcnt.ones.xlane vm10  }
0x1a4: {  	v34 =	vmpcnt.ones.xlane @p0 vm5;
	vm12 =	vmmov @p0 vm12;
	v24, _, _ =	vpop @p0 (xrf0);
	(xrf0) =	vadd.scan.msk.s32 @p0 $0xffff, v29;
	v35 =	vsel vm0, $0x1, v1  }
0x1a5: {  	v39 =	vld [tilespmem:s25+$0x10];
	[tilespmem:v26+s15+$0x0] =	vst.idx.msk @p1 vm8, v20;
	v20 =	vmpcnt.ones.xlane @p0 vm12;
	v40, _, _ =	vpop (xrf0);
	(xrf0) =	vadd.scan.msk.s32 $0xffff, v35;
	v31 =	vadd.s32 v31, v38  }
0x1a6: {  	v26 =	vadd.s32 @p0 v23, v34;
	v23 =	vadd.s32 @p0 v23, v30;
	v33 =	vadd.s32 v31, v40  }
0x1a7: {  	[tilespmem:v25+s15+$0x0] =	vst.idx.msk @p1 vm7, v28;
	vm2 =	vgt.f32 v14, $0.0e+00;
	vm8 =	vmneg vm10;
	vm3 =	vlt.s32 v33, $0x400  }
0x1a8: {  	[tilespmem:v18+s16+$0x0] =	vst.idx.msk @p0 vm9, v15;
	vm7 =	vmand vm2, vm8;
	vm8 =	vmand vm1, vm3  }
0x1a9: {  	[tilespmem:v13+s17+$0x0] =	vst.idx.msk @p0 vm6, v12;
	v20 =	vadd.s32 @p0 v26, v20;
	v28 =	vmpcnt.ones.xlane @p0 vm13;
	v30, _, _ =	vpop @p0 (xrf0);
	v42 =	vmpcnt.ones.xlane vm8  }
0x1aa: {  	v25 =	vld @p0 [tilespmem:s26+$0x0];
	[tilespmem:v18+s17+$0x0] =	vst.idx.msk @p0 vm9, v10;
	vm9 =	vgt.f32 v39, v8;
	v13 =	vadd.s32 @p0 v20, v24;
	v41 =	vsel vm7, $0x1, v1;
	v24, _, _ =	vpop @p0 (xrf0)  }
0x1ab: {  	v43 =	vsel vm9, $0x1, v1;
	[tilespmem:v23+s2+$0x0] =	vst.idx.msk @p0 vm5, v22;
	v22 =	vld @p0 [tilespmem:s26+$0x10];
	(xrf0) =	vadd.scan.msk.s32 $0xffff, v41;
	v45, _, _ =	vpop (xrf0);
	v44 =	vadd.s32 v31, v42  }
0x1ac: {  	v10 =	vpsel p0, v10, v0;
	[tilespmem:v21+s16+$0x0] =	vst.idx.msk @p0 vm14, v17;
	(xrf0) =	vadd.scan.msk.s32 $0xffff, v43;
	v18 =	vadd.s32 v44, v45  }
0x1ad: {  	v20 =	vadd.s32 @p0 v20, v28;
	[tilespmem:v27+s16+$0x0] =	vst.idx.msk @p0 vm11, v11;
	v11 =	vpsel p0, v11, v0;
	vm2 =	vlt.s32 v18, $0x400  }
0x1ae: {  	s0 =	sadd.s32 @p0 $0x40, s26;
	[tilespmem:v23+s15+$0x0] =	vst.idx.msk @p0 vm5, v12;
	v24 =	vadd.s32 @p0 v20, v24;
	vm5 =	vmand vm0, vm2;
	vm2 =	vmmov @p0 vm15  }
0x1af: {  	s22 =	smov.u32 @p0 s0;
	[tilespmem:v21+s17+$0x0] =	vst.idx.msk @p0 vm14, v25;
	v21 =	vadd.s32 @p0 v26, v30;
	v26 =	vmpcnt.ones.xlane @p0 vm15;
	v12 =	vpsel p0, v24, v0  }
0x1b0: {  	v51 =	vld [tilespmem:s22+$0xFFFFFFE0];
	[tilespmem:v27+s17+$0x0] =	vst.idx.msk @p0 vm11, v22;
	vm1 =	vgt.f32 v16, $0.0e+00;
	vm0 =	vmneg vm8;
	v46 =	vmpcnt.ones.xlane vm5  }
0x1b1: {  	[tilespmem:v13+s2+$0x0] =	vst.idx.msk @p0 vm13, v17;
	v24 =	vpsel p0, v21, v0;
	vm3 =	vmmov @p0 vm12;
	v48, _, _ =	vpop (xrf0);
	vm6 =	vmand vm1, vm0  }
0x1b2: {  	[tilespmem:v13+s15+$0x0] =	vst.idx.msk @p0 vm13, v25;
	v49, _, _ =	vpop (xrf0);
	vm0 =	vgt.f32 v36, $0.0e+00;
	vm11 =	vmneg vm5;
	v17 =	vadd.s32 v44, v46  }
0x1b3: {  	v20 =	vadd.s32 @p0 v20, v26;
	[tilespmem:v37+s16+$0x0] =	vst.idx.msk vm10, v14;
	vm0 =	vmand vm0, vm11;
	v25 =	vadd.s32 v17, v49  }
0x1b4: {  	v50 =	vld [tilespmem:s22+$0xFFFFFFF0];
	v9 =	vpsel p0, v20, v9;
	vm11 =	vlt.s32 v25, $0x400;
	[tilespmem:v12+s2+$0x0] =	vst.idx.msk @p0 vm2, v11;
	v11 =	vsel vm0, $0x1, v1  }
0x1b5: {  	[tilespmem:v37+s17+$0x0] =	vst.idx.msk vm10, v51;
	v53 =	vadd.s32 v9, v48;
	vm9 =	vmand vm9, vm11;
	(xrf0) =	vadd.scan.msk.s32 $0xffff, v11  }
0x1b6: {  	[tilespmem:v21+s2+$0x0] =	vst.idx.msk @p0 vm12, v15;
	vm1 =	vgt.f32 v39, $0.0e+00;
	v47 =	vsel vm6, $0x1, v1;
	vm11 =	vmneg vm9  }
0x1b7: {  	[tilespmem:v24+s15+$0x0] =	vst.idx.msk @p0 vm3, v10;
	vm1 =	vmand vm1, vm11;
	(xrf0) =	vadd.scan.msk.s32 $0xffff, v47  }
0x1b8: {  	[tilespmem:v33+s16+$0x0] =	vst.idx.msk vm8, v16;
	v11 =	vmpcnt.ones.xlane vm7;
	vm11 =	vmmov vm6;
	v52 =	vsel vm1, $0x1, v1  }
0x1b9: {  	v10 =	vld [tilespmem:s22+$0x0];
	[tilespmem:v33+s17+$0x0] =	vst.idx.msk vm8, v50;
	v54 =	vmpcnt.ones.xlane vm11;
	(xrf0) =	vadd.scan.msk.s32 $0xffff, v52  }
0x1ba: {  	v21 =	vpsel p0, v22, v0;
	[tilespmem:v53+s2+$0x0] =	vst.idx.msk vm7, v14;
	v9 =	vadd.s32 v9, v11  }
0x1bb: {  	[tilespmem:v12+s15+$0x0] =	vst.idx.msk @p0 vm2, v21;
	v11 =	vld [tilespmem:s22+$0x10];
	v12 =	vadd.s32 v9, v54;
	v55, _, _ =	vpop (xrf0)  }
0x1bc: {  	[tilespmem:v53+s15+$0x0] =	vst.idx.msk vm7, v51;
	v57 =	vadd.s32 v12, v55  }
0x1bd: {  	v56 =	vmpcnt.ones.xlane vm0;
	[tilespmem:v18+s16+$0x0] =	vst.idx.msk vm5, v36;
	v61, _, _ =	vpop (xrf0)  }
0x1be: {  	[tilespmem:v18+s17+$0x0] =	vst.idx.msk vm5, v10;
	v62 =	vadd.s32 v9, v61  }
0x1bf: {  	[tilespmem:v25+s16+$0x0] =	vst.idx.msk vm9, v39;
	v12 =	vadd.s32 v12, v56;
	v9, _, _ =	vpop (xrf0)  }
0x1c0: {  	[tilespmem:v25+s17+$0x0] =	vst.idx.msk vm9, v11;
	v9 =	vadd.s32 v12, v9  }
0x1c1: {  	[tilespmem:v57+s2+$0x0] =	vst.idx.msk vm0, v36  }
0x1c2: {  	[tilespmem:v57+s15+$0x0] =	vst.idx.msk vm0, v10  }
0x1c3: {  	[tilespmem:v62+s2+$0x0] =	vst.idx.msk vm6, v16  }
0x1c4: {  	v63 =	vmpcnt.ones.xlane vm1;
	v10 =	vmpcnt.ones.xlane vm9;
	[tilespmem:v62+s15+$0x0] =	vst.idx.msk vm6, v50  }
0x1c5: {  	vm14 =	vcmask $0xB08;
	vm13 =	vcmask $0x704;
	vm12 =	vcmask $0x300;
	[tilespmem:v9+s2+$0x0] =	vst.idx.msk vm1, v39  }
0x1c6: {  	vm15 =	vcmask $0xF0C;
	v10 =	vadd.s32 v17, v10;
	[tilespmem:v9+s15+$0x0] =	vst.idx.msk vm1, v11;
	v9 =	vadd.s32 v12, v63  }
.LBB2_24:
0x1c7: {  	p0 =	sge.s32 s23, s21  }
.Ltmp25:
0x1c8: {  	_ = 	snop;
	(pc) =	sbr.rel @p0 .LBB2_27-.Ltmp25, $1  }
0x1c9: {  	_ =	sdelay $0x3  }
0x1ca: {  	s0 =	sshra.s32 s24, $0x2  }
0x1cb: {  	s22 =	sand.u32 $0xFFFFFFC0, s0  }
0x1cc: {  	s0 =	sadd.s32 $0x5080, s22  }
.LBB2_26:
0x1cd: {  	v11 =	vld [tilespmem:s22+$0x0];
	_ =	sdelay $0x4  }
0x1ce: {  	vm0 =	vgt.f32 v11, v8  }
0x1cf: {  	v12 =	vsel vm0, $0x1, v1  }
0x1d0: {  	(xrf0) =	vadd.scan.msk.s32 $0xffff, v12;
	_ =	sdelay $0x5  }
0x1d1: {  	v12, _, _ =	vpop (xrf0)  }
0x1d2: {  	v12 =	vadd.s32 v10, v12  }
0x1d3: {  	vm1 =	vlt.s32 v12, $0x400  }
0x1d4: {  	vm0 =	vmand vm0, vm1  }
0x1d5: {  	vm11 =	vgt.f32 v11, $0.0e+00;
	vm2 =	vmneg vm0  }
0x1d6: {  	vm1 =	vmand vm11, vm2  }
0x1d7: {  	v13 =	vsel vm1, $0x1, v1  }
0x1d8: {  	(xrf0) =	vadd.scan.msk.s32 $0xffff, v13;
	_ =	sdelay $0x5  }
0x1d9: {  	v62 =	vld [tilespmem:s0+$0x0];
	v14, _, _ =	vpop (xrf0)  }
0x1da: {  	s23 =	sadd.s32 $0x10, s23;
	v14 =	vadd.s32 v9, v14  }
0x1db: {  	p0 =	slt.s32 s23, s21  }
.Ltmp26:
0x1dc: {  	_ = 	snop;
	(pc) =	sbr.rel @p0 .LBB2_26-.Ltmp26, $4  }
0x1dd: {  	[tilespmem:v12+s16+$0x0] =	vst.idx.msk vm0, v11  }
0x1de: {  	v63 =	vmpcnt.ones.xlane vm0;
	v15 =	vmpcnt.ones.xlane vm1;
	[tilespmem:v12+s17+$0x0] =	vst.idx.msk vm0, v62  }
0x1df: {  	[tilespmem:v14+s2+$0x0] =	vst.idx.msk vm1, v11  }
0x1e0: {  	s0 =	sadd.s32 $0x10, s0;
	s22 =	sadd.s32 $0x10, s22;
	v10 =	vadd.s32 v10, v63;
	v9 =	vadd.s32 v9, v15;
	[tilespmem:v14+s15+$0x0] =	vst.idx.msk vm1, v62  }
.LBB2_27:
0x1e1: {  	v8 =	vxor.u32 $0x80000000, v10  }
0x1e2: {  	(xrf0) =	vmax.scan.msk.u32 $0xffff, v8  }
0x1e3: {  	v8 =	vxor.u32 $0x80000000, v9  }
0x1e4: {  	(xrf0) =	vmax.scan.msk.u32 $0xffff, v8;
	_ =	sdelay $0x1  }
0x1e5: {  	v8 =	vadd.s32 v58, v10;
	_ =	sdelay $0x1  }
0x1e6: {  	v12 =	vadd.s32 v58, v9;
	v11, _, _ =	vpop (xrf0)  }
0x1e7: {  	(v2sf) =	vpush v11, $0xF  }
0x1e8: {  	v57 =	vadd.s32 v5, v10;
	v13, _, _ =	vpop (xrf0)  }
0x1e9: {  	[tilespmem:v8+s16+$0x0] =	vst.idx.msk $0xffff, v3;
	(v2sf) =	vpush v13, $0xF  }
0x1ea: {  	s23 =	simm.s32 $0x0;
	[tilespmem:v8+s17+$0x0] =	vst.idx.msk $0xffff, v1;
	v8 =	vadd.s32 v5, v9  }
0x1eb: {  	[tilespmem:v12+s23+$0x0] =	vst.idx.msk $0xffff, v3  }
0x1ec: {  	v61 =	vadd.s32 v6, v10;
	[tilespmem:v12+s15+$0x0] =	vst.idx.msk $0xffff, v1  }
0x1ed: {  	[tilespmem:v57+s16+$0x0] =	vst.idx.msk $0xffff, v3  }
0x1ee: {  	v62 =	vadd.s32 v6, v9;
	[tilespmem:v57+s17+$0x0] =	vst.idx.msk $0xffff, v1  }
0x1ef: {  	[tilespmem:v8+s23+$0x0] =	vst.idx.msk $0xffff, v3  }
0x1f0: {  	[tilespmem:v8+s15+$0x0] =	vst.idx.msk $0xffff, v1;
	v8 =	vadd.s32 v59, v10  }
0x1f1: {  	[tilespmem:v61+s16+$0x0] =	vst.idx.msk $0xffff, v3  }
0x1f2: {  	v63 =	vadd.s32 v59, v9;
	[tilespmem:v61+s17+$0x0] =	vst.idx.msk $0xffff, v1  }
0x1f3: {  	p0 =	sne.s32 s20, $0x0;
	[tilespmem:v62+s23+$0x0] =	vst.idx.msk $0xffff, v3  }
.Ltmp27:
0x1f4: {  	[tilespmem:v62+s15+$0x0] =	vst.idx.msk $0xffff, v1;
	(pc) =	sbr.rel @p0 .LBB2_46-.Ltmp27, $4  }
0x1f5: {  	[tilespmem:v8+s16+$0x0] =	vst.idx.msk $0xffff, v3  }
0x1f6: {  	[tilespmem:v8+s17+$0x0] =	vst.idx.msk $0xffff, v1;
	s0 =	spop (v2sf)  }
0x1f7: {  	[tilespmem:v63+s23+$0x0] =	vst.idx.msk $0xffff, v3;
	s0 =	sand.u32 $0xFFFFFFC0, s0  }
0x1f8: {  	[tilespmem:v63+s15+$0x0] =	vst.idx.msk $0xffff, v1;
	s21 =	spop (v2sf);
	s22 =	sadd.s32 $0x80000040, s0  }
.LBB2_28:
0x1f9: {  	p0 =	slt.s32 s22, $0x1  }
.Ltmp28:
0x1fa: {  	_ = 	snop;
	(pc) =	sbr.rel @p0 .LBB2_29-.Ltmp28, $1  }
0x1fb: {  	_ =	sdelay $0x3  }
0x1fc: {  	s0 =	simm.s32 $0xA5A0  }
0x1fd: {  	v12 =	vld [tilespmem:s0+$0xFFFFFFE0]  }
0x1fe: {  	v10 =	vld [tilespmem:s0+$0x10];
	_ =	sdelay $0x3  }
0x1ff: {  	v13 =	vld [tilespmem:s0+$0xFFFFFFF0];
	_ =	sdelay $0x1  }
0x200: {  	v11 =	vld [tilespmem:s0+$0x0]  }
0x201: {  	v16 =	vld.idx.msk [tilespmem:v12+s14+$0x0], $0xffff  }
0x202: {  	v15 =	vld.idx.msk [tilespmem:v10+s14+$0x0], $0xffff  }
0x203: {  	v17 =	vld.idx.msk [tilespmem:v12+s13+$0x0], $0xffff  }
0x204: {  	v18 =	vld.idx.msk [tilespmem:v12+s12+$0x0], $0xffff  }
0x205: {  	v19 =	vld.idx.msk [tilespmem:v12+s11+$0x0], $0xffff  }
0x206: {  	v21 =	vld.idx.msk [tilespmem:v13+s13+$0x0], $0xffff  }
0x207: {  	v22 =	vld.idx.msk [tilespmem:v13+s14+$0x0], $0xffff  }
0x208: {  	v23 =	vld.idx.msk [tilespmem:v13+s12+$0x0], $0xffff  }
0x209: {  	v24 =	vld.idx.msk [tilespmem:v13+s11+$0x0], $0xffff  }
0x20a: {  	v9 =	vimm.f32 $-3.000000010e+38;
	v8 =	vimm.s32 $0x0;
	v14 =	vimm.s32 $0xFFFFFFFF;
	v30 =	vld.idx.msk [tilespmem:v11+s12+$0x0], $0xffff  }
0x20b: {  	v25 =	vld.idx.msk [tilespmem:v11+s14+$0x0], $0xffff;
	v26 =	vmin.f32 v16, $1.000000020e+30;
	v20 =	vmin.f32 v15, $1.000000020e+30;
	v27 =	vmin.f32 v17, $1.000000020e+30  }
0x20c: {  	v16 =	vsub.f32 v16, v18;
	v17 =	vsub.f32 v17, v19;
	v19 =	vmax.f32 v19, $1.000000020e+30  }
0x20d: {  	v28 =	vld.idx.msk [tilespmem:v11+s13+$0x0], $0xffff;
	v18 =	vmax.f32 v18, $1.000000020e+30;
	v19 =	vsub.f32 v27, v19;
	v27 =	vmin.f32 v21, $1.000000020e+30  }
0x20e: {  	v29 =	vld.idx.msk [tilespmem:v11+s11+$0x0], $0xffff;
	v21 =	vsub.f32 v21, v24;
	v24 =	vmax.f32 v24, $1.000000020e+30;
	v18 =	vsub.f32 v26, v18  }
0x20f: {  	v26 =	vmax.f32 v30, $1.000000020e+30;
	v16 =	vmul.f32 v16, v17;
	v17 =	vsub.f32 v22, v23  }
0x210: {  	v22 =	vmin.f32 v22, $1.000000020e+30;
	v24 =	vsub.f32 v27, v24;
	v27 =	vmin.f32 v25, $1.000000020e+30  }
0x211: {  	v23 =	vmax.f32 v23, $1.000000020e+30;
	v25 =	vsub.f32 v25, v30;
	v26 =	vsub.f32 v27, v26  }
0x212: {  	v19 =	vmax.f32 v19, $0.0e+00;
	v18 =	vmax.f32 v18, $0.0e+00;
	v17 =	vmul.f32 v17, v21  }
0x213: {  	p1 =	sgt.s32 s22, $0x40;
	v21 =	vsub.f32 v22, v23;
	v22 =	vsub.f32 v28, v29;
	v23 =	vmax.f32 v29, $1.000000020e+30  }
.Ltmp29:
0x214: {  	v24 =	vmax.f32 v24, $0.0e+00;
	v28 =	vmin.f32 v28, $1.000000020e+30;
	v16 =	vadd.f32 $0.0e+00, v16;
	(pc) =	sbr.rel @!p1 .LBB2_55-.Ltmp29, $4  }
0x215: {  	v23 =	vsub.f32 v28, v23;
	v21 =	vmax.f32 v21, $0.0e+00;
	v22 =	vmul.f32 v25, v22  }
0x216: {  	v35 =	vld.idx.msk [tilespmem:v10+s13+$0x0], $0xffff;
	v17 =	vadd.f32 $0.0e+00, v17;
	v25 =	vmul.f32 v18, v19;
	v24 =	vmul.f32 v21, v24  }
0x217: {  	v38 =	vld.idx.msk [tilespmem:v10+s11+$0x0], $0xffff;
	v18 =	vmax.f32 v26, $0.0e+00;
	v19 =	vmax.f32 v23, $0.0e+00;
	v29 =	vadd.f32 $0.0e+00, v22  }
0x218: {  	s23 =	simm.s32 $0xA120;
	p0 =	por $0x0, $0x0;
	s0 =	simm.s32 $0xA5E0;
	v30 =	vld.idx.msk [tilespmem:v10+s12+$0x0], $0xffff;
	v42 =	vsub.f32 v16, v25;
	v16 =	vmul.f32 v18, v19;
	v41 =	vsub.f32 v17, v24  }
0x219: {  	v18 =	vld [tilespmem:s0+$0xFFFFFFE0]  }
0x21a: {  	v21 =	vld [tilespmem:s0+$0x10];
	_ =	sdelay $0x1  }
0x21b: {  	v17 =	vadd.f32 $9.999999710e-10, v42  }
0x21c: {  	v23 =	vld [tilespmem:s23+$0xFFFFFFF0]  }
0x21d: {  	v19 =	vadd.f32 $9.999999710e-10, v41;
	(erf) = vrcp.f32 v17;
	v17 =	vld [tilespmem:s0+$0xFFFFFFF0]  }
0x21e: {  	v27 =	vld [tilespmem:s23+$0xFFFFFFE0]  }
0x21f: {  	v26 =	vmin.f32 v35, $1.000000020e+30;
	v28 =	vmax.f32 v38, $1.000000020e+30;
	(erf) = vrcp.f32 v19;
	v19 =	vld [tilespmem:s0+$0x0]  }
0x220: {  	v31 =	vsub.f32 v35, v38;
	v22 =	vmax.f32 v30, $1.000000020e+30;
	v30 =	vsub.f32 v15, v30;
	v32 =	vld.idx.msk [tilespmem:v18+s14+$0x0], $0xffff  }
0x221: {  	v20 =	vsub.f32 v20, v22;
	v22 =	vsub.f32 v26, v28;
	v15 =	vld.idx.msk [tilespmem:v21+s14+$0x0], $0xffff  }
0x222: {  	v26 =	vmul.f32 v30, v31;
	v28 =	vld.idx.msk [tilespmem:v18+s13+$0x0], $0xffff  }
0x223: {  	v29 =	vsub.f32 v29, v16;
	v20 =	vmax.f32 v20, $0.0e+00;
	v22 =	vmax.f32 v22, $0.0e+00;
	v30 =	vld.idx.msk [tilespmem:v18+s12+$0x0], $0xffff  }
0x224: {  	v31 =	vmul.f32 v20, v22;
	v20 =	vadd.f32 $0.0e+00, v26;
	v26 =	vld.idx.msk [tilespmem:v18+s11+$0x0], $0xffff  }
0x225: {  	v29 =	vadd.f32 $9.999999710e-10, v29;
	v34 =	vld.idx.msk [tilespmem:v17+s14+$0x0], $0xffff  }
0x226: {  	v20 =	vsub.f32 v20, v31;
	v36 =	vld.idx.msk [tilespmem:v17+s11+$0x0], $0xffff  }
0x227: {  	v22 =	vpop (erf);
	(erf) = vrcp.f32 v29;
	v29 =	vld.idx.msk [tilespmem:v17+s12+$0x0], $0xffff  }
0x228: {  	v45 =	vadd.f32 $9.999999710e-10, v20;
	v22 =	vmul.f32 v22, v25;
	v25 =	vld.idx.msk [tilespmem:v17+s13+$0x0], $0xffff;
	v46 =	vmin.f32 v32, $1.000000020e+30  }
0x229: {  	v47 =	vld.idx.msk [tilespmem:v19+s14+$0x0], $0xffff;
	v33 =	vpop (erf);
	v20 =	vmin.f32 v15, $1.000000020e+30;
	v37 =	vmin.f32 v28, $1.000000020e+30;
	v32 =	vsub.f32 v32, v30  }
0x22a: {  	v39 =	vld.idx.msk [tilespmem:v19+s11+$0x0], $0xffff;
	v28 =	vsub.f32 v28, v26;
	v26 =	vmax.f32 v26, $1.000000020e+30;
	v24 =	vmul.f32 v33, v24  }
0x22b: {  	v26 =	vsub.f32 v37, v26;
	(erf) = vrcp.f32 v45;
	vm0 =	vgt.f32 v22, $4.499999880e-01  }
0x22c: {  	v40 =	vmul.f32 v32, v28;
	v22 =	vsel vm0, $0xCE6E6B28, v27;
	v27 =	vmax.f32 v30, $1.000000020e+30  }
0x22d: {  	v50 =	vld.idx.msk [tilespmem:v19+s12+$0x0], $0xffff;
	vm0 =	vgt.f32 v24, $4.499999880e-01;
	v49 =	vsub.f32 v34, v29;
	v24 =	vsub.f32 v25, v36  }
0x22e: {  	v30 =	vld.idx.msk [tilespmem:v19+s13+$0x0], $0xffff;
	v28 =	vmin.f32 v34, $1.000000020e+30;
	v29 =	vmax.f32 v29, $1.000000020e+30;
	v51 =	vmin.f32 v47, $1.000000020e+30  }
0x22f: {  	v23 =	vsel vm0, $0xCE6E6B28, v23;
	v52 =	vmax.f32 v39, $1.000000020e+30;
	v24 =	vmul.f32 v49, v24  }
0x230: {  	vm6 =	vgt.f32 v22, $0.0e+00;
	v48 =	vmin.f32 v25, $1.000000020e+30;
	v25 =	vmax.f32 v36, $1.000000020e+30  }
0x231: {  	v25 =	vsub.f32 v48, v25;
	v53 =	vadd.f32 $0.0e+00, v24;
	v24 =	vsel vm6, $0x1, v1  }
0x232: {  	v54 =	vmax.f32 v50, $1.000000020e+30;
	v57 =	vadd.f32 $0.0e+00, v40;
	v34 =	vimm.s32 $0xFFFFFFFF  }
0x233: {  	v28 =	vsub.f32 v28, v29;
	v29 =	vsub.f32 v30, v39;
	v37 =	vmax.f32 v25, $0.0e+00;
	(xrf0) =	vadd.scan.msk.s32 $0xffff, v24  }
0x234: {  	v25 =	vsub.f32 v46, v27;
	v27 =	vsub.f32 v47, v50;
	v30 =	vmin.f32 v30, $1.000000020e+30;
	v24 =	vpop (erf)  }
0x235: {  	v32 =	vsub.f32 v51, v54;
	v61 =	vsub.f32 v30, v52;
	v16 =	vmul.f32 v24, v16  }
0x236: {  	vm5 =	vgt.f32 v23, $0.0e+00;
	v55 =	vmax.f32 v28, $0.0e+00;
	v27 =	vmul.f32 v27, v29  }
0x237: {  	p1 =	sgt.s32 s22, $0x80;
	v25 =	vmax.f32 v25, $0.0e+00;
	v63 =	vmax.f32 v61, $0.0e+00;
	v24 =	vmax.f32 v26, $0.0e+00  }
.Ltmp30:
0x238: {  	v35 =	vld.idx.msk [tilespmem:v21+s13+$0x0], $0xffff;
	v29 =	vadd.f32 $0.0e+00, v27;
	v27 =	vsel vm5, $0x1, v1;
	v56 =	vpop (erf);
	v25 =	vmul.f32 v25, v24;
	(pc) =	sbr.rel @!p1 .LBB2_57-.Ltmp30, $4  }
0x239: {  	v38 =	vld.idx.msk [tilespmem:v21+s11+$0x0], $0xffff;
	v24 =	vmul.f32 v55, v37;
	v62 =	vmul.f32 v56, v31;
	vm7 =	vgt.f32 v16, $4.499999880e-01;
	v16, _, _ =	vpop (xrf0);
	(xrf0) =	vadd.scan.msk.s32 $0xffff, v27  }
0x23a: {  	v30 =	vld.idx.msk [tilespmem:v21+s12+$0x0], $0xffff;
	v26 =	vmax.f32 v32, $0.0e+00;
	v32 =	vmpcnt.ones.xlane vm6;
	v42 =	vsub.f32 v57, v25  }
0x23b: {  	s25 =	simm.s32 $0x80;
	v36 =	vld [tilespmem:s23+$0x10];
	v41 =	vsub.f32 v53, v24;
	vm8 =	vgt.f32 v62, $4.499999880e-01;
	v31 =	vadd.s32 v14, v16  }
0x23c: {  	s26 =	simm.s32 $0xA620;
	p0 =	por $0x1, $0x1;
	s24 =	simm.s32 $0xA120;
	v28 =	vld [tilespmem:s23+$0x0];
	v27 =	vimm.s32 $0x0;
	v16 =	vmul.f32 v26, v63;
	v26 =	vimm.f32 $-3.000000010e+38  }
.LBB2_58:
0x23d: {  	v37 =	vld [tilespmem:s26+$0xFFFFFFE0];
	s25 =	sadd.s32 $0x40, s25;
	v39 =	vadd.f32 $9.999999710e-10, v42;
	v40 =	vmax.f32 v26, v22;
	v0 =	vmpcnt.ones.xlane vm5;
	s24 =	sadd.s32 $0x40, s24  }
0x23e: {  	v32 =	vadd.s32 v34, v32;
	v33 =	vld [tilespmem:s26+$0x10];
	p1 =	slt.s32 s25, s22;
	v41 =	vadd.f32 $9.999999710e-10, v41;
	v29 =	vsub.f32 v29, v16  }
0x23f: {  	v43 =	vmax.f32 v30, $1.000000020e+30;
	v34 =	vld [tilespmem:s26+$0xFFFFFFF0];
	(erf) = vrcp.f32 v39;
	v39 =	vadd.s32 v32, v0;
	v42, _, _ =	vpop (xrf0)  }
0x240: {  	v20 =	vsub.f32 v20, v43;
	v29 =	vadd.f32 $9.999999710e-10, v29;
	(erf) = vrcp.f32 v41;
	[tilespmem:v31+s16+$0x0] =	vst.idx.msk vm6, v22  }
0x241: {  	v22 =	vmin.f32 v35, $1.000000020e+30;
	[tilespmem:v31+s17+$0x0] =	vst.idx.msk vm6, v12;
	v31 =	vadd.s32 v32, v42;
	v32 =	vsel vm8, $0xCE6E6B28, v36  }
0x242: {  	vm0 =	vgt.f32 v40, v26;
	v41 =	vmax.f32 v38, $1.000000020e+30;
	v36 =	vld [tilespmem:s26+$0x0];
	vm6 =	vgt.f32 v32, $0.0e+00  }
0x243: {  	v15 =	vsub.f32 v15, v30;
	v27 =	vsel vm0, v12, v27;
	v26 =	vsub.f32 v35, v38;
	v12 =	vmovc v18;
	v42 =	vld [tilespmem:s24+$0xFFFFFFF0]  }
0x244: {  	v28 =	vsel vm7, $0xCE6E6B28, v28;
	v22 =	vsub.f32 v22, v41;
	v18 =	vmovc v37;
	v35 =	vsel vm6, $0x1, v1;
	v30 =	vld [tilespmem:s24+$0xFFFFFFE0]  }
0x245: {  	vm7 =	vgt.f32 v28, $0.0e+00;
	v20 =	vmax.f32 v20, $0.0e+00;
	v26 =	vmul.f32 v15, v26;
	v38 =	vld.idx.msk [tilespmem:v37+s14+$0x0], $0xffff;
	(xrf0) =	vadd.scan.msk.s32 $0xffff, v35  }
0x246: {  	v41 =	vmpcnt.ones.xlane vm7;
	v0 =	vmax.f32 v22, $0.0e+00;
	v35 =	vsel vm7, $0x1, v1;
	v15 =	vld.idx.msk [tilespmem:v33+s14+$0x0], $0xffff;
	[tilespmem:v31+s16+$0x0] =	vst.idx.msk vm5, v23  }
0x247: {  	v45 =	vmpcnt.ones.xlane vm6;
	v44 =	vmul.f32 v20, v0;
	v20 =	vadd.f32 $0.0e+00, v26;
	v43 =	vld.idx.msk [tilespmem:v37+s13+$0x0], $0xffff;
	(xrf0) =	vadd.scan.msk.s32 $0xffff, v35  }
0x248: {  	v23 =	vmax.f32 v40, v23;
	v35 =	vld.idx.msk [tilespmem:v37+s12+$0x0], $0xffff;
	v22 =	vpop (erf);
	(erf) = vrcp.f32 v29;
	v29 =	vadd.s32 v39, v41  }
0x249: {  	v20 =	vsub.f32 v20, v44;
	vm0 =	vgt.f32 v23, v40;
	v37 =	vld.idx.msk [tilespmem:v37+s11+$0x0], $0xffff;
	v22 =	vmul.f32 v22, v25;
	v25 =	vpop (erf)  }
0x24a: {  	v40 =	vld.idx.msk [tilespmem:v34+s13+$0x0], $0xffff;
	v24 =	vmul.f32 v25, v24;
	v25 =	vsel vm0, v13, v27;
	v27 =	vmax.f32 v23, v28  }
0x24b: {  	v46 =	vadd.f32 $9.999999710e-10, v20;
	v41 =	vld.idx.msk [tilespmem:v34+s14+$0x0], $0xffff;
	vm0 =	vgt.f32 v22, $4.499999880e-01;
	[tilespmem:v31+s17+$0x0] =	vst.idx.msk vm5, v13;
	vm1 =	vgt.f32 v27, v23;
	v13, _, _ =	vpop (xrf0)  }
0x24c: {  	v31 =	vmin.f32 v38, $1.000000020e+30;
	v20 =	vmin.f32 v15, $1.000000020e+30;
	v23 =	vld.idx.msk [tilespmem:v34+s12+$0x0], $0xffff;
	v47 =	vadd.s32 v29, v13;
	v13 =	vmovc v17;
	v17 =	vmovc v34  }
0x24d: {  	v26 =	vmax.f32 v27, v32;
	v48 =	vmin.f32 v43, $1.000000020e+30;
	v22 =	vsel vm0, $0xCE6E6B28, v30;
	v34 =	vld.idx.msk [tilespmem:v34+s11+$0x0], $0xffff;
	v30, _, _ =	vpop (xrf0)  }
0x24e: {  	v38 =	vsub.f32 v38, v35;
	v35 =	vmax.f32 v35, $1.000000020e+30;
	v49 =	vld.idx.msk [tilespmem:v36+s14+$0x0], $0xffff;
	v30 =	vadd.s32 v39, v30  }
0x24f: {  	v25 =	vsel vm1, v11, v25;
	v39 =	vsub.f32 v43, v37;
	v37 =	vmax.f32 v37, $1.000000020e+30;
	v43 =	vld.idx.msk [tilespmem:v36+s13+$0x0], $0xffff  }
0x250: {  	vm0 =	vgt.f32 v26, v27;
	v37 =	vsub.f32 v48, v37;
	v48 =	vmin.f32 v40, $1.000000020e+30;
	v50 =	vld.idx.msk [tilespmem:v36+s11+$0x0], $0xffff  }
0x251: {  	v27 =	vsel vm0, v10, v25;
	v38 =	vmul.f32 v38, v39;
	v39 =	vmin.f32 v41, $1.000000020e+30;
	v51 =	vpop (erf);
	[tilespmem:v47+s16+$0x0] =	vst.idx.msk vm6, v32  }
0x252: {  	vm0 =	vgt.f32 v24, $4.499999880e-01;
	v25 =	vsub.f32 v41, v23;
	v23 =	vmax.f32 v23, $1.000000020e+30;
	v32 =	vld.idx.msk [tilespmem:v36+s12+$0x0], $0xffff;
	[tilespmem:v47+s17+$0x0] =	vst.idx.msk vm6, v10  }
0x253: {  	v24 =	vsub.f32 v40, v34;
	v34 =	vmax.f32 v34, $1.000000020e+30;
	v10 =	vmovc v21;
	(erf) = vrcp.f32 v46;
	[tilespmem:v30+s16+$0x0] =	vst.idx.msk vm7, v28  }
0x254: {  	v28 =	vsub.f32 v48, v34;
	v40 =	vmin.f32 v49, $1.000000020e+30;
	v34 =	vadd.s32 v29, v45;
	[tilespmem:v30+s17+$0x0] =	vst.idx.msk vm7, v11  }
0x255: {  	v21 =	vmovc v33;
	v24 =	vmul.f32 v25, v24;
	v25 =	vsub.f32 v39, v23;
	v23 =	vsel vm0, $0xCE6E6B28, v42;
	v11 =	vmovc v19  }
0x256: {  	vm6 =	vgt.f32 v22, $0.0e+00;
	v19 =	vmovc v36;
	v29 =	vsub.f32 v43, v50;
	v30 =	vmax.f32 v50, $1.000000020e+30  }
0x257: {  	v33 =	vmax.f32 v28, $0.0e+00;
	v39 =	vadd.f32 $0.0e+00, v24;
	v24 =	vsel vm6, $0x1, v1  }
0x258: {  	v28 =	vsub.f32 v31, v35;
	v31 =	vsub.f32 v49, v32;
	v32 =	vmax.f32 v32, $1.000000020e+30;
	(xrf0) =	vadd.scan.msk.s32 $0xffff, v24  }
0x259: {  	vm5 =	vgt.f32 v23, $0.0e+00;
	v24 =	vmin.f32 v43, $1.000000020e+30;
	v32 =	vsub.f32 v40, v32  }
0x25a: {  	v16 =	vmul.f32 v51, v16;
	v35 =	vmax.f32 v25, $0.0e+00;
	v25 =	vmul.f32 v31, v29  }
0x25b: {  	v31 =	vmax.f32 v37, $0.0e+00;
	v37 =	vmax.f32 v32, $0.0e+00;
	v32 =	vmpcnt.ones.xlane vm6  }
.Ltmp31:
0x25c: {  	v36 =	vmax.f32 v28, $0.0e+00;
	v40 =	vsel vm5, $0x1, v1;
	v29 =	vadd.f32 $0.0e+00, v25;
	v28 =	vld [tilespmem:s24+$0x0];
	v41 =	vpop (erf);
	(pc) =	sbr.rel @p1 .LBB2_58-.Ltmp31, $4  }
0x25d: {  	v25 =	vmul.f32 v36, v31;
	v31 =	vadd.f32 $0.0e+00, v38;
	v38 =	vsub.f32 v24, v30;
	v30 =	vld.idx.msk [tilespmem:v21+s12+$0x0], $0xffff;
	(xrf0) =	vadd.scan.msk.s32 $0xffff, v40  }
0x25e: {  	vm7 =	vgt.f32 v16, $4.499999880e-01;
	v24 =	vmul.f32 v35, v33;
	v33 =	vmul.f32 v41, v44;
	v36 =	vld [tilespmem:s24+$0x10];
	v16, _, _ =	vpop (xrf0)  }
0x25f: {  	v42 =	vsub.f32 v31, v25;
	v38 =	vmax.f32 v38, $0.0e+00;
	v35 =	vld.idx.msk [tilespmem:v21+s13+$0x0], $0xffff;
	v31 =	vadd.s32 v34, v16  }
0x260: {  	s26 =	sadd.s32 $0x40, s26;
	v41 =	vsub.f32 v39, v24;
	v16 =	vmul.f32 v37, v38;
	vm8 =	vgt.f32 v33, $4.499999880e-01;
	v38 =	vld.idx.msk [tilespmem:v21+s11+$0x0], $0xffff  }
0x261: {  	v40 =	vmov v12;
	v39 =	vmov v13;
	v33 =	vmov v11  }
0x262: {  	v37 =	vmovc v10;
	v12 =	vmovc v18;
	v13 =	vmov v17;
	v10 =	vmov v21;
	v11 =	vmov v19  }
.LBB2_60:
0x263: {  	_ = 	snop  }
0x264: {  	v17 =	vmax.f32 v30, $1.000000020e+30;
	v15 =	vsub.f32 v15, v30  }
0x265: {  	v18 =	vmin.f32 v35, $1.000000020e+30;
	v19 =	vsub.f32 v35, v38;
	v21 =	vmax.f32 v38, $1.000000020e+30  }
0x266: {  	v17 =	vsub.f32 v20, v17;
	v18 =	vsub.f32 v18, v21  }
0x267: {  	v15 =	vmul.f32 v15, v19  }
0x268: {  	v17 =	vmax.f32 v17, $0.0e+00;
	v18 =	vmax.f32 v18, $0.0e+00  }
0x269: {  	v53 =	vadd.f32 $9.999999710e-10, v42;
	v17 =	vmul.f32 v17, v18;
	v15 =	vadd.f32 $0.0e+00, v15  }
0x26a: {  	v54 =	vsub.f32 v29, v16;
	v55 =	vadd.f32 $9.999999710e-10, v41  }
0x26b: {  	(erf) = vrcp.f32 v53;
	v15 =	vsub.f32 v15, v17  }
0x26c: {  	(erf) = vrcp.f32 v55;
	v18 =	vadd.f32 $9.999999710e-10, v54  }
0x26d: {  	v15 =	vadd.f32 $9.999999710e-10, v15  }
0x26e: {  	(erf) = vrcp.f32 v18  }
0x26f: {  	(erf) = vrcp.f32 v15;
	_ =	sdelay $0x1  }
0x270: {  	s0 =	sadd.s32 @p0 $0x40, s24  }
0x271: {  	v28 =	vsel @p0 vm7, $0xCE6E6B28, v28;
	s23 =	smov.u32 @p0 s0;
	v15 =	vmpcnt.ones.xlane @p0 vm5  }
0x272: {  	v20, _, _ =	vpop @p0 (xrf0);
	vm7 =	vgt.f32 @p0 v28, $0.0e+00;
	v56 =	vld [tilespmem:s23+$0xFFFFFFE0];
	v19 =	vmax.f32 @p0 v26, v22;
	v18 =	vadd.s32 @p0 v34, v32  }
0x273: {  	v61 =	vld [tilespmem:s23+$0xFFFFFFF0];
	v57 =	vpop (erf);
	v15 =	vadd.s32 @p0 v18, v15;
	v18 =	vadd.s32 @p0 v18, v20;
	v20 =	vsel @p0 vm8, $0xCE6E6B28, v36  }
0x274: {  	vm0 =	vgt.f32 @p0 v19, v26;
	v25 =	vmul.f32 v57, v25;
	v62 =	vpop (erf);
	vm8 =	vgt.f32 @p0 v20, $0.0e+00  }
0x275: {  	v27 =	vsel @p0 vm0, v40, v27;
	v24 =	vmul.f32 v62, v24;
	v30 =	vsel @p0 vm8, $0x1, v1  }
0x276: {  	v32 =	vmpcnt.ones.xlane @p0 vm7;
	vm10 =	vgt.f32 v25, $4.499999880e-01;
	v36 =	vld [tilespmem:s23+$0x10];
	(xrf0) =	vadd.scan.msk.s32 @p0 $0xffff, v30;
	v30 =	vsel @p0 vm7, $0x1, v1;
	v63 =	vpop (erf)  }
0x277: {  	v21 =	vsel vm10, $0xCE6E6B28, v56;
	vm0 =	vgt.f32 v24, $4.499999880e-01;
	v34 =	vmpcnt.ones.xlane @p0 vm8;
	(xrf0) =	vadd.scan.msk.s32 @p0 $0xffff, v30;
	v38 =	vpop (erf)  }
0x278: {  	v41 =	vld [tilespmem:s23+$0x0];
	vm9 =	vgt.f32 v21, $0.0e+00;
	v26 =	vsel vm0, $0xCE6E6B28, v61;
	v17 =	vmul.f32 v38, v17  }
0x279: {  	v42 =	vsel vm9, $0x1, v1;
	vm10 =	vgt.f32 v26, $0.0e+00;
	v49 =	vmpcnt.ones.xlane vm9  }
0x27a: {  	v30 =	vmax.f32 @p0 v19, v23;
	v43 =	vmul.f32 v63, v16;
	(xrf0) =	vadd.scan.msk.s32 $0xffff, v42;
	vm11 =	vgt.f32 v17, $4.499999880e-01  }
0x27b: {  	[tilespmem:v31+s16+$0x0] =	vst.idx.msk @p0 vm6, v22;
	v44 =	vsel vm10, $0x1, v1;
	vm0 =	vgt.f32 @p0 v30, v19;
	v45 =	vsel vm11, $0xCE6E6B28, v36  }
0x27c: {  	vm1 =	vgt.f32 v43, $4.499999880e-01;
	v19, _, _ =	vpop @p0 (xrf0);
	(xrf0) =	vadd.scan.msk.s32 $0xffff, v44;
	v17 =	vadd.s32 @p0 v15, v32;
	vm11 =	vgt.f32 v45, $0.0e+00  }
0x27d: {  	[tilespmem:v31+s17+$0x0] =	vst.idx.msk @p0 vm6, v40;
	v46 =	vsel vm1, $0xCE6E6B28, v41;
	v29, _, _ =	vpop @p0 (xrf0);
	v16 =	vadd.s32 @p0 v17, v19;
	v47 =	vsel vm11, $0x1, v1  }
0x27e: {  	v52 =	vmpcnt.ones.xlane vm10;
	vm6 =	vgt.f32 v46, $0.0e+00;
	v15 =	vadd.s32 @p0 v15, v29;
	(xrf0) =	vadd.scan.msk.s32 $0xffff, v47  }
0x27f: {  	[tilespmem:v18+s16+$0x0] =	vst.idx.msk @p0 vm5, v23;
	v24 =	vsel @p0 vm0, v39, v27;
	v48 =	vsel vm6, $0x1, v1;
	v17 =	vadd.s32 @p0 v17, v34  }
0x280: {  	v27 =	vmax.f32 @p0 v30, v28;
	[tilespmem:v18+s17+$0x0] =	vst.idx.msk @p0 vm5, v39;
	v50, _, _ =	vpop (xrf0);
	v14 =	vpsel p0, v17, v14;
	(xrf0) =	vadd.scan.msk.s32 $0xffff, v48  }
0x281: {  	vm0 =	vgt.f32 @p0 v27, v30;
	v29 =	vmax.f32 @p0 v27, v20;
	v51 =	vadd.s32 v14, v50  }
0x282: {  	v54 =	vmpcnt.ones.xlane vm6;
	v17 =	vsel @p0 vm0, v33, v24;
	v14 =	vadd.s32 v14, v49;
	v53, _, _ =	vpop (xrf0);
	[tilespmem:v16+s16+$0x0] =	vst.idx.msk @p0 vm8, v20  }
0x283: {  	v55 =	vadd.s32 v14, v52;
	v14 =	vadd.s32 v14, v53;
	[tilespmem:v15+s16+$0x0] =	vst.idx.msk @p0 vm7, v28  }
0x284: {  	vm0 =	vgt.f32 @p0 v29, v27;
	v20 =	vadd.s32 v55, v54;
	[tilespmem:v16+s17+$0x0] =	vst.idx.msk @p0 vm8, v37;
	v56, _, _ =	vpop (xrf0)  }
0x285: {  	v17 =	vsel @p0 vm0, v37, v17;
	[tilespmem:v15+s17+$0x0] =	vst.idx.msk @p0 vm7, v33;
	v57 =	vadd.s32 v20, v56  }
0x286: {  	v9 =	vpsel p0, v29, v9;
	v8 =	vpsel p0, v17, v8;
	[tilespmem:v51+s16+$0x0] =	vst.idx.msk vm9, v21;
	v61, _, _ =	vpop (xrf0)  }
0x287: {  	v21 =	vmax.f32 v9, v21;
	[tilespmem:v51+s17+$0x0] =	vst.idx.msk vm9, v12;
	v16 =	vadd.s32 v55, v61  }
0x288: {  	vm8 =	vgt.f32 v21, v9;
	v9 =	vmax.f32 v21, v26;
	[tilespmem:v14+s16+$0x0] =	vst.idx.msk vm10, v26  }
.Ltmp32:
0x289: {  	v8 =	vsel vm8, v12, v8;
	vm9 =	vgt.f32 v9, v21;
	[tilespmem:v14+s17+$0x0] =	vst.idx.msk vm10, v13;
	(pc) =	sbr.rel .LBB2_30-.Ltmp32, $4  }
0x28a: {  	v62 =	vmax.f32 v9, v46;
	v12 =	vsel vm9, v13, v8;
	[tilespmem:v57+s16+$0x0] =	vst.idx.msk vm11, v45  }
0x28b: {  	v63 =	vmpcnt.ones.xlane vm11;
	v8 =	vmax.f32 v62, v45;
	vm10 =	vgt.f32 v62, v9;
	[tilespmem:v57+s17+$0x0] =	vst.idx.msk vm11, v10  }
0x28c: {  	v9 =	vsel vm10, v11, v12;
	vm11 =	vgt.f32 v8, v62;
	[tilespmem:v16+s16+$0x0] =	vst.idx.msk vm6, v46  }
0x28d: {  	v9 =	vsel vm11, v10, v9;
	[tilespmem:v16+s17+$0x0] =	vst.idx.msk vm6, v11;
	v10 =	vadd.s32 v20, v63  }
.LBB2_29:
0x28e: {  	v10 =	vimm.s32 $0xFFFFFFFF;
	v9 =	vimm.s32 $0x0;
	v8 =	vimm.f32 $-3.000000010e+38  }
.LBB2_30:
0x28f: {  	v11 =	vxor.u32 $0x80000000, v10  }
0x290: {  	(xrf0) =	vmax.scan.msk.u32 $0xffff, v11;
	_ =	sdelay $0x1  }
0x291: {  	(xrf0) =	vmax.scan.msk.f32 $0xffff, v8;
	_ =	sdelay $0x3  }
0x292: {  	v11, _, _ =	vpop (xrf0)  }
0x293: {  	(v2sf) =	vpush v11, $0xF  }
0x294: {  	v11, _, _ =	vpop (xrf0)  }
0x295: {  	(v2sf) =	vpush v11, $0xF;
	_ =	sdelay $0x6  }
0x296: {  	v11 =	vadd.s32 v58, v10  }
0x297: {  	v12 =	vadd.s32 v5, v10  }
0x298: {  	v13 =	vadd.s32 v6, v10  }
0x299: {  	v10 =	vadd.s32 v59, v10;
	_ =	sdelay $0x1  }
0x29a: {  	[tilespmem:v11+s16+$0x0] =	vst.idx.msk $0xffff, v3  }
0x29b: {  	[tilespmem:v12+s16+$0x0] =	vst.idx.msk $0xffff, v3;
	s0 =	spop (v2sf)  }
0x29c: {  	s22 =	sadd.s32 $0x80000001, s21;
	s31 =	sand.u32 $0xFFFFFFC0, s21;
	[tilespmem:v13+s16+$0x0] =	vst.idx.msk $0xffff, v3;
	s0 =	sand.u32 $0xFFFFFFC0, s0  }
0x29d: {  	s21 =	sadd.s32 $0x80000040, s31;
	[tilespmem:v10+s16+$0x0] =	vst.idx.msk $0xffff, v3;
	s24 =	spop (v2sf);
	s23 =	sadd.s32 $0x80000040, s0  }
.LBB2_31:
0x29e: {  	vm0 =	veq.f32 v8, s24;
	v8 =	vxor.u32 $0x80000000, v9  }
0x29f: {  	v8 =	vnsel vm0, $0xC0000000, v8  }
0x2a0: {  	(xrf0) =	vmin.scan.msk.u32 $0xffff, v8;
	_ =	sdelay $0x5  }
0x2a1: {  	v8, _, _ =	vpop (xrf0)  }
0x2a2: {  	(v2sf) =	vpush v8, $0xF;
	_ =	sdelay $0xe  }
0x2a3: {  	s0 =	spop (v2sf)  }
0x2a4: {  	s0 =	sxor.u32 $0x80000000, s0  }
0x2a5: {  	v11 =	vmov s0;
	_ =	sdelay $0x4  }
0x2a6: {  	v8 =	vld.idx.msk [tilespmem:v11+s11+$0x0], $0xffff;
	_ =	sdelay $0x1  }
0x2a7: {  	v9 =	vld.idx.msk [tilespmem:v11+s12+$0x0], $0xffff;
	_ =	sdelay $0x1  }
0x2a8: {  	v12 =	vsel vm12, $0x3F800000, v60;
	v13 =	vsel vm13, $0x3F800000, v60;
	v10 =	vld.idx.msk [tilespmem:v11+s13+$0x0], $0xffff  }
0x2a9: {  	v12 =	vmul.f32 s24, v12;
	v13 =	vmul.f32 v13, v8  }
0x2aa: {  	v14 =	vsel vm14, $0x3F800000, v60;
	v11 =	vld.idx.msk [tilespmem:v11+s14+$0x0], $0xffff  }
0x2ab: {  	v12 =	vadd.f32 v13, v12;
	v13 =	vmul.f32 v14, v9  }
0x2ac: {  	v14 =	vsel vm15, $0x3F800000, v60  }
0x2ad: {  	v12 =	vadd.f32 v13, v12;
	v13 =	vmul.f32 v14, v10  }
0x2ae: {  	v14 =	vsel vm4, $0x3F800000, v60  }
0x2af: {  	s25 =	sadd.s32 $0xF, s23;
	v12 =	vadd.f32 v13, v12;
	v13 =	vmul.f32 v14, v11  }
0x2b0: {  	p0 =	slt.s32 s25, $0x40;
	v14 =	vmov s24  }
.Ltmp33:
0x2b1: {  	vm11 =	vgt.f32 v14, $9.999999770e-03;
	v12 =	vadd.f32 v13, v12;
	(pc) =	sbr.rel @p0 .LBB2_32-.Ltmp33, $4  }
0x2b2: {  	v13 =	vsel vm11, $0x3F800000, v60  }
0x2b3: {  	s31 =	sshll.u32 s20, $0x4;
	v15 =	vsub.f32 v11, v9;
	v14 =	vsub.f32 v10, v8;
	v13 =	vmul.f32 v12, v13  }
0x2b4: {  	s0 =	sand.u32 $0x3FFFFFF0, s31  }
0x2b5: {  	s24 =	sand.u32 $0xFFFFFFC0, s25;
	v12 =	vmul.f32 v15, v14;
	[tilespmem:s0+$0x1EA00] =	vst v13  }
0x2b6: {  	s0 =	simm.s32 $0xA5A0  }
0x2b7: {  	v23 =	vld [tilespmem:s0+$0xFFFFFFE0]  }
0x2b8: {  	v15 =	vld [tilespmem:s0+$0x10];
	_ =	sdelay $0x4  }
0x2b9: {  	v19 =	vld [tilespmem:s0+$0xFFFFFFF0]  }
0x2ba: {  	v17 =	vld [tilespmem:s0+$0x0]  }
0x2bb: {  	v18 =	vld.idx.msk [tilespmem:v23+s14+$0x0], $0xffff  }
0x2bc: {  	v20 =	vld.idx.msk [tilespmem:v15+s13+$0x0], $0xffff  }
0x2bd: {  	v21 =	vld.idx.msk [tilespmem:v15+s14+$0x0], $0xffff  }
0x2be: {  	v22 =	vld.idx.msk [tilespmem:v15+s11+$0x0], $0xffff  }
0x2bf: {  	v24 =	vld.idx.msk [tilespmem:v15+s12+$0x0], $0xffff  }
0x2c0: {  	v25 =	vld.idx.msk [tilespmem:v23+s13+$0x0], $0xffff  }
0x2c1: {  	v26 =	vld.idx.msk [tilespmem:v23+s11+$0x0], $0xffff  }
0x2c2: {  	v29 =	vld.idx.msk [tilespmem:v23+s12+$0x0], $0xffff  }
0x2c3: {  	v31 =	vld.idx.msk [tilespmem:v19+s13+$0x0], $0xffff  }
0x2c4: {  	v57 =	vimm.f32 $-3.000000010e+38;
	v38 =	vld.idx.msk [tilespmem:v17+s11+$0x0], $0xffff  }
0x2c5: {  	v56 =	vimm.s32 $0x0;
	v16 =	vimm.s32 $0xFFFFFFFF;
	v34 =	vld.idx.msk [tilespmem:v19+s14+$0x0], $0xffff;
	v32 =	vmin.f32 v18, v11  }
0x2c6: {  	v39 =	vld.idx.msk [tilespmem:v17+s13+$0x0], $0xffff;
	v27 =	vmin.f32 v20, v10;
	v20 =	vsub.f32 v20, v22;
	v28 =	vsub.f32 v21, v24  }
0x2c7: {  	v33 =	vld.idx.msk [tilespmem:v19+s11+$0x0], $0xffff;
	v21 =	vmin.f32 v21, v11;
	v30 =	vmax.f32 v22, v8;
	v24 =	vmax.f32 v24, v9  }
0x2c8: {  	v35 =	vld.idx.msk [tilespmem:v19+s12+$0x0], $0xffff;
	v36 =	vmin.f32 v25, v10;
	v18 =	vsub.f32 v18, v29;
	v37 =	vmax.f32 v26, v8  }
0x2c9: {  	v22 =	vld.idx.msk [tilespmem:v17+s14+$0x0], $0xffff;
	v25 =	vsub.f32 v25, v26;
	v44 =	vmax.f32 v38, v8;
	v26 =	vsub.f32 v36, v37  }
0x2ca: {  	v28 =	vmul.f32 v28, v20;
	v20 =	vsub.f32 v21, v24;
	v21 =	vld.idx.msk [tilespmem:v17+s12+$0x0], $0xffff;
	v24 =	vmax.f32 v29, v9  }
0x2cb: {  	v29 =	vmin.f32 v31, v10;
	v25 =	vmul.f32 v18, v25;
	v24 =	vsub.f32 v32, v24  }
0x2cc: {  	v31 =	vsub.f32 v31, v33;
	v18 =	vmax.f32 v26, $0.0e+00;
	v26 =	vsub.f32 v39, v38  }
0x2cd: {  	p2 =	sgt.s32 s24, $0x40;
	v32 =	vmax.f32 v20, $0.0e+00;
	v20 =	vsub.f32 v34, v35;
	v24 =	vmax.f32 v24, $0.0e+00  }
.Ltmp34:
0x2ce: {  	v34 =	vmin.f32 v34, v11;
	v18 =	vmul.f32 v24, v18;
	v24 =	vadd.f32 v25, v12;
	(pc) =	sbr.rel @!p2 .LBB2_62-.Ltmp34, $4  }
0x2cf: {  	v63 =	vmin.f32 v22, v11;
	v22 =	vsub.f32 v22, v21;
	v21 =	vmax.f32 v21, v9  }
0x2d0: {  	v25 =	vmax.f32 v35, v9;
	v21 =	vsub.f32 v63, v21;
	v24 =	vsub.f32 v24, v18  }
0x2d1: {  	s26 =	simm.s32 $0xA120;
	v46 =	vmin.f32 v39, v10;
	v47 =	vmul.f32 v20, v31;
	v42 =	vsub.f32 v34, v25  }
0x2d2: {  	p0 =	por $0x0, $0x0;
	p1 =	por $0x0, $0x0;
	s0 =	simm.s32 $0xA5E0;
	v39 =	vmul.f32 v22, v26;
	v38 =	vmax.f32 v21, $0.0e+00;
	v41 =	vadd.f32 $9.999999710e-10, v24  }
0x2d3: {  	v21 =	vld [tilespmem:s0+$0xFFFFFFE0]  }
0x2d4: {  	v22 =	vld [tilespmem:s0+$0x10];
	_ =	sdelay $0x4  }
0x2d5: {  	v24 =	vld [tilespmem:s0+$0xFFFFFFF0]  }
0x2d6: {  	v20 =	vld [tilespmem:s0+$0x0]  }
0x2d7: {  	v31 =	vld.idx.msk [tilespmem:v21+s14+$0x0], $0xffff  }
0x2d8: {  	v25 =	vsub.f32 v27, v30;
	v30 =	vld.idx.msk [tilespmem:v22+s13+$0x0], $0xffff  }
0x2d9: {  	v34 =	vld.idx.msk [tilespmem:v22+s14+$0x0], $0xffff  }
0x2da: {  	v26 =	vsub.f32 v46, v44;
	v27 =	vmax.f32 v33, v8;
	v61 =	vld.idx.msk [tilespmem:v22+s11+$0x0], $0xffff  }
0x2db: {  	v28 =	vadd.f32 v28, v12;
	v27 =	vsub.f32 v29, v27;
	v25 =	vmax.f32 v25, $0.0e+00;
	v29 =	vld.idx.msk [tilespmem:v22+s12+$0x0], $0xffff  }
0x2dc: {  	v62 =	vmax.f32 v42, $0.0e+00;
	v26 =	vmax.f32 v26, $0.0e+00;
	v25 =	vmul.f32 v32, v25;
	v35 =	vld.idx.msk [tilespmem:v21+s13+$0x0], $0xffff  }
0x2dd: {  	v37 =	vadd.f32 v39, v12;
	v36 =	vmul.f32 v38, v26;
	v26 =	vmax.f32 v27, $0.0e+00;
	v63 =	vld.idx.msk [tilespmem:v21+s11+$0x0], $0xffff  }
0x2de: {  	v48 =	vadd.f32 v47, v12;
	v26 =	vmul.f32 v62, v26;
	v28 =	vsub.f32 v28, v25;
	v49 =	vld.idx.msk [tilespmem:v21+s12+$0x0], $0xffff  }
0x2df: {  	v37 =	vsub.f32 v37, v36;
	v43 =	vld.idx.msk [tilespmem:v24+s14+$0x0], $0xffff  }
0x2e0: {  	(erf) = vrcp.f32 v41;
	v39 =	vsub.f32 v48, v26;
	v28 =	vadd.f32 $9.999999710e-10, v28;
	v45 =	vld.idx.msk [tilespmem:v24+s12+$0x0], $0xffff  }
0x2e1: {  	v52 =	vadd.f32 $9.999999710e-10, v37;
	v37 =	vld.idx.msk [tilespmem:v20+s14+$0x0], $0xffff  }
0x2e2: {  	v54 =	vld.idx.msk [tilespmem:v20+s12+$0x0], $0xffff;
	v39 =	vadd.f32 $9.999999710e-10, v39;
	(erf) = vrcp.f32 v28  }
0x2e3: {  	v47 =	vld.idx.msk [tilespmem:v20+s11+$0x0], $0xffff;
	(erf) = vrcp.f32 v52;
	v40 =	vmin.f32 v31, v11;
	v27 =	vmin.f32 v30, v10  }
0x2e4: {  	v41 =	vld.idx.msk [tilespmem:v24+s13+$0x0], $0xffff;
	v50 =	vmin.f32 v34, v11;
	v51 =	vsub.f32 v30, v61;
	v28 =	vsub.f32 v34, v29  }
0x2e5: {  	v30 =	vmax.f32 v61, v8;
	v53 =	vmin.f32 v35, v10;
	v29 =	vmax.f32 v29, v9  }
0x2e6: {  	v31 =	vsub.f32 v31, v49;
	v33 =	vmax.f32 v49, v9;
	v55 =	vmax.f32 v63, v8  }
0x2e7: {  	v49 =	vsub.f32 v43, v45;
	v35 =	vsub.f32 v35, v63;
	v63 =	vmin.f32 v43, v11  }
0x2e8: {  	v52 =	vmin.f32 v37, v11;
	v34 =	vsub.f32 v37, v54;
	v44 =	vmax.f32 v47, v8  }
0x2e9: {  	v62 =	vld.idx.msk [tilespmem:v20+s13+$0x0], $0xffff;
	v61 =	vpop (erf);
	(erf) = vrcp.f32 v39;
	v42 =	vsub.f32 v50, v29;
	v29 =	vmin.f32 v41, v10  }
0x2ea: {  	v46 =	vsub.f32 v53, v55;
	v40 =	vsub.f32 v40, v33;
	v33 =	vld.idx.msk [tilespmem:v24+s11+$0x0], $0xffff;
	v50 =	vmul.f32 v61, v18  }
0x2eb: {  	v53 =	vmax.f32 v54, v9;
	v55 =	vmax.f32 v45, v9;
	v31 =	vmul.f32 v31, v35  }
0x2ec: {  	p2 =	sgt.s32 s24, $0x80;
	v54 =	vsub.f32 v52, v53;
	v18 =	vmax.f32 v40, $0.0e+00;
	v61 =	vmax.f32 v46, $0.0e+00  }
.Ltmp35:
0x2ed: {  	v32 =	vmax.f32 v42, $0.0e+00;
	v18 =	vmul.f32 v18, v61;
	v31 =	vadd.f32 v31, v12;
	(pc) =	sbr.rel @!p2 .LBB2_64-.Ltmp35, $4  }
0x2ee: {  	v46 =	vmin.f32 v62, v10;
	v62 =	vsub.f32 v62, v47;
	v42 =	vsub.f32 v63, v55  }
0x2ef: {  	v28 =	vmul.f32 v28, v51;
	v48 =	vpop (erf);
	v41 =	vsub.f32 v41, v33;
	v31 =	vsub.f32 v31, v18  }
0x2f0: {  	vm8 =	vgt.f32 v50, $4.499999880e-01;
	v38 =	vmax.f32 v54, $0.0e+00;
	v39 =	vmul.f32 v34, v62;
	v63 =	vpop (erf)  }
0x2f1: {  	s0 =	simm.s32 $0xA620;
	s28 =	simm.s32 $0xA160;
	p0 =	por $0x1, $0x1;
	v54 =	vld [tilespmem:s26+$0xFFFFFFE0];
	v50 =	vmul.f32 v63, v36;
	v47 =	vmul.f32 v49, v41;
	v41 =	vadd.f32 $9.999999710e-10, v31  }
0x2f2: {  	v31 =	vld [tilespmem:s0+$0xFFFFFFE0]  }
0x2f3: {  	v36 =	vld [tilespmem:s0+$0x10]  }
0x2f4: {  	v14 =	vmovc v59;
	v34 =	vsub.f32 v46, v44;
	v35 =	vmul.f32 v48, v25;
	v25 =	vsub.f32 v27, v30  }
0x2f5: {  	v27 =	vld [tilespmem:s26+$0x0];
	v42 =	vmax.f32 v42, $0.0e+00;
	v59 =	vpop (erf);
	v33 =	vmax.f32 v33, v8;
	v28 =	vadd.f32 v28, v12  }
0x2f6: {  	v13 =	vmovc v6;
	v60 =	vld [tilespmem:s26+$0xFFFFFFF0];
	v62 =	vadd.f32 v39, v12;
	v44 =	vadd.f32 v47, v12;
	v26 =	vmul.f32 v59, v26  }
0x2f7: {  	v6 =	vmovc v5;
	v5 =	vmovc v58;
	v58 =	vld [tilespmem:s26+$0x10];
	v29 =	vsub.f32 v29, v33;
	(erf) = vrcp.f32 v41;
	v25 =	vmax.f32 v25, $0.0e+00  }
0x2f8: {  	v37 =	vld [tilespmem:s0+$0xFFFFFFF0];
	v40 =	vmax.f32 v34, $0.0e+00;
	v25 =	vmul.f32 v32, v25;
	v43 =	vsel vm8, $0xCE6E6B28, v54  }
0x2f9: {  	v34 =	vld [tilespmem:s0+$0x0];
	vm1 =	vgt.f32 v26, $4.499999880e-01;
	vm6 =	vgt.f32 v43, $0.0e+00;
	v49 =	vmax.f32 v57, v43  }
0x2fa: {  	v26 =	vmax.f32 v29, $0.0e+00;
	v30 =	vsel vm6, $0x1, v1;
	vm0 =	vgt.f32 v49, v57;
	v32 =	vld.idx.msk [tilespmem:v31+s14+$0x0], $0xffff  }
0x2fb: {  	v48 =	vsel vm1, $0xCE6E6B28, v60;
	v51 =	vsel vm0, v23, v56;
	vm0 =	vgt.f32 v50, $4.499999880e-01;
	(xrf0) =	vadd.scan.msk.s32 $0xffff, v30;
	v30 =	vld.idx.msk [tilespmem:v36+s13+$0x0], $0xffff  }
0x2fc: {  	v45 =	vmpcnt.ones.xlane vm6;
	v52 =	vsel vm0, $0xCE6E6B28, v27;
	v27 =	vsub.f32 v28, v25;
	v28 =	vld.idx.msk [tilespmem:v36+s14+$0x0], $0xffff  }
0x2fd: {  	v26 =	vmul.f32 v42, v26;
	vm7 =	vgt.f32 v48, $0.0e+00;
	v50 =	vmul.f32 v38, v40;
	v39 =	vld.idx.msk [tilespmem:v36+s11+$0x0], $0xffff  }
0x2fe: {  	v55 =	vmpcnt.ones.xlane vm7;
	vm0 =	vgt.f32 v35, $4.499999880e-01;
	v45 =	vadd.s32 v16, v45;
	v29 =	vld.idx.msk [tilespmem:v36+s12+$0x0], $0xffff  }
0x2ff: {  	v33 =	vld.idx.msk [tilespmem:v31+s13+$0x0], $0xffff;
	vm5 =	vgt.f32 v52, $0.0e+00;
	v47 =	vsel vm0, $0xCE6E6B28, v58;
	v38 =	vsub.f32 v62, v50  }
0x300: {  	v41 =	vld.idx.msk [tilespmem:v31+s11+$0x0], $0xffff;
	v42 =	vadd.s32 v45, v55;
	vm8 =	vgt.f32 v47, $0.0e+00;
	v63 =	vadd.f32 $9.999999710e-10, v27  }
0x301: {  	v54 =	vld.idx.msk [tilespmem:v31+s12+$0x0], $0xffff;
	v61 =	vsel vm5, $0x1, v1;
	v59 =	vmpcnt.ones.xlane vm5;
	v60 =	vsel vm8, $0x1, v1  }
0x302: {  	v57 =	vld.idx.msk [tilespmem:v37+s13+$0x0], $0xffff;
	v38 =	vadd.f32 $9.999999710e-10, v38;
	(erf) = vrcp.f32 v63;
	v63 =	vsel vm7, $0x1, v1  }
0x303: {  	v58 =	vld.idx.msk [tilespmem:v37+s14+$0x0], $0xffff;
	v40 =	vadd.s32 v42, v59;
	v46 =	vmin.f32 v32, v11;
	v27 =	vmin.f32 v30, v10  }
0x304: {  	(xrf0) =	vadd.scan.msk.s32 $0xffff, v61;
	v61 =	vmin.f32 v28, v11;
	v62 =	vsub.f32 v30, v39;
	v30 =	vmax.f32 v39, v8  }
0x305: {  	v28 =	vsub.f32 v28, v29;
	v39 =	vld.idx.msk [tilespmem:v37+s12+$0x0], $0xffff;
	v55 =	vmin.f32 v33, v10;
	v29 =	vmax.f32 v29, v9  }
0x306: {  	v53, _, _ =	vpop (xrf0);
	(xrf0) =	vadd.scan.msk.s32 $0xffff, v60;
	(erf) = vrcp.f32 v38;
	v38 =	vsub.f32 v32, v54;
	v32 =	vmax.f32 v54, v9;
	v54 =	vld.idx.msk [tilespmem:v34+s12+$0x0], $0xffff  }
0x307: {  	v53 =	vadd.s32 v16, v53;
	(xrf0) =	vadd.scan.msk.s32 $0xffff, v63;
	v56 =	vsub.f32 v61, v29;
	v61 =	vld.idx.msk [tilespmem:v34+s14+$0x0], $0xffff  }
0x308: {  	v29 =	vmax.f32 v41, v8;
	v63 =	vsub.f32 v44, v26;
	v41 =	vsub.f32 v33, v41  }
0x309: {  	v0 =	vld.idx.msk [tilespmem:v34+s11+$0x0], $0xffff;
	v44 =	vsub.f32 v46, v32;
	v28 =	vmul.f32 v28, v62;
	v55 =	vsub.f32 v55, v29  }
0x30a: {  	v7 =	vld.idx.msk [tilespmem:v34+s13+$0x0], $0xffff;
	v29 =	vmin.f32 v57, v10;
	v32 =	vmax.f32 v56, $0.0e+00;
	v41 =	vmul.f32 v38, v41;
	v62 =	vpop (erf)  }
0x30b: {  	v33 =	vld.idx.msk [tilespmem:v37+s11+$0x0], $0xffff;
	v60, _, _ =	vpop (xrf0);
	v56 =	vsub.f32 v58, v39;
	v62 =	vmul.f32 v62, v18;
	v58 =	vmin.f32 v58, v11  }
0x30c: {  	v18 =	vmax.f32 v44, $0.0e+00;
	v44 =	vmax.f32 v54, v9;
	v59, _, _ =	vpop (xrf0);
	[tilespmem:v53+s16+$0x0] =	vst.idx.msk vm6, v43;
	v43 =	vmin.f32 v61, v11  }
0x30d: {  	v61 =	vsub.f32 v61, v54;
	v54 =	vmax.f32 v49, v48;
	v46, _, _ =	vpop (xrf0);
	v59 =	vadd.s32 v40, v59  }
0x30e: {  	v38 =	vsub.f32 v43, v44;
	v4 =	vmax.f32 v54, v52;
	v2 =	vadd.s32 v45, v46  }
0x30f: {  	[tilespmem:v53+s17+$0x0] =	vst.idx.msk vm6, v23;
	v23 =	vmax.f32 v39, v9;
	v44 =	vmax.f32 v0, v8  }
0x310: {  	v53 =	vadd.f32 $9.999999710e-10, v63;
	v43 =	vadd.s32 v42, v60;
	v60 =	vmax.f32 v55, $0.0e+00  }
0x311: {  	v0 =	vsub.f32 v7, v0;
	v63 =	vsub.f32 v57, v33;
	vm0 =	vgt.f32 v54, v49  }
0x312: {  	p2 =	sgt.s32 s24, $0xC0;
	v46 =	vmin.f32 v7, v10;
	v45 =	vmax.f32 v4, v47;
	v18 =	vmul.f32 v18, v60  }
.Ltmp36:
0x313: {  	v7 =	vadd.f32 v41, v12;
	v42 =	vsub.f32 v58, v23;
	[tilespmem:v2+s16+$0x0] =	vst.idx.msk vm7, v48;
	(pc) =	sbr.rel @!p2 .LBB2_66-.Ltmp36, $4  }
0x314: {  	vm6 =	vgt.f32 v45, v4;
	(erf) = vrcp.f32 v53;
	[tilespmem:v2+s17+$0x0] =	vst.idx.msk vm7, v19;
	vm7 =	vgt.f32 v4, v54;
	v54 =	vld [tilespmem:s28+$0xFFFFFFE0]  }
0x315: {  	v35 =	vmpcnt.ones.xlane vm8;
	v39 =	vmul.f32 v61, v0;
	v7 =	vsub.f32 v7, v18;
	[tilespmem:v59+s16+$0x0] =	vst.idx.msk vm8, v47;
	v48 =	vpop (erf)  }
0x316: {  	s29 =	simm.s32 $0xC0;
	v38 =	vmax.f32 v38, $0.0e+00;
	v53 =	vsel vm0, v19, v51;
	v47 =	vmul.f32 v56, v63;
	[tilespmem:v43+s16+$0x0] =	vst.idx.msk vm5, v52;
	v2 =	vpop (erf)  }
0x317: {  	s30 =	simm.s32 $0xA660;
	s26 =	simm.s32 $0xA1A0;
	p1 =	por $0x1, $0x1;
	v41 =	vadd.f32 $9.999999710e-10, v7;
	[tilespmem:v59+s17+$0x0] =	vst.idx.msk vm8, v15;
	vm8 =	vgt.f32 v62, $4.499999880e-01;
	v50 =	vmul.f32 v2, v50  }
.LBB2_67:
0x318: {  	v51 =	vld [tilespmem:s30+$0xFFFFFFE0];
	s29 =	sadd.s32 $0x40, s29;
	v0 =	vsub.f32 v46, v44;
	v2 =	vmul.f32 v48, v25;
	v4 =	vsel vm7, v17, v53;
	v19 =	vmovc v24  }
0x319: {  	v40 =	vadd.s32 v40, v35;
	v7 =	vld [tilespmem:s30+$0x10];
	p2 =	slt.s32 s29, s24;
	v44 =	vsel vm8, $0xCE6E6B28, v54;
	[tilespmem:v43+s17+$0x0] =	vst.idx.msk vm5, v17;
	v4 =	vsel vm6, v15, v4  }
0x31a: {  	v27 =	vsub.f32 v27, v30;
	v15 =	vmovc v22;
	v22 =	vmovc v36;
	v25 =	vld [tilespmem:s30+$0xFFFFFFF0];
	vm6 =	vgt.f32 v44, $0.0e+00;
	v23 =	vmax.f32 v45, v44  }
0x31b: {  	v24 =	vmovc v37;
	v43 =	vadd.f32 v47, v12;
	v17 =	vmovc v20;
	v20 =	vmov v34;
	v30 =	vsel vm6, $0x1, v1;
	v35 =	vld [tilespmem:s28+$0x0]  }
0x31c: {  	v0 =	vmax.f32 v0, $0.0e+00;
	v46 =	vmpcnt.ones.xlane vm6;
	v47 =	vld [tilespmem:s28+$0x10];
	(xrf0) =	vadd.scan.msk.s32 $0xffff, v30  }
0x31d: {  	v27 =	vmax.f32 v27, $0.0e+00;
	vm0 =	vgt.f32 v23, v45;
	v30 =	vmax.f32 v42, $0.0e+00;
	v34 =	vld [tilespmem:s30+$0x0];
	v37 =	vpop (erf)  }
0x31e: {  	v33 =	vmax.f32 v33, v8;
	v28 =	vadd.f32 v28, v12;
	v49 =	vsel vm0, v21, v4;
	v36 =	vmovc v7  }
0x31f: {  	v4 =	vsub.f32 v29, v33;
	vm0 =	vgt.f32 v50, $4.499999880e-01;
	v26 =	vmul.f32 v37, v26;
	v29 =	vld [tilespmem:s28+$0xFFFFFFF0];
	v37 =	vmovc v25;
	s28 =	smov.u32 s26  }
0x320: {  	v25 =	vmul.f32 v32, v27;
	v42 =	vld.idx.msk [tilespmem:v51+s14+$0x0], $0xffff;
	v52 =	vsel vm0, $0xCE6E6B28, v35;
	vm0 =	vgt.f32 v2, $4.499999880e-01  }
0x321: {  	vm1 =	vgt.f32 v26, $4.499999880e-01;
	v2 =	vld.idx.msk [tilespmem:v7+s13+$0x0], $0xffff;
	vm5 =	vgt.f32 v52, $0.0e+00;
	v45 =	vsel vm0, $0xCE6E6B28, v47  }
0x322: {  	v27 =	vsub.f32 v28, v25;
	v7 =	vld.idx.msk [tilespmem:v7+s14+$0x0], $0xffff;
	(erf) = vrcp.f32 v41;
	v26 =	vsel vm5, $0x1, v1;
	v28, _, _ =	vpop (xrf0)  }
0x323: {  	v50 =	vmul.f32 v38, v0;
	v0 =	vadd.f32 v39, v12;
	vm8 =	vgt.f32 v45, $0.0e+00;
	v32 =	vld.idx.msk [tilespmem:v36+s11+$0x0], $0xffff  }
0x324: {  	v38 =	vadd.s32 v40, v46;
	v4 =	vmax.f32 v4, $0.0e+00;
	v35 =	vmpcnt.ones.xlane vm8;
	v33 =	vld.idx.msk [tilespmem:v36+s12+$0x0], $0xffff;
	(xrf0) =	vadd.scan.msk.s32 $0xffff, v26  }
0x325: {  	v0 =	vsub.f32 v0, v50;
	v26 =	vmul.f32 v30, v4;
	v4 =	vsel vm1, $0xCE6E6B28, v29;
	v39 =	vld.idx.msk [tilespmem:v51+s13+$0x0], $0xffff  }
0x326: {  	v29 =	vadd.f32 $9.999999710e-10, v27;
	v30 =	vsel vm8, $0x1, v1;
	vm7 =	vgt.f32 v4, $0.0e+00;
	v41 =	vld.idx.msk [tilespmem:v51+s11+$0x0], $0xffff  }
0x327: {  	v47 =	vmin.f32 v42, v11;
	v27 =	vmin.f32 v2, v10;
	v48 =	vmpcnt.ones.xlane vm7;
	v46 =	vld.idx.msk [tilespmem:v51+s12+$0x0], $0xffff  }
0x328: {  	v55 =	vadd.s32 v40, v28;
	v54 =	vmin.f32 v7, v11;
	v53 =	vld.idx.msk [tilespmem:v37+s13+$0x0], $0xffff;
	(erf) = vrcp.f32 v29;
	(xrf0) =	vadd.scan.msk.s32 $0xffff, v30  }
0x329: {  	v28 =	vsel vm7, $0x1, v1;
	v2 =	vsub.f32 v2, v32;
	v30 =	vmax.f32 v32, v8;
	v56 =	vld.idx.msk [tilespmem:v37+s14+$0x0], $0xffff  }
0x32a: {  	v0 =	vadd.f32 $9.999999710e-10, v0;
	v58 =	vadd.s32 v38, v48;
	v7 =	vsub.f32 v7, v33;
	v57 =	vld.idx.msk [tilespmem:v37+s12+$0x0], $0xffff;
	(xrf0) =	vadd.scan.msk.s32 $0xffff, v28;
	v59, _, _ =	vpop (xrf0)  }
0x32b: {  	v40 =	vmpcnt.ones.xlane vm5;
	v29 =	vmax.f32 v33, v9;
	v32 =	vmin.f32 v39, v10;
	v60 =	vld.idx.msk [tilespmem:v34+s14+$0x0], $0xffff;
	v48 =	vpop (erf)  }
0x32c: {  	v28 =	vmul.f32 v7, v2;
	v2 =	vsub.f32 v54, v29;
	v33 =	vld.idx.msk [tilespmem:v37+s11+$0x0], $0xffff;
	(erf) = vrcp.f32 v0  }
0x32d: {  	v40 =	vadd.s32 v58, v40;
	v0 =	vsub.f32 v42, v46;
	v7 =	vmax.f32 v46, v9;
	v42 =	vld.idx.msk [tilespmem:v34+s12+$0x0], $0xffff  }
0x32e: {  	v46 =	vmax.f32 v41, v8;
	v29 =	vmin.f32 v53, v10;
	v54 =	vld.idx.msk [tilespmem:v34+s11+$0x0], $0xffff;
	[tilespmem:v55+s16+$0x0] =	vst.idx.msk vm6, v44;
	v44, _, _ =	vpop (xrf0)  }
0x32f: {  	v61 =	vsub.f32 v32, v46;
	v32 =	vmax.f32 v2, $0.0e+00;
	v2 =	vsub.f32 v43, v26;
	[tilespmem:v55+s17+$0x0] =	vst.idx.msk vm6, v21  }
0x330: {  	v7 =	vsub.f32 v47, v7;
	v47 =	vsub.f32 v56, v57;
	v62 =	vadd.s32 v40, v44;
	v55 =	vld.idx.msk [tilespmem:v34+s13+$0x0], $0xffff;
	v21, _, _ =	vpop (xrf0)  }
0x331: {  	v39 =	vsub.f32 v39, v41;
	v41 =	vmul.f32 v48, v18;
	v48 =	vpop (erf);
	v63 =	vadd.s32 v38, v21  }
0x332: {  	v7 =	vmax.f32 v7, $0.0e+00;
	v56 =	vmin.f32 v56, v11;
	v18 =	vmin.f32 v60, v11;
	v21 =	vmovc v31;
	v31 =	vmovc v51  }
0x333: {  	v51 =	vsub.f32 v60, v42;
	v38 =	vmax.f32 v42, v9;
	v60 =	vmax.f32 v23, v4  }
0x334: {  	v0 =	vmul.f32 v0, v39;
	v18 =	vsub.f32 v18, v38;
	v39 =	vmax.f32 v60, v52  }
0x335: {  	v2 =	vadd.f32 $9.999999710e-10, v2;
	v42 =	vmax.f32 v57, v9;
	v44 =	vmax.f32 v54, v8;
	v57 =	vpop (erf);
	[tilespmem:v62+s16+$0x0] =	vst.idx.msk vm8, v45  }
0x336: {  	v43 =	vadd.s32 v58, v59;
	v46 =	vmin.f32 v55, v10;
	v38 =	vmax.f32 v18, $0.0e+00;
	[tilespmem:v62+s17+$0x0] =	vst.idx.msk vm8, v15  }
0x337: {  	v18 =	vmax.f32 v61, $0.0e+00;
	v55 =	vsub.f32 v55, v54;
	v45 =	vmax.f32 v39, v45  }
.Ltmp37:
0x338: {  	v0 =	vadd.f32 v0, v12;
	v18 =	vmul.f32 v7, v18;
	vm6 =	vgt.f32 v45, v39;
	(pc) =	sbr.rel @p2 .LBB2_67-.Ltmp37, $4  }
0x339: {  	v42 =	vsub.f32 v56, v42;
	v7 =	vsub.f32 v53, v33;
	v54 =	vld [tilespmem:s26+$0xFFFFFFE0];
	(erf) = vrcp.f32 v2;
	[tilespmem:v63+s16+$0x0] =	vst.idx.msk vm7, v4  }
0x33a: {  	vm8 =	vgt.f32 v41, $4.499999880e-01;
	v0 =	vsub.f32 v0, v18;
	[tilespmem:v63+s17+$0x0] =	vst.idx.msk vm7, v19;
	vm7 =	vgt.f32 v39, v60  }
0x33b: {  	vm0 =	vgt.f32 v60, v23;
	v47 =	vmul.f32 v47, v7;
	v39 =	vmul.f32 v51, v55  }
0x33c: {  	s30 =	sadd.s32 $0x40, s30;
	v50 =	vmul.f32 v57, v50;
	v53 =	vsel vm0, v19, v49;
	s26 =	sadd.s32 $0x40, s26;
	v41 =	vadd.f32 $9.999999710e-10, v0;
	[tilespmem:v43+s16+$0x0] =	vst.idx.msk vm5, v52  }
0x33d: {  	v52 =	vmov v17;
	v55 =	vmov v15  }
0x33e: {  	v49 =	vmovc v24;
	v51 =	vmovc v22;
	v15 =	vmov v36;
	v19 =	vmov v37;
	v36 =	vmov v20  }
0x33f: {  	v17 =	vmovc v34;
	v34 =	vmovc v21;
	v23 =	vmov v31;
	v58 =	vmov v5;
	v5 =	vmov v6  }
0x340: {  	v6 =	vmovc v13;
	v59 =	vmovc v14;
	v60 =	vimm.f32 $0.0e+00;
	v56 =	vimm.s32 $0x0;
	v57 =	vimm.f32 $-3.000000010e+38  }
.LBB2_69:
0x341: {  	v0 =	vsub.f32 v27, v30  }
0x342: {  	v2 =	vsel @p0 vm8, $0xCE6E6B28, v54;
	v4 =	vadd.f32 v28, v12;
	v7 =	vsub.f32 v46, v44  }
0x343: {  	v20 =	vmul.f32 @p0 v48, v25;
	v22 =	vadd.f32 v47, v12;
	v0 =	vmax.f32 v0, $0.0e+00  }
0x344: {  	v21 =	vld @p0 [tilespmem:s28+$0x0];
	v48 =	vmax.f32 v42, $0.0e+00;
	v54 =	vmax.f32 v33, v8;
	v0 =	vmul.f32 v32, v0  }
0x345: {  	vm0 =	vgt.f32 @p0 v50, $4.499999880e-01;
	v30 =	vld @p0 [tilespmem:s28+$0xFFFFFFF0];
	v31 =	vadd.f32 v39, v12;
	v27 =	vsub.f32 v29, v54;
	v29 =	vpop @p0 (erf)  }
0x346: {  	v28 =	vld @p0 [tilespmem:s28+$0x10];
	v7 =	vmax.f32 v7, $0.0e+00;
	v26 =	vmul.f32 @p0 v29, v26;
	v4 =	vsub.f32 v4, v0  }
0x347: {  	vm9 =	vgt.f32 @p0 v2, $0.0e+00;
	(erf) = vrcp.f32 v41;
	v7 =	vmul.f32 v38, v7  }
0x348: {  	v24 =	vsel @p0 vm9, $0x1, v1;
	vm1 =	vgt.f32 @p0 v26, $4.499999880e-01;
	v4 =	vadd.f32 $9.999999710e-10, v4  }
0x349: {  	v21 =	vsel @p0 vm0, $0xCE6E6B28, v21;
	vm0 =	vgt.f32 @p0 v20, $4.499999880e-01;
	v61 =	vsub.f32 v31, v7  }
0x34a: {  	(xrf0) =	vadd.scan.msk.s32 @p0 $0xffff, v24;
	v24 =	vsel @p0 vm1, $0xCE6E6B28, v30;
	(erf) = vrcp.f32 v4;
	v4 =	vmax.f32 v27, $0.0e+00  }
0x34b: {  	vm8 =	vgt.f32 @p0 v21, $0.0e+00;
	v25 =	vsel @p0 vm0, $0xCE6E6B28, v28;
	v4 =	vmul.f32 v48, v4  }
0x34c: {  	v26 =	vsel @p0 vm8, $0x1, v1;
	v20 =	vadd.f32 $9.999999710e-10, v61;
	vm11 =	vgt.f32 @p0 v25, $0.0e+00  }
0x34d: {  	vm10 =	vgt.f32 @p0 v24, $0.0e+00;
	(xrf0) =	vadd.scan.msk.s32 @p0 $0xffff, v26;
	v26 =	vsel @p0 vm11, $0x1, v1;
	v22 =	vsub.f32 v22, v4  }
0x34e: {  	(xrf0) =	vadd.scan.msk.s32 @p0 $0xffff, v26;
	(erf) = vrcp.f32 v20;
	v20 =	vsel @p0 vm10, $0x1, v1  }
0x34f: {  	(xrf0) =	vadd.scan.msk.s32 @p0 $0xffff, v20;
	v22 =	vadd.f32 $9.999999710e-10, v22  }
0x350: {  	v29 =	vmpcnt.ones.xlane @p0 vm9;
	v31 =	vmpcnt.ones.xlane @p0 vm10;
	v26 =	vadd.s32 @p1 v40, v35;
	v30, _, _ =	vpop @p0 (xrf0)  }
0x351: {  	v42 =	vld [tilespmem:s26+$0xFFFFFFE0];
	v35 =	vmpcnt.ones.xlane @p0 vm8;
	v62 =	vpop (erf);
	v26 =	vpsel p1, v26, v16;
	(erf) = vrcp.f32 v22  }
0x352: {  	v20 =	vsel @p1 vm7, v52, v53;
	v29 =	vadd.s32 @p0 v26, v29;
	v26 =	vadd.s32 @p0 v26, v30  }
0x353: {  	v28 =	vmax.f32 @p0 v45, v2;
	v18 =	vmul.f32 v62, v18;
	v20 =	vsel @p1 vm6, v55, v20;
	v33, _, _ =	vpop @p0 (xrf0)  }
0x354: {  	vm0 =	vgt.f32 @p0 v28, v45;
	v30 =	vadd.s32 @p0 v29, v31;
	v20 =	vpsel p1, v20, v56;
	v31, _, _ =	vpop @p0 (xrf0)  }
0x355: {  	v27 =	vadd.s32 @p0 v30, v35;
	v20 =	vsel @p0 vm0, v34, v20;
	vm0 =	vgt.f32 v18, $4.499999880e-01;
	v35, _, _ =	vpop @p0 (xrf0)  }
0x356: {  	v37 =	vld [tilespmem:s26+$0x0];
	vm1 =	vmmov @p0 vm8;
	v32 =	vsel vm0, $0xCE6E6B28, v42;
	v31 =	vadd.s32 @p0 v27, v31;
	v63 =	vpop (erf)  }
0x357: {  	v38 =	vmpcnt.ones.xlane @p0 vm11;
	v18 =	vld [tilespmem:s26+$0x10];
	vm6 =	vgt.f32 v32, $0.0e+00;
	[tilespmem:v26+s16+$0x0] =	vst.idx.msk @p0 vm9, v2;
	v29 =	vadd.s32 @p0 v29, v35;
	v44 =	vpop (erf)  }
0x358: {  	v35 =	vmax.f32 @p0 v28, v24;
	v0 =	vmul.f32 v63, v0;
	v7 =	vmul.f32 v44, v7  }
0x359: {  	v45 =	vld [tilespmem:s26+$0xFFFFFFF0];
	v46 =	vsel vm6, $0x1, v1;
	[tilespmem:v26+s17+$0x0] =	vst.idx.msk @p0 vm9, v34;
	v26 =	vmovc @p0 v51;
	v51 =	vmpcnt.ones.xlane vm6;
	v2 =	vmax.f32 @p0 v35, v21  }
0x35a: {  	(xrf0) =	vadd.scan.msk.s32 $0xffff, v46;
	vm9 =	vgt.f32 v0, $4.499999880e-01;
	v0 =	vadd.s32 @p0 v30, v33;
	vm0 =	vgt.f32 v7, $4.499999880e-01;
	v47 =	vpop (erf)  }
0x35b: {  	[tilespmem:v31+s16+$0x0] =	vst.idx.msk @p0 vm11, v25;
	v25 =	vmax.f32 @p0 v2, v25;
	v7 =	vsel vm0, $0xCE6E6B28, v37;
	v4 =	vmul.f32 v47, v4  }
0x35c: {  	[tilespmem:v43+s17+$0x0] =	vst.idx.msk @p1 vm5, v52;
	v18 =	vsel vm9, $0xCE6E6B28, v18;
	v22 =	vpsel p0, v38, v0;
	vm5 =	vgt.f32 v7, $0.0e+00  }
0x35d: {  	vm7 =	vgt.f32 v18, $0.0e+00;
	vm9 =	vgt.f32 v4, $4.499999880e-01;
	v4 =	vsel vm5, $0x1, v1  }
0x35e: {  	vm2 =	vgt.f32 @p0 v25, v2;
	v48 =	vsel vm7, $0x1, v1;
	(xrf0) =	vadd.scan.msk.s32 $0xffff, v4;
	v4 =	vsel vm9, $0xCE6E6B28, v45  }
0x35f: {  	[tilespmem:v29+s16+$0x0] =	vst.idx.msk @p0 vm10, v24;
	v24 =	vpsel p0, v27, v0;
	vm9 =	vgt.f32 v4, $0.0e+00;
	(xrf0) =	vadd.scan.msk.s32 $0xffff, v48  }
0x360: {  	[tilespmem:v31+s17+$0x0] =	vst.idx.msk @p0 vm11, v26;
	v14 =	vpsel p0, v25, v57;
	v22 =	vadd.s32 @p0 v24, v22;
	v50 =	vsel vm9, $0x1, v1  }
0x361: {  	vm0 =	vgt.f32 @p0 v35, v28;
	v62 =	vmax.f32 v14, v32;
	v52, _, _ =	vpop (xrf0);
	v16 =	vpsel p0, v22, v16;
	(xrf0) =	vadd.scan.msk.s32 $0xffff, v50  }
0x362: {  	v28 =	vmovc @p0 v49;
	v24 =	vadd.s32 v16, v51;
	v16 =	vadd.s32 v16, v52;
	v53 =	vmpcnt.ones.xlane vm9  }
0x363: {  	[tilespmem:v29+s17+$0x0] =	vst.idx.msk @p0 vm10, v28;
	v29 =	vpsel p0, v0, v0;
	v20 =	vsel @p0 vm0, v28, v20;
	v54 =	vmpcnt.ones.xlane vm5  }
0x364: {  	vm0 =	vgt.f32 @p0 v2, v35;
	vm11 =	vgt.f32 v62, v14;
	v22 =	vadd.s32 v24, v53;
	v55, _, _ =	vpop (xrf0)  }
0x365: {  	[tilespmem:v0+s16+$0x0] =	vst.idx.msk @p0 vm8, v21;
	v0 =	vadd.s32 v22, v54;
	v2, _, _ =	vpop (xrf0);
	v14 =	vadd.s32 v22, v55  }
0x366: {  	v30 =	vmov @p0 v36;
	v2 =	vadd.s32 v0, v2  }
0x367: {  	vm0 =	vmmov @p0 vm0;
	[tilespmem:v16+s16+$0x0] =	vst.idx.msk vm6, v32;
	v21 =	vpsel p0, v30, v0;
	v20 =	vpsel p0, v20, v0;
	v61, _, _ =	vpop (xrf0)  }
0x368: {  	v20 =	vsel @p0 vm0, v21, v20;
	[tilespmem:v29+s17+$0x0] =	vst.idx.msk @p0 vm1, v21;
	v21 =	vadd.s32 v24, v61  }
0x369: {  	[tilespmem:v16+s17+$0x0] =	vst.idx.msk vm6, v23;
	v16 =	vmax.f32 v62, v4;
	v26 =	vpsel p0, v26, v0;
	vm0 =	vmmov @p0 vm2  }
0x36a: {  	v63 =	vmax.f32 v16, v7;
	v20 =	vsel @p0 vm0, v26, v20;
	[tilespmem:v14+s16+$0x0] =	vst.idx.msk vm5, v7  }
.Ltmp38:
0x36b: {  	vm8 =	vgt.f32 v16, v62;
	v13 =	vpsel p0, v20, v56;
	[tilespmem:v2+s16+$0x0] =	vst.idx.msk vm7, v18;
	(pc) =	sbr.rel .LBB2_33-.Ltmp38, $4  }
0x36c: {  	vm10 =	vgt.f32 v63, v16;
	v20 =	vsel vm11, v23, v13;
	[tilespmem:v2+s17+$0x0] =	vst.idx.msk vm7, v15  }
0x36d: {  	v13 =	vmax.f32 v63, v18;
	v2 =	vmpcnt.ones.xlane vm7;
	[tilespmem:v21+s16+$0x0] =	vst.idx.msk vm9, v4;
	v4 =	vsel vm8, v19, v20  }
0x36e: {  	vm11 =	vgt.f32 v13, v63;
	[tilespmem:v14+s17+$0x0] =	vst.idx.msk vm5, v17;
	v4 =	vsel vm10, v17, v4  }
0x36f: {  	[tilespmem:v21+s17+$0x0] =	vst.idx.msk vm9, v19;
	v16 =	vadd.s32 v0, v2;
	v14 =	vsel vm11, v15, v4  }
.LBB2_32:
0x370: {  	v16 =	vimm.s32 $0xFFFFFFFF;
	v14 =	vimm.s32 $0x0;
	v13 =	vimm.f32 $-3.000000010e+38  }
.LBB2_33:
0x371: {  	p0 =	sge.s32 s24, s23  }
.Ltmp39:
0x372: {  	_ = 	snop;
	(pc) =	sbr.rel @p0 .LBB2_36-.Ltmp39, $1  }
0x373: {  	_ =	sdelay $0x3  }
0x374: {  	s0 =	sshll.u32 s25, $0x2  }
0x375: {  	s0 =	sshra.s32 s0, $0x2  }
0x376: {  	s0 =	sand.u32 $0xFFFFFFC0, s0  }
0x377: {  	s25 =	sadd.s32 $0xA580, s0;
	s26 =	sadd.s32 $0xA100, s0  }
.LBB2_35:
0x378: {  	v0 =	vld [tilespmem:s25+$0x0];
	_ =	sdelay $0x7  }
0x379: {  	v2 =	vld.idx.msk [tilespmem:v0+s11+$0x0], $0xffff  }
0x37a: {  	v4 =	vld.idx.msk [tilespmem:v0+s12+$0x0], $0xffff  }
0x37b: {  	v7 =	vld.idx.msk [tilespmem:v0+s13+$0x0], $0xffff  }
0x37c: {  	v15 =	vld.idx.msk [tilespmem:v0+s14+$0x0], $0xffff;
	_ =	sdelay $0x4  }
0x37d: {  	v17 =	vsub.f32 v7, v2;
	v18 =	vsub.f32 v15, v4;
	v2 =	vmax.f32 v2, v8  }
0x37e: {  	v4 =	vmax.f32 v4, v9;
	v7 =	vmin.f32 v7, v10;
	v15 =	vmin.f32 v15, v11  }
0x37f: {  	v2 =	vsub.f32 v7, v2;
	v4 =	vsub.f32 v15, v4  }
0x380: {  	v7 =	vmul.f32 v18, v17  }
0x381: {  	v2 =	vmax.f32 v2, $0.0e+00;
	v4 =	vmax.f32 v4, $0.0e+00  }
0x382: {  	v2 =	vmul.f32 v4, v2;
	v4 =	vadd.f32 v7, v12;
	_ =	sdelay $0x1  }
0x383: {  	v4 =	vsub.f32 v4, v2;
	_ =	sdelay $0x1  }
0x384: {  	v4 =	vadd.f32 $9.999999710e-10, v4;
	_ =	sdelay $0x1  }
0x385: {  	(erf) = vrcp.f32 v4;
	_ =	sdelay $0x7  }
0x386: {  	v4 =	vld [tilespmem:s26+$0x0]  }
0x387: {  	v7 =	vpop (erf)  }
0x388: {  	v2 =	vmul.f32 v7, v2;
	_ =	sdelay $0x1  }
0x389: {  	vm0 =	vgt.f32 v2, $4.499999880e-01  }
0x38a: {  	v2 =	vsel vm0, $0xCE6E6B28, v4  }
0x38b: {  	vm0 =	vgt.f32 v2, $0.0e+00  }
0x38c: {  	v4 =	vsel vm0, $0x1, v1  }
0x38d: {  	(xrf0) =	vadd.scan.msk.s32 $0xffff, v4;
	_ =	sdelay $0x5  }
0x38e: {  	v4, _, _ =	vpop (xrf0)  }
0x38f: {  	s24 =	sadd.s32 $0x10, s24;
	v4 =	vadd.s32 v16, v4  }
0x390: {  	p0 =	slt.s32 s24, s23  }
.Ltmp40:
0x391: {  	_ = 	snop;
	(pc) =	sbr.rel @p0 .LBB2_35-.Ltmp40, $4  }
0x392: {  	_ = 	snop  }
0x393: {  	v7 =	vmov v13;
	v13 =	vmax.f32 v13, v2;
	v15 =	vmpcnt.ones.xlane vm0  }
0x394: {  	vm1 =	vgt.f32 v13, v7;
	[tilespmem:v4+s16+$0x0] =	vst.idx.msk vm0, v2  }
0x395: {  	s25 =	sadd.s32 $0x10, s25;
	s26 =	sadd.s32 $0x10, s26;
	v14 =	vsel vm1, v0, v14;
	v16 =	vadd.s32 v16, v15;
	[tilespmem:v4+s17+$0x0] =	vst.idx.msk vm0, v0  }
.Ltmp41:
0x396: {  	_ = 	snop;
	(pc) =	sbr.rel .LBB2_36-.Ltmp41, $1  }
0x397: {  	_ =	sdelay $0x3  }
.LBB2_48:
0x398: {  	s26 =	simm.s32 $0xA120  }
.LBB2_52:
0x399: {  	v26 =	vsub.f32 v34, v26  }
0x39a: {  	v12 =	vmax.f32 v23, v12;
	v42 =	vadd.f32 $9.999999710e-10, v36;
	v31 =	vsub.f32 v35, v31  }
0x39b: {  	v32 =	vsub.f32 v37, v32;
	v11 =	vmax.f32 v24, v11;
	v43 =	vsub.f32 v27, v23  }
0x39c: {  	v10 =	vmin.f32 v27, v10;
	v44 =	vsub.f32 v29, v24;
	v9 =	vmin.f32 v29, v9  }
0x39d: {  	v45 =	vmul.f32 v20, v19;
	v46 =	vmul.f32 v33, v28;
	v47 =	vmax.f32 v30, $0.0e+00  }
0x39e: {  	v10 =	vsub.f32 v10, v12;
	v9 =	vsub.f32 v9, v11;
	v48 =	vmax.f32 v26, $0.0e+00  }
0x39f: {  	v23 =	vmul.f32 v44, v43;
	v49 =	vmax.f32 v31, $0.0e+00;
	v50 =	vmax.f32 v32, $0.0e+00  }
0x3a0: {  	v12 =	vadd.f32 v45, v8;
	v19 =	vadd.f32 v46, v8;
	v11 =	vmul.f32 v48, v47  }
0x3a1: {  	v10 =	vmax.f32 v10, $0.0e+00;
	v9 =	vmax.f32 v9, $0.0e+00;
	v51 =	vmul.f32 v50, v49  }
0x3a2: {  	v9 =	vmul.f32 v9, v10;
	v8 =	vadd.f32 v23, v8;
	v52 =	vsub.f32 v12, v11  }
0x3a3: {  	(erf) = vrcp.f32 v42;
	v53 =	vsub.f32 v19, v51  }
0x3a4: {  	v8 =	vsub.f32 v8, v9;
	v10 =	vadd.f32 $9.999999710e-10, v52  }
0x3a5: {  	v12 =	vadd.f32 $9.999999710e-10, v53  }
0x3a6: {  	v8 =	vadd.f32 $9.999999710e-10, v8;
	(erf) = vrcp.f32 v10  }
0x3a7: {  	(erf) = vrcp.f32 v12  }
0x3a8: {  	(erf) = vrcp.f32 v8;
	v8 =	vld @p0 [tilespmem:s26+$0xFFFFFFE0]  }
0x3a9: {  	s0 =	sadd.s32 @p0 $0x40, s26  }
0x3aa: {  	v13 =	vmul.f32 @p0 v21, v13;
	s24 =	smov.u32 @p0 s0  }
0x3ab: {  	v54 =	vld [tilespmem:s24+$0x10]  }
0x3ac: {  	vm0 =	vgt.f32 @p0 v13, $4.499999880e-01;
	v55 =	vpop (erf)  }
0x3ad: {  	v12 =	vmul.f32 v55, v16;
	v8 =	vsel @p0 vm0, $0xCE6E6B28, v8  }
0x3ae: {  	v15 =	vmul.f32 @p0 v25, v15;
	v56 =	vld [tilespmem:s24+$0xFFFFFFE0]  }
0x3af: {  	v14 =	vmul.f32 @p0 v22, v14;
	v61 =	vld [tilespmem:s24+$0xFFFFFFF0];
	vm1 =	vgt.f32 v12, $4.499999880e-01;
	v57 =	vpop (erf)  }
0x3b0: {  	v62 =	vld [tilespmem:s24+$0x0];
	v10 =	vsel vm1, $0xCE6E6B28, v54;
	vm1 =	vgt.f32 @p0 v15, $4.499999880e-01;
	[tilespmem:s25+$0xFFFFFFE0] =	vst @p0 v8;
	v8 =	vpop (erf);
	v11 =	vmul.f32 v57, v11  }
0x3b1: {  	vm0 =	vgt.f32 @p0 v14, $4.499999880e-01;
	[tilespmem:s24+$0x10] =	vst v10;
	v15 =	vsel @p0 vm1, $0xCE6E6B28, v18;
	v63 =	vpop (erf);
	v8 =	vmul.f32 v8, v51  }
0x3b2: {  	v12 =	vsel @p0 vm0, $0xCE6E6B28, v17;
	[tilespmem:s25+$0x0] =	vst @p0 v15;
	v9 =	vmul.f32 v63, v9;
	vm9 =	vgt.f32 v11, $4.499999880e-01  }
0x3b3: {  	[tilespmem:s25+$0xFFFFFFF0] =	vst @p0 v12;
	vm10 =	vgt.f32 v8, $4.499999880e-01;
	v8 =	vsel vm9, $0xCE6E6B28, v56  }
0x3b4: {  	vm11 =	vgt.f32 v9, $4.499999880e-01;
	[tilespmem:s24+$0xFFFFFFE0] =	vst v8;
	v8 =	vsel vm10, $0xCE6E6B28, v61  }
0x3b5: {  	v9 =	vsel vm11, $0xCE6E6B28, v62;
	[tilespmem:s24+$0xFFFFFFF0] =	vst v8  }
0x3b6: {  	[tilespmem:s24+$0x0] =	vst v9  }
.LBB2_53:
0x3b7: {  	s23 =	sadd.s32 $0x1, s23  }
0x3b8: {  	p0 =	seq.s32 s23, s20  }
.Ltmp42:
0x3b9: {  	_ = 	snop;
	(pc) =	sbr.rel @p0 .LBB2_28-.Ltmp42, $1  }
0x3ba: {  	_ =	sdelay $0x3  }
.LBB2_46:
0x3bb: {  	p0 =	slt.s32 s22, $0x1  }
.Ltmp43:
0x3bc: {  	_ = 	snop;
	(pc) =	sbr.rel @p0 .LBB2_53-.Ltmp43, $1  }
0x3bd: {  	_ =	sdelay $0x3  }
0x3be: {  	s0 =	sshll.u32 s23, $0x4  }
0x3bf: {  	s24 =	sor.u32 $0x1, s0  }
0x3c0: {  	s29 =	sor.u32 $0x2, s0;
	v8 =	vmov s24  }
0x3c1: {  	s30 =	sor.u32 $0x3, s0;
	v9 =	vmov s29;
	v8 =	vbroadcast v8, $0x0  }
0x3c2: {  	s0 =	sor.u32 $0x4, s0;
	v10 =	vmov s30;
	v9 =	vbroadcast v9, $0x0  }
0x3c3: {  	v11 =	vmov s0;
	v10 =	vbroadcast v10, $0x0  }
0x3c4: {  	v13 =	vbroadcast v11, $0x0;
	_ =	sdelay $0x2  }
0x3c5: {  	v12 =	vld.idx.msk [tilespmem:v8+s18+$0x0], $0xffff  }
0x3c6: {  	v11 =	vld.idx.msk [tilespmem:v9+s18+$0x0], $0xffff  }
0x3c7: {  	v10 =	vld.idx.msk [tilespmem:v10+s18+$0x0], $0xffff  }
0x3c8: {  	v9 =	vld.idx.msk [tilespmem:v13+s18+$0x0], $0xffff;
	_ =	sdelay $0x1  }
0x3c9: {  	s31 =	simm.s32 $0xA5A0  }
0x3ca: {  	v14 =	vld [tilespmem:s31+$0xFFFFFFE0];
	_ =	sdelay $0x1  }
0x3cb: {  	v8 =	vsub.f32 v10, v12;
	v13 =	vsub.f32 v9, v11;
	_ =	sdelay $0x1  }
0x3cc: {  	v8 =	vmul.f32 v13, v8;
	v13 =	vld [tilespmem:s31+$0x10];
	_ =	sdelay $0x1  }
0x3cd: {  	v15 =	vld [tilespmem:s31+$0xFFFFFFF0]  }
0x3ce: {  	v17 =	vld [tilespmem:s31+$0x0]  }
0x3cf: {  	v20 =	vld.idx.msk [tilespmem:v14+s11+$0x0], $0xffff  }
0x3d0: {  	v21 =	vld.idx.msk [tilespmem:v14+s12+$0x0], $0xffff  }
0x3d1: {  	v22 =	vld.idx.msk [tilespmem:v14+s13+$0x0], $0xffff  }
0x3d2: {  	v14 =	vld.idx.msk [tilespmem:v14+s14+$0x0], $0xffff  }
0x3d3: {  	v16 =	vld.idx.msk [tilespmem:v13+s11+$0x0], $0xffff  }
0x3d4: {  	v18 =	vld.idx.msk [tilespmem:v13+s12+$0x0], $0xffff  }
0x3d5: {  	v19 =	vld.idx.msk [tilespmem:v13+s13+$0x0], $0xffff  }
0x3d6: {  	v13 =	vld.idx.msk [tilespmem:v13+s14+$0x0], $0xffff  }
0x3d7: {  	v25 =	vld.idx.msk [tilespmem:v15+s11+$0x0], $0xffff  }
0x3d8: {  	v33 =	vld.idx.msk [tilespmem:v15+s12+$0x0], $0xffff  }
0x3d9: {  	v29 =	vld.idx.msk [tilespmem:v15+s13+$0x0], $0xffff  }
0x3da: {  	v30 =	vmax.f32 v20, v12;
	v26 =	vmax.f32 v21, v11;
	v34 =	vmin.f32 v14, v9  }
0x3db: {  	v15 =	vld.idx.msk [tilespmem:v15+s14+$0x0], $0xffff;
	v23 =	vsub.f32 v19, v16;
	v24 =	vsub.f32 v13, v18;
	v16 =	vmax.f32 v16, v12  }
0x3dc: {  	v18 =	vmax.f32 v18, v11;
	v19 =	vmin.f32 v19, v10;
	v13 =	vmin.f32 v13, v9  }
0x3dd: {  	p1 =	sgt.s32 s22, $0x40;
	v31 =	vmax.f32 v25, v12;
	v16 =	vsub.f32 v19, v16;
	v13 =	vsub.f32 v13, v18  }
.Ltmp44:
0x3de: {  	v27 =	vld.idx.msk [tilespmem:v17+s13+$0x0], $0xffff;
	v32 =	vmax.f32 v33, v11;
	v28 =	vsub.f32 v29, v25;
	v18 =	vmul.f32 v24, v23;
	(pc) =	sbr.rel @!p1 .LBB2_48-.Ltmp44, $4  }
0x3df: {  	v35 =	vmin.f32 v29, v10;
	v23 =	vld.idx.msk [tilespmem:v17+s11+$0x0], $0xffff;
	v16 =	vmax.f32 v16, $0.0e+00;
	v13 =	vmax.f32 v13, $0.0e+00  }
0x3e0: {  	v33 =	vsub.f32 v15, v33;
	v24 =	vld.idx.msk [tilespmem:v17+s12+$0x0], $0xffff;
	v16 =	vmul.f32 v13, v16;
	v13 =	vadd.f32 v18, v8  }
0x3e1: {  	v29 =	vld.idx.msk [tilespmem:v17+s14+$0x0], $0xffff;
	v19 =	vsub.f32 v22, v20;
	v20 =	vsub.f32 v14, v21;
	v21 =	vmin.f32 v22, v10  }
0x3e2: {  	p0 =	por $0x0, $0x0;
	s24 =	simm.s32 $0xA120;
	s0 =	simm.s32 $0xA5E0;
	v37 =	vmin.f32 v15, v9;
	v30 =	vsub.f32 v21, v30;
	v36 =	vsub.f32 v13, v16  }
0x3e3: {  	v17 =	vld [tilespmem:s0+$0x10]  }
0x3e4: {  	v13 =	vsub.f32 v34, v26;
	v18 =	vsub.f32 v35, v31  }
0x3e5: {  	v21 =	vsub.f32 v37, v32;
	v14 =	vadd.f32 $9.999999710e-10, v36  }
0x3e6: {  	v15 =	vmax.f32 v23, v12;
	v23 =	vsub.f32 v27, v23;
	v22 =	vmax.f32 v24, v11  }
0x3e7: {  	v25 =	vld [tilespmem:s0+$0xFFFFFFE0];
	v13 =	vmax.f32 v13, $0.0e+00;
	v18 =	vmax.f32 v18, $0.0e+00;
	(erf) = vrcp.f32 v14  }
0x3e8: {  	v14 =	vmin.f32 v27, v10;
	v24 =	vsub.f32 v29, v24;
	v26 =	vmin.f32 v29, v9;
	v27 =	vld [tilespmem:s0+$0xFFFFFFF0]  }
0x3e9: {  	v14 =	vsub.f32 v14, v15;
	v15 =	vmul.f32 v20, v19;
	v19 =	vmul.f32 v33, v28;
	v28 =	vld [tilespmem:s0+$0x0]  }
0x3ea: {  	v20 =	vsub.f32 v26, v22;
	v22 =	vmax.f32 v30, $0.0e+00;
	v23 =	vmul.f32 v24, v23;
	v24 =	vld [tilespmem:s24+$0x10]  }
0x3eb: {  	v21 =	vmax.f32 v21, $0.0e+00;
	v13 =	vmul.f32 v13, v22;
	v22 =	vadd.f32 v15, v8;
	v29 =	vld.idx.msk [tilespmem:v17+s11+$0x0], $0xffff  }
0x3ec: {  	v26 =	vmax.f32 v14, $0.0e+00;
	v14 =	vmul.f32 v21, v18;
	v18 =	vadd.f32 v19, v8;
	v19 =	vld.idx.msk [tilespmem:v17+s12+$0x0], $0xffff  }
0x3ed: {  	v15 =	vmax.f32 v20, $0.0e+00;
	v20 =	vsub.f32 v22, v13;
	v22 =	vld.idx.msk [tilespmem:v17+s13+$0x0], $0xffff  }
0x3ee: {  	v15 =	vmul.f32 v15, v26;
	v21 =	vadd.f32 v23, v8;
	v17 =	vld.idx.msk [tilespmem:v17+s14+$0x0], $0xffff  }
0x3ef: {  	v18 =	vsub.f32 v18, v14;
	v26 =	vld.idx.msk [tilespmem:v25+s11+$0x0], $0xffff  }
0x3f0: {  	v30 =	vld.idx.msk [tilespmem:v25+s12+$0x0], $0xffff;
	v21 =	vsub.f32 v21, v15;
	v20 =	vadd.f32 $9.999999710e-10, v20  }
0x3f1: {  	v31 =	vld.idx.msk [tilespmem:v25+s13+$0x0], $0xffff;
	v18 =	vadd.f32 $9.999999710e-10, v18  }
0x3f2: {  	v21 =	vadd.f32 $9.999999710e-10, v21;
	v61 =	vld.idx.msk [tilespmem:v27+s11+$0x0], $0xffff;
	v23 =	vpop (erf);
	(erf) = vrcp.f32 v20  }
0x3f3: {  	v62 =	vld.idx.msk [tilespmem:v27+s12+$0x0], $0xffff;
	v16 =	vmul.f32 v23, v16;
	(erf) = vrcp.f32 v18;
	v20 =	vsub.f32 v17, v19  }
0x3f4: {  	v63 =	vld.idx.msk [tilespmem:v27+s13+$0x0], $0xffff;
	v19 =	vmax.f32 v19, v11;
	v17 =	vmin.f32 v17, v9;
	(erf) = vrcp.f32 v21  }
0x3f5: {  	v39 =	vld.idx.msk [tilespmem:v27+s14+$0x0], $0xffff;
	v21 =	vmax.f32 v29, v12;
	v17 =	vsub.f32 v17, v19  }
0x3f6: {  	v18 =	vld.idx.msk [tilespmem:v25+s14+$0x0], $0xffff;
	vm0 =	vgt.f32 v16, $4.499999880e-01;
	v16 =	vsub.f32 v22, v29;
	v22 =	vmin.f32 v22, v10  }
0x3f7: {  	v27 =	vld.idx.msk [tilespmem:v28+s13+$0x0], $0xffff;
	v38 =	vmax.f32 v26, v12;
	v19 =	vsub.f32 v31, v26;
	v21 =	vsub.f32 v22, v21  }
0x3f8: {  	p1 =	sgt.s32 s22, $0x80;
	v23 =	vld.idx.msk [tilespmem:v28+s11+$0x0], $0xffff;
	v26 =	vmax.f32 v30, v11;
	v25 =	vsel vm0, $0xCE6E6B28, v24;
	v22 =	vmul.f32 v20, v16  }
.Ltmp45:
0x3f9: {  	v29 =	vld.idx.msk [tilespmem:v28+s14+$0x0], $0xffff;
	v17 =	vmax.f32 v17, $0.0e+00;
	v32 =	vmax.f32 v62, v11;
	v16 =	vmax.f32 v21, $0.0e+00;
	(pc) =	sbr.rel @!p1 .LBB2_50-.Ltmp45, $4  }
0x3fa: {  	v24 =	vld.idx.msk [tilespmem:v28+s12+$0x0], $0xffff;
	v28 =	vsub.f32 v63, v61;
	v16 =	vmul.f32 v17, v16;
	v17 =	vadd.f32 v22, v8  }
0x3fb: {  	v35 =	vmin.f32 v63, v10;
	v33 =	vsub.f32 v39, v62;
	v20 =	vsub.f32 v18, v30;
	v21 =	vpop (erf)  }
0x3fc: {  	s28 =	simm.s32 $0x80;
	s29 =	simm.s32 $0xA620;
	v30 =	vmin.f32 v31, v10;
	v34 =	vmin.f32 v18, v9;
	v18 =	vld [tilespmem:s24+$0x0];
	v36 =	vsub.f32 v17, v16;
	v22 =	vpop (erf)  }
0x3fd: {  	p0 =	por $0x1, $0x1;
	s26 =	simm.s32 $0xA120;
	s25 =	simm.s32 $0xA120;
	v37 =	vmin.f32 v39, v9;
	[tilespmem:s24+$0x10] =	vst v25;
	v31 =	vmax.f32 v61, v12;
	v30 =	vsub.f32 v30, v38;
	v17 =	vld [tilespmem:s24+$0xFFFFFFF0];
	v25 =	vpop (erf)  }
.LBB2_51:
0x3fe: {  	v38 =	vld [tilespmem:s29+$0x10];
	v26 =	vsub.f32 v34, v26;
	v34 =	vmax.f32 v23, v12;
	v36 =	vadd.f32 $9.999999710e-10, v36  }
0x3ff: {  	v31 =	vsub.f32 v35, v31;
	v32 =	vsub.f32 v37, v32;
	v35 =	vmax.f32 v24, v11;
	v39 =	vld [tilespmem:s29+$0xFFFFFFE0]  }
0x400: {  	v23 =	vsub.f32 v27, v23;
	v27 =	vmin.f32 v27, v10;
	v37 =	vld [tilespmem:s29+$0xFFFFFFF0];
	(erf) = vrcp.f32 v36  }
0x401: {  	v24 =	vsub.f32 v29, v24;
	v29 =	vmin.f32 v29, v9;
	v27 =	vsub.f32 v27, v34;
	v36 =	vld [tilespmem:s29+$0x0]  }
0x402: {  	s28 =	sadd.s32 $0x40, s28;
	v19 =	vmul.f32 v20, v19;
	v20 =	vmul.f32 v33, v28;
	v28 =	vsub.f32 v29, v35;
	v29 =	vld [tilespmem:s26+$0xFFFFFFE0]  }
0x403: {  	v30 =	vmax.f32 v30, $0.0e+00;
	p1 =	slt.s32 s28, s22;
	v26 =	vmax.f32 v26, $0.0e+00;
	v23 =	vmul.f32 v24, v23  }
0x404: {  	v24 =	vmax.f32 v31, $0.0e+00;
	v31 =	vmax.f32 v32, $0.0e+00;
	v27 =	vmax.f32 v27, $0.0e+00;
	s26 =	sadd.s32 $0x40, s26  }
0x405: {  	v19 =	vadd.f32 v19, v8;
	v26 =	vmul.f32 v26, v30;
	v28 =	vmax.f32 v28, $0.0e+00;
	v30 =	vld [tilespmem:s26+$0x10]  }
0x406: {  	v20 =	vadd.f32 v20, v8;
	v24 =	vmul.f32 v31, v24;
	v27 =	vmul.f32 v28, v27;
	v32 =	vld.idx.msk [tilespmem:v38+s11+$0x0], $0xffff  }
0x407: {  	v0 =	vmul.f32 v21, v13;
	v23 =	vadd.f32 v23, v8;
	v19 =	vsub.f32 v19, v26;
	v28 =	vld.idx.msk [tilespmem:v38+s12+$0x0], $0xffff  }
0x408: {  	v2 =	vmul.f32 v22, v14;
	v4 =	vmul.f32 v25, v15;
	v20 =	vsub.f32 v20, v24;
	v21 =	vld.idx.msk [tilespmem:v38+s13+$0x0], $0xffff  }
0x409: {  	vm0 =	vgt.f32 v0, $4.499999880e-01;
	v23 =	vsub.f32 v23, v27;
	v19 =	vadd.f32 $9.999999710e-10, v19;
	v22 =	vld.idx.msk [tilespmem:v38+s14+$0x0], $0xffff;
	v25 =	vpop (erf)  }
0x40a: {  	vm1 =	vgt.f32 v2, $4.499999880e-01;
	v13 =	vmovc v26;
	v14 =	vmovc v24;
	v20 =	vadd.f32 $9.999999710e-10, v20;
	v31 =	vld.idx.msk [tilespmem:v39+s11+$0x0], $0xffff;
	v16 =	vmul.f32 v25, v16  }
0x40b: {  	vm2 =	vgt.f32 v4, $4.499999880e-01;
	v15 =	vmovc v27;
	v23 =	vadd.f32 $9.999999710e-10, v23;
	v24 =	vld.idx.msk [tilespmem:v39+s12+$0x0], $0xffff;
	(erf) = vrcp.f32 v19  }
0x40c: {  	v25 =	vld.idx.msk [tilespmem:v39+s13+$0x0], $0xffff;
	vm3 =	vgt.f32 v16, $4.499999880e-01;
	(erf) = vrcp.f32 v20;
	v16 =	vsel vm0, $0xCE6E6B28, v29  }
0x40d: {  	v29 =	vld.idx.msk [tilespmem:v39+s14+$0x0], $0xffff;
	v19 =	vsel vm3, $0xCE6E6B28, v30;
	(erf) = vrcp.f32 v23;
	[tilespmem:s25+$0xFFFFFFE0] =	vst v16;
	v16 =	vsel vm1, $0xCE6E6B28, v17  }
0x40e: {  	v18 =	vsel vm2, $0xCE6E6B28, v18;
	v17 =	vld.idx.msk [tilespmem:v37+s11+$0x0], $0xffff;
	[tilespmem:s26+$0x10] =	vst v19  }
0x40f: {  	v20 =	vsub.f32 v21, v32;
	v27 =	vsub.f32 v22, v28;
	v19 =	vmax.f32 v32, v12;
	v33 =	vld.idx.msk [tilespmem:v37+s12+$0x0], $0xffff  }
0x410: {  	v23 =	vmax.f32 v28, v11;
	v21 =	vmin.f32 v21, v10;
	v22 =	vmin.f32 v22, v9;
	v30 =	vld.idx.msk [tilespmem:v37+s13+$0x0], $0xffff  }
0x411: {  	v38 =	vmax.f32 v31, v12;
	v4 =	vsub.f32 v21, v19;
	v22 =	vsub.f32 v22, v23;
	v37 =	vld.idx.msk [tilespmem:v37+s14+$0x0], $0xffff  }
0x412: {  	v26 =	vmax.f32 v24, v11;
	v28 =	vmul.f32 v27, v20;
	v19 =	vsub.f32 v25, v31;
	v23 =	vld.idx.msk [tilespmem:v36+s11+$0x0], $0xffff  }
.Ltmp46:
0x413: {  	v0 =	vmax.f32 v4, $0.0e+00;
	v2 =	vmax.f32 v22, $0.0e+00;
	v20 =	vsub.f32 v29, v24;
	v24 =	vld.idx.msk [tilespmem:v36+s12+$0x0], $0xffff;
	[tilespmem:s25+$0xFFFFFFF0] =	vst v16;
	(pc) =	sbr.rel @p1 .LBB2_51-.Ltmp46, $4  }
0x414: {  	v39 =	vmin.f32 v25, v10;
	v16 =	vmul.f32 v2, v0;
	v0 =	vadd.f32 v28, v8;
	v27 =	vld.idx.msk [tilespmem:v36+s13+$0x0], $0xffff;
	v21 =	vpop (erf)  }
0x415: {  	v34 =	vmin.f32 v29, v9;
	v31 =	vmax.f32 v17, v12;
	v32 =	vmax.f32 v33, v11;
	v29 =	vld.idx.msk [tilespmem:v36+s14+$0x0], $0xffff;
	v22 =	vpop (erf)  }
0x416: {  	v28 =	vsub.f32 v30, v17;
	v35 =	vmin.f32 v30, v10;
	v36 =	vsub.f32 v0, v16;
	v17 =	vld [tilespmem:s26+$0xFFFFFFF0];
	v25 =	vpop (erf);
	[tilespmem:s25+$0x0] =	vst v18;
	s25 =	smov.u32 s26  }
0x417: {  	s29 =	sadd.s32 $0x40, s29;
	v30 =	vsub.f32 v39, v38;
	v33 =	vsub.f32 v37, v33;
	v37 =	vmin.f32 v37, v9;
	v18 =	vld [tilespmem:s26+$0x0]  }
.Ltmp47:
0x418: {  	_ = 	snop;
	(pc) =	sbr.rel .LBB2_52-.Ltmp47, $1  }
0x419: {  	_ =	sdelay $0x3  }
.LBB2_50:
.Ltmp48:
0x41a: {  	(pc) =	sbr.rel .LBB2_52-.Ltmp48, $2  }
0x41b: {  	_ =	sdelay $0x2  }
0x41c: {  	s26 =	simm.s32 $0xA120;
	s25 =	simm.s32 $0xA120  }
.LBB2_62:
.Ltmp49:
0x41d: {  	(pc) =	sbr.rel .LBB2_69-.Ltmp49, $2  }
0x41e: {  	_ =	sdelay $0x2  }
0x41f: {  	v45 =	vimm.f32 $-3.000000010e+38  }
.LBB2_64:
.Ltmp50:
0x420: {  	(pc) =	sbr.rel .LBB2_69-.Ltmp50, $3  }
0x421: {  	_ =	sdelay $0x1  }
0x422: {  	v49 =	vmovc v19;
	v51 =	vmov v15;
	v36 =	vmov v17;
	v34 =	vmov v23  }
0x423: {  	v45 =	vimm.f32 $-3.000000010e+38;
	v15 =	vmovc v22;
	s28 =	simm.s32 $0xA120;
	v19 =	vmovc v24;
	v17 =	vmov v20;
	s26 =	simm.s32 $0xA160;
	v23 =	vmov v21  }
.LBB2_66:
.Ltmp51:
0x424: {  	(pc) =	sbr.rel .LBB2_69-.Ltmp51, $4  }
0x425: {  	v52 =	vmov v17;
	v55 =	vmov v15  }
0x426: {  	v49 =	vmovc v24;
	v51 =	vmovc v22;
	v15 =	vmov v36;
	v19 =	vmov v37;
	v36 =	vmov v20  }
0x427: {  	v17 =	vmovc v34;
	v34 =	vmovc v21;
	v23 =	vmov v31;
	v58 =	vmov v5;
	v5 =	vmov v6  }
0x428: {  	v6 =	vmovc v13;
	v59 =	vmovc v14;
	v60 =	vimm.f32 $0.0e+00;
	v56 =	vimm.s32 $0x0;
	v57 =	vimm.f32 $-3.000000010e+38  }
.LBB2_55:
.Ltmp52:
0x429: {  	(pc) =	sbr.rel .LBB2_60-.Ltmp52, $2  }
0x42a: {  	_ =	sdelay $0x2  }
0x42b: {  	v26 =	vimm.f32 $-3.000000010e+38;
	s24 =	simm.s32 $0xA120;
	v34 =	vimm.s32 $0xFFFFFFFF;
	v27 =	vimm.s32 $0x0  }
.LBB2_57:
.Ltmp53:
0x42c: {  	(pc) =	sbr.rel .LBB2_60-.Ltmp53, $4  }
0x42d: {  	_ = 	snop  }
0x42e: {  	v40 =	vmov v12  }
0x42f: {  	v39 =	vmovc v13;
	v33 =	vmovc v11;
	v37 =	vmov v10;
	v26 =	vimm.f32 $-3.000000010e+38;
	v34 =	vimm.s32 $0xFFFFFFFF  }
0x430: {  	s24 =	simm.s32 $0xA120;
	v27 =	vimm.s32 $0x0;
	v12 =	vmovc v18;
	v13 =	vmovc v17;
	v10 =	vmov v21;
	v11 =	vmov v19  }
.LBB2_23:
.Ltmp54:
0x431: {  	_ = 	snop;
	(pc) =	sbr.rel .LBB2_45-.Ltmp54, $2  }
0x432: {  	_ =	sdelay $0x2  }
0x433: {  	v23 =	vimm.s32 $0xFFFFFFFF;
	s26 =	simm.s32 $0x50A0;
	v14 =	vmov v22  }
.LBB2_40:
.Ltmp55:
0x434: {  	_ = 	snop;
	(pc) =	sbr.rel .LBB2_45-.Ltmp55, $2  }
0x435: {  	_ =	sdelay $0x2  }
0x436: {  	v23 =	vimm.s32 $0xFFFFFFFF;
	s26 =	simm.s32 $0x50A0;
	v14 =	vmov v16  }
.LBB2_42:
.Ltmp56:
0x437: {  	_ = 	snop;
	(pc) =	sbr.rel .LBB2_45-.Ltmp56, $3  }
0x438: {  	_ =	sdelay $0x1  }
0x439: {  	v29 =	vmov v11;
	v28 =	vmov v10  }
0x43a: {  	v11 =	vmovc v22;
	v17 =	vmovc v21;
	v15 =	vmov v19;
	v22 =	vmov v16;
	v10 =	vmov v31  }
.LBB2_38:
0x43b: {  	_ =	sfence.sel $0x180000  }
0x43c: {  	[bflag:$0x0] =	sbarrier.arrive $0xFFFF  }
0x43d: {  	_ =	strace $0x90000047  }
0x43e: {  	[bflag:$0x2] =	sbarrier.arrive $0xFFFF  }
0x43f: {  	p0 =	sne.s32 s1, $0x0;
	s0 =	rddreg [dreg:$0x1]  }
0x440: {  	s0 =	sadd.s32 @!p0 $0x100000, s0  }
0x441: {  	[sflag:s0] =	ssyncadd.tile.s32 @!p0 $0x1;
	_ =	shalt  }
.Lfunc_end2:
_tile_overlayer_lowered:
.L_overlay_start_2:
0x442: {  	(tag) =	ssettag $0x2  }
0x443: {  	s0 =	rddreg [dreg:$0x0];
	s2 =	stileid.u32  }
0x444: {  	s1 =	rddreg [dreg:$0x1];
	p0 =	sne.s32 s2, $0x0  }
0x445: {  	s3 =	rddreg [dreg:$0x2];
	[bflag:$0x3] =	sbarrier.arrive $0xFFFF;
	s2 =	simm.s32 @!p0 $0x1C01  }
0x446: {  	[timem:s3], [sflag:s2] =	dma.local @!p0 [hbm:s0], s1  }
0x447: {  	s0 =	simm.s32 @!p0 $0x1  }
0x448: {  	_ =	swait.ge @!p0 [sflag:s0], s1  }
0x449: {  	s1 =	ssub.s32 @!p0 $0x0, s1;
	[sflag:s0] =	ssyncset.done @!p0 $0x0  }
0x44a: {  	[sflag:s0] =	ssyncadd.s32 @!p0 s1  }
0x44b: {  	[bflag:$0x3] =	sbarrier.arrive $0xFFFF  }
0x44c: {  	_ =	shalt  }

</sc_bundles>
